<compile_context>
chip_gen: v7x
topology: tpu7x:2x2x1
jax: 0.10.2.dev20260603
libtpu: 0.0.44.dev20260713+nightly
codegen_flags: <defaults>
</compile_context>

<pallas_src>
import functools

import jax
import jax.numpy as jnp
from jax import lax
from jax.experimental import pallas as pl
from jax.experimental.pallas import tpu as pltpu
from jax.experimental.pallas import tpu_sc as plsc

N_NODES_C = 10000
N_EDGES_C = 320000
D_C = 128
N_GRAPHS_C = 64
EPS_BN = 1e-5

NC = 2
NS = 16
NW = NC * NS
EDGES_PER_W = N_EDGES_C // NW
CHUNK = 80
CHUNKS_PER_W = EDGES_PER_W // CHUNK
NGROUPS = 5
GCHUNKS = CHUNKS_PER_W // NGROUPS
STRIPE_OFF = 624
STRIPE_LEN = 640
NBUF = 3


def _agg_body(h_hbm, src_hbm, dst_hbm, zeros_hbm, out_hbm,
              src_v, dst_v, rows_v, acc_sh, sem, ssem):
    c = lax.axis_index("c")
    s = lax.axis_index("s")
    wid = s * NC + c

    pltpu.sync_copy(zeros_hbm.at[pl.ds(s * STRIPE_OFF, STRIPE_LEN)],
                    acc_sh.at[pl.ds(s * STRIPE_OFF, STRIPE_LEN)])

    plsc.subcore_barrier()

    def group(g, carry):
        pltpu.sync_copy(src_hbm.at[wid, g], src_v)
        pltpu.sync_copy(dst_hbm.at[wid, g], dst_v)

        for k in range(NBUF):
            pltpu.async_copy(h_hbm.at[src_v.at[k]], rows_v.at[k], sem.at[k])

        def body(j, carry):
            b = lax.rem(j, NBUF)
            pltpu.make_async_copy(h_hbm.at[src_v.at[j]], rows_v.at[b],
                                  sem.at[b]).wait()
            pltpu.sync_copy(rows_v.at[b], acc_sh.at[dst_v.at[j]], add=True)

            @pl.when(j + NBUF < GCHUNKS)
            def _():
                pltpu.async_copy(h_hbm.at[src_v.at[j + NBUF]], rows_v.at[b],
                                 sem.at[b])

            return carry

        return lax.fori_loop(0, GCHUNKS, body, carry, unroll=False)

    lax.fori_loop(0, NGROUPS, group, 0, unroll=False)

    plsc.subcore_barrier()

    pltpu.sync_copy(acc_sh.at[pl.ds(s * STRIPE_OFF, STRIPE_LEN)],
                    out_hbm.at[c, pl.ds(s * STRIPE_OFF, STRIPE_LEN)])


@functools.lru_cache(maxsize=None)
def _make_agg_sc():
    return pl.kernel(
        _agg_body,
        out_type=jax.ShapeDtypeStruct((NC, N_NODES_C, D_C), jnp.float32),
        mesh=plsc.VectorSubcoreMesh(core_axis_name="c", subcore_axis_name="s"),
        scratch_types=[
            pltpu.VMEM((GCHUNKS, CHUNK), jnp.int32),
            pltpu.VMEM((GCHUNKS, CHUNK), jnp.int32),
            pltpu.VMEM((NBUF, CHUNK, D_C), jnp.float32),
            pltpu.VMEM_SHARED((N_NODES_C, D_C), jnp.float32),
            pltpu.SemaphoreType.DMA((NBUF,)),
            pltpu.SemaphoreType.DMA((NBUF,)),
        ],
    )


def _lin_in_body(x_ref, w_ref, b_ref, o_ref):
    o_ref[...] = jnp.dot(x_ref[...], w_ref[...],
                         preferred_element_type=jnp.float32) + b_ref[...]


_NBLK = N_NODES_C // 8
_HALF = _NBLK // 2
_UNROLL = 25


def _ref_colsum(read_block):
    def half(start):
        def body(o, acc):
            base = start + o * _UNROLL
            for k in range(_UNROLL):
                acc = acc + read_block(base + k)
            return acc

        acc = lax.fori_loop(0, _HALF // _UNROLL, body,
                            jnp.zeros((8, D_C), jnp.float32), unroll=False)
        t = acc[:4] + acc[4:]
        t = t[:2] + t[2:]
        return t[0:1] + t[1:2]

    return half(0) + half(_HALF)


def _layer_body(h_ref, agg_ref, w1_ref, b1_ref, w2_ref, b2_ref, g_ref, be_ref,
                o_ref, z_ref):
    z = h_ref[...] + agg_ref[0] + agg_ref[1]
    z = jnp.dot(z, w1_ref[...], preferred_element_type=jnp.float32) + b1_ref[...]
    z = jnp.maximum(z, 0.0)
    z = jnp.dot(z, w2_ref[...], preferred_element_type=jnp.float32) + b2_ref[...]
    z_ref[...] = z

    inv_n = jnp.float32(1.0 / N_NODES_C)
    mean = _ref_colsum(lambda i: z_ref[pl.ds(i * 8, 8), :]) * inv_n
    var = _ref_colsum(
        lambda i: (z_ref[pl.ds(i * 8, 8), :] - mean) ** 2) * inv_n
    z = (z_ref[...] - mean) / jnp.sqrt(var + EPS_BN) * g_ref[...] + be_ref[...]
    o_ref[...] = jnp.maximum(z, 0.0)


def _pool_body(h_ref, batch_ref, wm1_ref, bm1_ref, wm2_ref, bm2_ref, o_ref):
    gids = lax.broadcasted_iota(jnp.int32, (N_GRAPHS_C, N_NODES_C), 0)
    mask = (gids == batch_ref[...]).astype(jnp.float32)
    pooled = jnp.dot(mask, h_ref[...], preferred_element_type=jnp.float32)
    p = jnp.maximum(
        jnp.dot(pooled, wm1_ref[...], preferred_element_type=jnp.float32)
        + bm1_ref[...], 0.0)
    o_ref[...] = jnp.dot(p, wm2_ref[...],
                         preferred_element_type=jnp.float32) + bm2_ref[...]


def kernel(x, edge_index, batch, W_in, b_in, W1, b1, W2, b2, gamma, beta,
           Wm1, bm1, Wm2, bm2):
    n_layers = W1.shape[0]
    src = edge_index[0].astype(jnp.int32).reshape(NW, NGROUPS, GCHUNKS, CHUNK)
    dst = edge_index[1].astype(jnp.int32).reshape(NW, NGROUPS, GCHUNKS, CHUNK)
    batch_i = batch.astype(jnp.int32).reshape(1, N_NODES_C)
    zeros = jnp.zeros((N_NODES_C, D_C), jnp.float32)

    h = pl.pallas_call(
        _lin_in_body,
        out_shape=jax.ShapeDtypeStruct((N_NODES_C, D_C), jnp.float32),
    )(x, W_in, b_in.reshape(1, D_C))

    layer_tc = pl.pallas_call(
        _layer_body,
        out_shape=jax.ShapeDtypeStruct((N_NODES_C, D_C), jnp.float32),
        scratch_shapes=[pltpu.VMEM((N_NODES_C, D_C), jnp.float32)],
    )

    agg_sc = _make_agg_sc()
    for l in range(n_layers):
        agg = agg_sc(h, src, dst, zeros)
        h = layer_tc(h, agg, W1[l], b1[l].reshape(1, D_C), W2[l],
                     b2[l].reshape(1, D_C), gamma[l].reshape(1, D_C),
                     beta[l].reshape(1, D_C))

    out = pl.pallas_call(
        _pool_body,
        out_shape=jax.ShapeDtypeStruct((N_GRAPHS_C, 1), jnp.float32),
    )(h, batch_i, Wm1, bm1.reshape(1, D_C), Wm2, bm2.reshape(1, 1))
    return out

# --- scband reference (transcript-rebuilt; emitter-appended) ---
"""Pipeline reference for scband-ginnet-36137854829159 (READ-ONLY COPY).

The authoritative reference and input builder live on the scoring server;
editing this copy changes nothing except your own understanding.
"""

import jax, jax.numpy as jnp
import numpy as np

N_NODES = 10000
N_EDGES = 320000
D_FEAT = 128
HIDDEN = 128
N_LAYERS = 5
OUT_CH = 1
N_GRAPHS = 64


def setup_inputs(seed: int = 0) -> dict:
    key = jax.random.key(seed)
    ks = jax.random.split(key, 20)
    x = jax.random.normal(ks[0], (N_NODES, D_FEAT), dtype=jnp.float32)
    edge_index = jax.random.randint(ks[1], (2, N_EDGES), 0, N_NODES, dtype=jnp.int64)
    batch = jnp.sort(jax.random.randint(ks[2], (N_NODES,), 0, N_GRAPHS, dtype=jnp.int64))
    s = 0.05
    W_in = jax.random.normal(ks[3], (D_FEAT, HIDDEN), dtype=jnp.float32) * s
    b_in = jnp.zeros((HIDDEN,), dtype=jnp.float32)
    W1 = jax.random.normal(ks[4], (N_LAYERS, HIDDEN, HIDDEN), dtype=jnp.float32) * s
    b1 = jnp.zeros((N_LAYERS, HIDDEN), dtype=jnp.float32)
    W2 = jax.random.normal(ks[5], (N_LAYERS, HIDDEN, HIDDEN), dtype=jnp.float32) * s
    b2 = jnp.zeros((N_LAYERS, HIDDEN), dtype=jnp.float32)
    gamma = jnp.ones((N_LAYERS, HIDDEN), dtype=jnp.float32)
    beta = jnp.zeros((N_LAYERS, HIDDEN), dtype=jnp.float32)
    Wm1 = jax.random.normal(ks[6], (HIDDEN, HIDDEN), dtype=jnp.float32) * s
    bm1 = jnp.zeros((HIDDEN,), dtype=jnp.float32)
    Wm2 = jax.random.normal(ks[7], (HIDDEN, OUT_CH), dtype=jnp.float32) * s
    bm2 = jnp.zeros((OUT_CH,), dtype=jnp.float32)
    return {"x": x, "edge_index": edge_index, "batch": batch, "W_in": W_in, "b_in": b_in,
            "W1": W1, "b1": b1, "W2": W2, "b2": b2, "gamma": gamma, "beta": beta,
            "Wm1": Wm1, "bm1": bm1, "Wm2": Wm2, "bm2": bm2}


def reference(x, edge_index, batch, W_in, b_in, W1, b1, W2, b2, gamma, beta, Wm1, bm1, Wm2, bm2):
    # input_lin
    h = x @ W_in + b_in
    src = edge_index[0]
    dst = edge_index[1]
    eps_bn = 1e-5
    for l in range(N_LAYERS):
        # GINConv: h' = MLP((1+eps)*h + sum_{j in N(i)} h_j), eps=0 (default)
        agg = jax.ops.segment_sum(h[src], dst, num_segments=N_NODES)
        z = h + agg
        z = z @ W1[l] + b1[l]
        z = jax.nn.relu(z)
        z = z @ W2[l] + b2[l]
        # BatchNorm1d (batch statistics)
        mean = jnp.mean(z, axis=0)
        var = jnp.var(z, axis=0)
        z = (z - mean) / jnp.sqrt(var + eps_bn) * gamma[l] + beta[l]
        h = jax.nn.relu(z)
        # dropout is identity in inference
    # global_add_pool
    pooled = jax.ops.segment_sum(h, batch, num_segments=N_GRAPHS)
    out = jax.nn.relu(pooled @ Wm1 + bm1) @ Wm2 + bm2
    return out

if __name__ == "__main__":
    import jax
    _d = setup_inputs()
    print(jax.jit(kernel)(*tuple(_d.values())))

</pallas_src>

<mosaic_0001>
#map = affine_map<(d0, d1) -> (0, 0)>
#map1 = affine_map<(d0, d1) -> (0, 0, 0, 0)>
#map2 = affine_map<(d0, d1) -> (0, 0, 0)>
module attributes {stable_mosaic.version = 14 : i64} {
  func.func @_agg_body(%arg0: i32, %arg1: i32, %arg2: memref<10000x128xf32, #tpu.memory_space<hbm>>, %arg3: memref<32x5x25x80xi32, #tpu.memory_space<hbm>>, %arg4: memref<32x5x25x80xi32, #tpu.memory_space<hbm>>, %arg5: memref<10000x128xf32, #tpu.memory_space<hbm>>, %arg6: memref<2x10000x128xf32, #tpu.memory_space<hbm>>, %arg7: memref<25x80xi32, #tpu.memory_space<vmem>>, %arg8: memref<25x80xi32, #tpu.memory_space<vmem>>, %arg9: memref<3x80x128xf32, #tpu.memory_space<vmem>>, %arg10: memref<10000x128xf32, #tpu.memory_space<vmem_shared>>, %arg11: memref<3x!tpu.dma_semaphore, #tpu.memory_space<semaphore_mem>>, %arg12: memref<3x!tpu.dma_semaphore, #tpu.memory_space<semaphore_mem>>) attributes {dimension_semantics = [#tpu.dimension_semantics<core_parallel>, #tpu.dimension_semantics<subcore_parallel>], iteration_bounds = array<i64: 2, 16>, scalar_prefetch = 0 : i64, scratch_operands = 6 : i64, tpu.core_type = #tpu.core_type<sc_vector_subcore>, window_params = [{transform_indices = #map}, {transform_indices = #map1}, {transform_indices = #map1}, {transform_indices = #map}, {transform_indices = #map2}]} {
    %mul3A = arith.constant 2 : i32
    %mul3A_0 = arith.muli %arg1, %mul3A : i32
    %add3A = arith.addi %mul3A_0, %arg0 : i32
    %mul3A_1 = arith.constant 624 : i32
    %mul3A_2 = arith.muli %arg1, %mul3A_1 : i32
    %mul3A_3 = arith.constant 624 : i32
    %mul3A_4 = arith.muli %arg1, %mul3A_3 : i32
    "tpu.region"() ({
      %run_scoped3A = tpu.sem_alloc : memref<!tpu.dma_semaphore, #tpu.memory_space<semaphore_mem>>
      %dma_start3A = arith.constant 0 : i32
      %dma_start3A_15 = tpu.memref_slice %arg10[%mul3A_4, %dma_start3A] : memref<10000x128xf32, #tpu.memory_space<vmem_shared>> -> memref<640x128xf32, #tpu.memory_space<vmem_shared>>
      %dma_start3A_16 = arith.constant 0 : i32
      %dma_start3A_17 = tpu.memref_slice %arg5[%mul3A_2, %dma_start3A_16] : memref<10000x128xf32, #tpu.memory_space<hbm>> -> memref<640x128xf32, #tpu.memory_space<hbm>>
      tpu.enqueue_dma source(%dma_start3A_17 : memref<640x128xf32, #tpu.memory_space<hbm>>) target(%dma_start3A_15 : memref<640x128xf32, #tpu.memory_space<vmem_shared>>) target_semaphore(%run_scoped3A : memref<!tpu.dma_semaphore, #tpu.memory_space<semaphore_mem>>)
      %dma_wait3A = arith.constant 0 : i32
      %dma_wait3A_18 = tpu.memref_slice %arg10[%mul3A_4, %dma_wait3A] : memref<10000x128xf32, #tpu.memory_space<vmem_shared>> -> memref<640x128xf32, #tpu.memory_space<vmem_shared>>
      %dma_wait3A_19 = arith.constant 0 : i32
      %dma_wait3A_20 = tpu.memref_slice %arg5[%mul3A_2, %dma_wait3A_19] : memref<10000x128xf32, #tpu.memory_space<hbm>> -> memref<640x128xf32, #tpu.memory_space<hbm>>
      tpu.wait_dma2 semaphore(%run_scoped3A : memref<!tpu.dma_semaphore, #tpu.memory_space<semaphore_mem>>) src(%dma_wait3A_20 : memref<640x128xf32, #tpu.memory_space<hbm>>) dst(%dma_wait3A_18 : memref<640x128xf32, #tpu.memory_space<vmem_shared>>)
      tpu.yield
    }) : () -> ()
    %barrier3A = arith.constant 0 : index
    tpu.barrier barrier_id(%barrier3A)
    %scan3A = arith.constant 0 : i32
    %scan3A_5 = arith.constant 0 : i32
    %scan3A_6 = arith.constant 5 : i32
    %scan3A_7 = arith.addi %scan3A_5, %scan3A_6 : i32
    %scan3A_8 = arith.constant 1 : i32
    scf.for %scan3A_15 = %scan3A_5 to %scan3A_7 step %scan3A_8  : i32 {
      "tpu.region"() ({
        %run_scoped3A = tpu.sem_alloc : memref<!tpu.dma_semaphore, #tpu.memory_space<semaphore_mem>>
        %dma_start3A_65 = arith.constant 0 : i32
        %dma_start3A_66 = arith.constant 0 : i32
        %dma_start3A_67 = tpu.memref_slice %arg3[%add3A, %scan3A_15, %dma_start3A_65, %dma_start3A_66] : memref<32x5x25x80xi32, #tpu.memory_space<hbm>> -> memref<1x1x25x80xi32, #tpu.memory_space<hbm>>
        %dma_start3A_68 = tpu.memref_squeeze %dma_start3A_67 : memref<1x1x25x80xi32, #tpu.memory_space<hbm>> -> memref<25x80xi32, #tpu.memory_space<hbm>>
        %dma_start3A_69 = arith.constant 0 : i32
        %dma_start3A_70 = arith.constant 0 : i32
        %dma_start3A_71 = tpu.memref_slice %arg3[%add3A, %scan3A_15, %dma_start3A_69, %dma_start3A_70] : memref<32x5x25x80xi32, #tpu.memory_space<hbm>> -> memref<1x1x25x80xi32, #tpu.memory_space<hbm>>
        %dma_start3A_72 = tpu.memref_squeeze %dma_start3A_71 : memref<1x1x25x80xi32, #tpu.memory_space<hbm>> -> memref<25x80xi32, #tpu.memory_space<hbm>>
        tpu.enqueue_dma source(%dma_start3A_72 : memref<25x80xi32, #tpu.memory_space<hbm>>) target(%arg7 : memref<25x80xi32, #tpu.memory_space<vmem>>) target_semaphore(%run_scoped3A : memref<!tpu.dma_semaphore, #tpu.memory_space<semaphore_mem>>)
        %dma_wait3A = arith.constant 0 : i32
        %dma_wait3A_73 = arith.constant 0 : i32
        %dma_wait3A_74 = tpu.memref_slice %arg3[%add3A, %scan3A_15, %dma_wait3A, %dma_wait3A_73] : memref<32x5x25x80xi32, #tpu.memory_space<hbm>> -> memref<1x1x25x80xi32, #tpu.memory_space<hbm>>
        %dma_wait3A_75 = tpu.memref_squeeze %dma_wait3A_74 : memref<1x1x25x80xi32, #tpu.memory_space<hbm>> -> memref<25x80xi32, #tpu.memory_space<hbm>>
        %dma_wait3A_76 = arith.constant 0 : i32
        %dma_wait3A_77 = arith.constant 0 : i32
        %dma_wait3A_78 = tpu.memref_slice %arg3[%add3A, %scan3A_15, %dma_wait3A_76, %dma_wait3A_77] : memref<32x5x25x80xi32, #tpu.memory_space<hbm>> -> memref<1x1x25x80xi32, #tpu.memory_space<hbm>>
        %dma_wait3A_79 = tpu.memref_squeeze %dma_wait3A_78 : memref<1x1x25x80xi32, #tpu.memory_space<hbm>> -> memref<25x80xi32, #tpu.memory_space<hbm>>
        tpu.wait_dma2 semaphore(%run_scoped3A : memref<!tpu.dma_semaphore, #tpu.memory_space<semaphore_mem>>) src(%dma_wait3A_79 : memref<25x80xi32, #tpu.memory_space<hbm>>) dst(%arg7 : memref<25x80xi32, #tpu.memory_space<vmem>>)
        tpu.yield
      }) : () -> ()
      "tpu.region"() ({
        %run_scoped3A = tpu.sem_alloc : memref<!tpu.dma_semaphore, #tpu.memory_space<semaphore_mem>>
        %dma_start3A_65 = arith.constant 0 : i32
        %dma_start3A_66 = arith.constant 0 : i32
        %dma_start3A_67 = tpu.memref_slice %arg4[%add3A, %scan3A_15, %dma_start3A_65, %dma_start3A_66] : memref<32x5x25x80xi32, #tpu.memory_space<hbm>> -> memref<1x1x25x80xi32, #tpu.memory_space<hbm>>
        %dma_start3A_68 = tpu.memref_squeeze %dma_start3A_67 : memref<1x1x25x80xi32, #tpu.memory_space<hbm>> -> memref<25x80xi32, #tpu.memory_space<hbm>>
        %dma_start3A_69 = arith.constant 0 : i32
        %dma_start3A_70 = arith.constant 0 : i32
        %dma_start3A_71 = tpu.memref_slice %arg4[%add3A, %scan3A_15, %dma_start3A_69, %dma_start3A_70] : memref<32x5x25x80xi32, #tpu.memory_space<hbm>> -> memref<1x1x25x80xi32, #tpu.memory_space<hbm>>
        %dma_start3A_72 = tpu.memref_squeeze %dma_start3A_71 : memref<1x1x25x80xi32, #tpu.memory_space<hbm>> -> memref<25x80xi32, #tpu.memory_space<hbm>>
        tpu.enqueue_dma source(%dma_start3A_72 : memref<25x80xi32, #tpu.memory_space<hbm>>) target(%arg8 : memref<25x80xi32, #tpu.memory_space<vmem>>) target_semaphore(%run_scoped3A : memref<!tpu.dma_semaphore, #tpu.memory_space<semaphore_mem>>)
        %dma_wait3A = arith.constant 0 : i32
        %dma_wait3A_73 = arith.constant 0 : i32
        %dma_wait3A_74 = tpu.memref_slice %arg4[%add3A, %scan3A_15, %dma_wait3A, %dma_wait3A_73] : memref<32x5x25x80xi32, #tpu.memory_space<hbm>> -> memref<1x1x25x80xi32, #tpu.memory_space<hbm>>
        %dma_wait3A_75 = tpu.memref_squeeze %dma_wait3A_74 : memref<1x1x25x80xi32, #tpu.memory_space<hbm>> -> memref<25x80xi32, #tpu.memory_space<hbm>>
        %dma_wait3A_76 = arith.constant 0 : i32
        %dma_wait3A_77 = arith.constant 0 : i32
        %dma_wait3A_78 = tpu.memref_slice %arg4[%add3A, %scan3A_15, %dma_wait3A_76, %dma_wait3A_77] : memref<32x5x25x80xi32, #tpu.memory_space<hbm>> -> memref<1x1x25x80xi32, #tpu.memory_space<hbm>>
        %dma_wait3A_79 = tpu.memref_squeeze %dma_wait3A_78 : memref<1x1x25x80xi32, #tpu.memory_space<hbm>> -> memref<25x80xi32, #tpu.memory_space<hbm>>
        tpu.wait_dma2 semaphore(%run_scoped3A : memref<!tpu.dma_semaphore, #tpu.memory_space<semaphore_mem>>) src(%dma_wait3A_79 : memref<25x80xi32, #tpu.memory_space<hbm>>) dst(%arg8 : memref<25x80xi32, #tpu.memory_space<vmem>>)
        tpu.yield
      }) : () -> ()
      %dma_start3A = arith.constant 0 : i32
      %dma_start3A_16 = arith.constant 0 : i32
      %dma_start3A_17 = arith.constant 0 : i32
      %dma_start3A_18 = arith.constant 0 : i32
      %dma_start3A_19 = arith.constant 0 : i32
      %dma_start3A_20 = tpu.memref_slice %arg9[%dma_start3A_16, %dma_start3A_18, %dma_start3A_19] : memref<3x80x128xf32, #tpu.memory_space<vmem>> -> memref<1x80x128xf32, #tpu.memory_space<vmem>>
      %dma_start3A_21 = tpu.memref_squeeze %dma_start3A_20 : memref<1x80x128xf32, #tpu.memory_space<vmem>> -> memref<80x128xf32, #tpu.memory_space<vmem>>
      %dma_start3A_22 = arith.constant 0 : i32
      %dma_start3A_23 = tpu.memref_slice %arg7[%dma_start3A, %dma_start3A_22] : memref<25x80xi32, #tpu.memory_space<vmem>> -> memref<1x80xi32, #tpu.memory_space<vmem>>
      %dma_start3A_24 = tpu.memref_squeeze %dma_start3A_23 : memref<1x80xi32, #tpu.memory_space<vmem>> -> memref<80xi32, #tpu.memory_space<vmem>>
      %dma_start3A_25 = arith.constant 0 : i32
      %dma_start3A_26 = arith.constant 0 : i32
      %dma_start3A_27 = tpu.memref_slice %arg2[%dma_start3A_25, %dma_start3A_26] : memref<10000x128xf32, #tpu.memory_space<hbm>> -> memref<10000x128xf32, #tpu.memory_space<hbm>>
      %dma_start3A_28 = tpu.memref_slice %arg11[%dma_start3A_17] : memref<3x!tpu.dma_semaphore, #tpu.memory_space<semaphore_mem>> -> memref<1x!tpu.dma_semaphore, #tpu.memory_space<semaphore_mem>>
      %dma_start3A_29 = tpu.memref_squeeze %dma_start3A_28 : memref<1x!tpu.dma_semaphore, #tpu.memory_space<semaphore_mem>> -> memref<!tpu.dma_semaphore, #tpu.memory_space<semaphore_mem>>
      tpu.enqueue_indirect_dma source(%dma_start3A_27 : memref<10000x128xf32, #tpu.memory_space<hbm>>) target(%dma_start3A_21 : memref<80x128xf32, #tpu.memory_space<vmem>>) offsets(%dma_start3A_24 : memref<80xi32, #tpu.memory_space<vmem>>) semaphore(%dma_start3A_29 : memref<!tpu.dma_semaphore, #tpu.memory_space<semaphore_mem>>)
      %dma_start3A_30 = arith.constant 1 : i32
      %dma_start3A_31 = arith.constant 1 : i32
      %dma_start3A_32 = arith.constant 1 : i32
      %dma_start3A_33 = arith.constant 0 : i32
      %dma_start3A_34 = arith.constant 0 : i32
      %dma_start3A_35 = tpu.memref_slice %arg9[%dma_start3A_31, %dma_start3A_33, %dma_start3A_34] : memref<3x80x128xf32, #tpu.memory_space<vmem>> -> memref<1x80x128xf32, #tpu.memory_space<vmem>>
      %dma_start3A_36 = tpu.memref_squeeze %dma_start3A_35 : memref<1x80x128xf32, #tpu.memory_space<vmem>> -> memref<80x128xf32, #tpu.memory_space<vmem>>
      %dma_start3A_37 = arith.constant 0 : i32
      %dma_start3A_38 = tpu.memref_slice %arg7[%dma_start3A_30, %dma_start3A_37] : memref<25x80xi32, #tpu.memory_space<vmem>> -> memref<1x80xi32, #tpu.memory_space<vmem>>
      %dma_start3A_39 = tpu.memref_squeeze %dma_start3A_38 : memref<1x80xi32, #tpu.memory_space<vmem>> -> memref<80xi32, #tpu.memory_space<vmem>>
      %dma_start3A_40 = arith.constant 0 : i32
      %dma_start3A_41 = arith.constant 0 : i32
      %dma_start3A_42 = tpu.memref_slice %arg2[%dma_start3A_40, %dma_start3A_41] : memref<10000x128xf32, #tpu.memory_space<hbm>> -> memref<10000x128xf32, #tpu.memory_space<hbm>>
      %dma_start3A_43 = tpu.memref_slice %arg11[%dma_start3A_32] : memref<3x!tpu.dma_semaphore, #tpu.memory_space<semaphore_mem>> -> memref<1x!tpu.dma_semaphore, #tpu.memory_space<semaphore_mem>>
      %dma_start3A_44 = tpu.memref_squeeze %dma_start3A_43 : memref<1x!tpu.dma_semaphore, #tpu.memory_space<semaphore_mem>> -> memref<!tpu.dma_semaphore, #tpu.memory_space<semaphore_mem>>
      tpu.enqueue_indirect_dma source(%dma_start3A_42 : memref<10000x128xf32, #tpu.memory_space<hbm>>) target(%dma_start3A_36 : memref<80x128xf32, #tpu.memory_space<vmem>>) offsets(%dma_start3A_39 : memref<80xi32, #tpu.memory_space<vmem>>) semaphore(%dma_start3A_44 : memref<!tpu.dma_semaphore, #tpu.memory_space<semaphore_mem>>)
      %dma_start3A_45 = arith.constant 2 : i32
      %dma_start3A_46 = arith.constant 2 : i32
      %dma_start3A_47 = arith.constant 2 : i32
      %dma_start3A_48 = arith.constant 0 : i32
      %dma_start3A_49 = arith.constant 0 : i32
      %dma_start3A_50 = tpu.memref_slice %arg9[%dma_start3A_46, %dma_start3A_48, %dma_start3A_49] : memref<3x80x128xf32, #tpu.memory_space<vmem>> -> memref<1x80x128xf32, #tpu.memory_space<vmem>>
      %dma_start3A_51 = tpu.memref_squeeze %dma_start3A_50 : memref<1x80x128xf32, #tpu.memory_space<vmem>> -> memref<80x128xf32, #tpu.memory_space<vmem>>
      %dma_start3A_52 = arith.constant 0 : i32
      %dma_start3A_53 = tpu.memref_slice %arg7[%dma_start3A_45, %dma_start3A_52] : memref<25x80xi32, #tpu.memory_space<vmem>> -> memref<1x80xi32, #tpu.memory_space<vmem>>
      %dma_start3A_54 = tpu.memref_squeeze %dma_start3A_53 : memref<1x80xi32, #tpu.memory_space<vmem>> -> memref<80xi32, #tpu.memory_space<vmem>>
      %dma_start3A_55 = arith.constant 0 : i32
      %dma_start3A_56 = arith.constant 0 : i32
      %dma_start3A_57 = tpu.memref_slice %arg2[%dma_start3A_55, %dma_start3A_56] : memref<10000x128xf32, #tpu.memory_space<hbm>> -> memref<10000x128xf32, #tpu.memory_space<hbm>>
      %dma_start3A_58 = tpu.memref_slice %arg11[%dma_start3A_47] : memref<3x!tpu.dma_semaphore, #tpu.memory_space<semaphore_mem>> -> memref<1x!tpu.dma_semaphore, #tpu.memory_space<semaphore_mem>>
      %dma_start3A_59 = tpu.memref_squeeze %dma_start3A_58 : memref<1x!tpu.dma_semaphore, #tpu.memory_space<semaphore_mem>> -> memref<!tpu.dma_semaphore, #tpu.memory_space<semaphore_mem>>
      tpu.enqueue_indirect_dma source(%dma_start3A_57 : memref<10000x128xf32, #tpu.memory_space<hbm>>) target(%dma_start3A_51 : memref<80x128xf32, #tpu.memory_space<vmem>>) offsets(%dma_start3A_54 : memref<80xi32, #tpu.memory_space<vmem>>) semaphore(%dma_start3A_59 : memref<!tpu.dma_semaphore, #tpu.memory_space<semaphore_mem>>)
      %scan3A_60 = arith.constant 0 : i32
      %scan3A_61 = arith.constant 25 : i32
      %scan3A_62 = arith.addi %scan3A_60, %scan3A_61 : i32
      %scan3A_63 = arith.constant 1 : i32
      scf.for %scan3A_65 = %scan3A_60 to %scan3A_62 step %scan3A_63  : i32 {
        %rem3A = arith.constant 3 : i32
        %rem3A_66 = arith.remsi %scan3A_65, %rem3A : i32
        %dma_wait3A = arith.constant 0 : i32
        %dma_wait3A_67 = arith.constant 0 : i32
        %dma_wait3A_68 = tpu.memref_slice %arg9[%rem3A_66, %dma_wait3A, %dma_wait3A_67] : memref<3x80x128xf32, #tpu.memory_space<vmem>> -> memref<1x80x128xf32, #tpu.memory_space<vmem>>
        %dma_wait3A_69 = tpu.memref_squeeze %dma_wait3A_68 : memref<1x80x128xf32, #tpu.memory_space<vmem>> -> memref<80x128xf32, #tpu.memory_space<vmem>>
        %dma_wait3A_70 = arith.constant 0 : i32
        %dma_wait3A_71 = tpu.memref_slice %arg7[%scan3A_65, %dma_wait3A_70] : memref<25x80xi32, #tpu.memory_space<vmem>> -> memref<1x80xi32, #tpu.memory_space<vmem>>
        %dma_wait3A_72 = tpu.memref_squeeze %dma_wait3A_71 : memref<1x80xi32, #tpu.memory_space<vmem>> -> memref<80xi32, #tpu.memory_space<vmem>>
        %dma_wait3A_73 = arith.constant 0 : i32
        %dma_wait3A_74 = arith.constant 0 : i32
        %dma_wait3A_75 = tpu.memref_slice %arg2[%dma_wait3A_73, %dma_wait3A_74] : memref<10000x128xf32, #tpu.memory_space<hbm>> -> memref<10000x128xf32, #tpu.memory_space<hbm>>
        %dma_wait3A_76 = tpu.memref_slice %arg11[%rem3A_66] : memref<3x!tpu.dma_semaphore, #tpu.memory_space<semaphore_mem>> -> memref<1x!tpu.dma_semaphore, #tpu.memory_space<semaphore_mem>>
        %dma_wait3A_77 = tpu.memref_squeeze %dma_wait3A_76 : memref<1x!tpu.dma_semaphore, #tpu.memory_space<semaphore_mem>> -> memref<!tpu.dma_semaphore, #tpu.memory_space<semaphore_mem>>
        tpu.wait_indirect_dma semaphore(%dma_wait3A_77 : memref<!tpu.dma_semaphore, #tpu.memory_space<semaphore_mem>>) src(%dma_wait3A_75 : memref<10000x128xf32, #tpu.memory_space<hbm>>) dst(%dma_wait3A_69 : memref<80x128xf32, #tpu.memory_space<vmem>>)
        "tpu.region"() ({
          %run_scoped3A = tpu.sem_alloc : memref<!tpu.dma_semaphore, #tpu.memory_space<semaphore_mem>>
          %dma_start3A_82 = arith.constant 0 : i32
          %dma_start3A_83 = arith.constant 0 : i32
          %dma_start3A_84 = tpu.memref_slice %arg9[%rem3A_66, %dma_start3A_82, %dma_start3A_83] : memref<3x80x128xf32, #tpu.memory_space<vmem>> -> memref<1x80x128xf32, #tpu.memory_space<vmem>>
          %dma_start3A_85 = tpu.memref_squeeze %dma_start3A_84 : memref<1x80x128xf32, #tpu.memory_space<vmem>> -> memref<80x128xf32, #tpu.memory_space<vmem>>
          %dma_start3A_86 = arith.constant 0 : i32
          %dma_start3A_87 = tpu.memref_slice %arg8[%scan3A_65, %dma_start3A_86] : memref<25x80xi32, #tpu.memory_space<vmem>> -> memref<1x80xi32, #tpu.memory_space<vmem>>
          %dma_start3A_88 = tpu.memref_squeeze %dma_start3A_87 : memref<1x80xi32, #tpu.memory_space<vmem>> -> memref<80xi32, #tpu.memory_space<vmem>>
          %dma_start3A_89 = arith.constant 0 : i32
          %dma_start3A_90 = arith.constant 0 : i32
          %dma_start3A_91 = tpu.memref_slice %arg10[%dma_start3A_89, %dma_start3A_90] : memref<10000x128xf32, #tpu.memory_space<vmem_shared>> -> memref<10000x128xf32, #tpu.memory_space<vmem_shared>>
          tpu.enqueue_indirect_dma source(%dma_start3A_85 : memref<80x128xf32, #tpu.memory_space<vmem>>) target(%dma_start3A_91 : memref<10000x128xf32, #tpu.memory_space<vmem_shared>>) offsets(%dma_start3A_88 : memref<80xi32, #tpu.memory_space<vmem>>) semaphore(%run_scoped3A : memref<!tpu.dma_semaphore, #tpu.memory_space<semaphore_mem>>) {add = true}
          %dma_wait3A_92 = arith.constant 0 : i32
          %dma_wait3A_93 = arith.constant 0 : i32
          %dma_wait3A_94 = tpu.memref_slice %arg9[%rem3A_66, %dma_wait3A_92, %dma_wait3A_93] : memref<3x80x128xf32, #tpu.memory_space<vmem>> -> memref<1x80x128xf32, #tpu.memory_space<vmem>>
          %dma_wait3A_95 = tpu.memref_squeeze %dma_wait3A_94 : memref<1x80x128xf32, #tpu.memory_space<vmem>> -> memref<80x128xf32, #tpu.memory_space<vmem>>
          %dma_wait3A_96 = arith.constant 0 : i32
          %dma_wait3A_97 = tpu.memref_slice %arg8[%scan3A_65, %dma_wait3A_96] : memref<25x80xi32, #tpu.memory_space<vmem>> -> memref<1x80xi32, #tpu.memory_space<vmem>>
          %dma_wait3A_98 = tpu.memref_squeeze %dma_wait3A_97 : memref<1x80xi32, #tpu.memory_space<vmem>> -> memref<80xi32, #tpu.memory_space<vmem>>
          %dma_wait3A_99 = arith.constant 0 : i32
          %dma_wait3A_100 = arith.constant 0 : i32
          %dma_wait3A_101 = tpu.memref_slice %arg10[%dma_wait3A_99, %dma_wait3A_100] : memref<10000x128xf32, #tpu.memory_space<vmem_shared>> -> memref<10000x128xf32, #tpu.memory_space<vmem_shared>>
          tpu.wait_indirect_dma semaphore(%run_scoped3A : memref<!tpu.dma_semaphore, #tpu.memory_space<semaphore_mem>>) src(%dma_wait3A_95 : memref<80x128xf32, #tpu.memory_space<vmem>>) dst(%dma_wait3A_101 : memref<10000x128xf32, #tpu.memory_space<vmem_shared>>)
          tpu.yield
        }) : () -> ()
        %add3A_78 = arith.constant 3 : i32
        %add3A_79 = arith.addi %scan3A_65, %add3A_78 : i32
        %lt3A = arith.constant 25 : i32
        %lt3A_80 = arith.cmpi slt, %add3A_79, %lt3A : i32
        %convert_element_type3A = arith.extui %lt3A_80 : i1 to i32
        %cond3A = arith.constant 0 : i32
        %cond3A_81 = arith.cmpi ne, %convert_element_type3A, %cond3A : i32
        scf.if %cond3A_81 {
          %add3A_82 = arith.constant 3 : i32
          %add3A_83 = arith.addi %scan3A_65, %add3A_82 : i32
          %dma_start3A_84 = arith.constant 0 : i32
          %dma_start3A_85 = arith.constant 0 : i32
          %dma_start3A_86 = tpu.memref_slice %arg9[%rem3A_66, %dma_start3A_84, %dma_start3A_85] : memref<3x80x128xf32, #tpu.memory_space<vmem>> -> memref<1x80x128xf32, #tpu.memory_space<vmem>>
          %dma_start3A_87 = tpu.memref_squeeze %dma_start3A_86 : memref<1x80x128xf32, #tpu.memory_space<vmem>> -> memref<80x128xf32, #tpu.memory_space<vmem>>
          %dma_start3A_88 = arith.constant 0 : i32
          %dma_start3A_89 = tpu.memref_slice %arg7[%add3A_83, %dma_start3A_88] : memref<25x80xi32, #tpu.memory_space<vmem>> -> memref<1x80xi32, #tpu.memory_space<vmem>>
          %dma_start3A_90 = tpu.memref_squeeze %dma_start3A_89 : memref<1x80xi32, #tpu.memory_space<vmem>> -> memref<80xi32, #tpu.memory_space<vmem>>
          %dma_start3A_91 = arith.constant 0 : i32
          %dma_start3A_92 = arith.constant 0 : i32
          %dma_start3A_93 = tpu.memref_slice %arg2[%dma_start3A_91, %dma_start3A_92] : memref<10000x128xf32, #tpu.memory_space<hbm>> -> memref<10000x128xf32, #tpu.memory_space<hbm>>
          %dma_start3A_94 = tpu.memref_slice %arg11[%rem3A_66] : memref<3x!tpu.dma_semaphore, #tpu.memory_space<semaphore_mem>> -> memref<1x!tpu.dma_semaphore, #tpu.memory_space<semaphore_mem>>
          %dma_start3A_95 = tpu.memref_squeeze %dma_start3A_94 : memref<1x!tpu.dma_semaphore, #tpu.memory_space<semaphore_mem>> -> memref<!tpu.dma_semaphore, #tpu.memory_space<semaphore_mem>>
          tpu.enqueue_indirect_dma source(%dma_start3A_93 : memref<10000x128xf32, #tpu.memory_space<hbm>>) target(%dma_start3A_87 : memref<80x128xf32, #tpu.memory_space<vmem>>) offsets(%dma_start3A_90 : memref<80xi32, #tpu.memory_space<vmem>>) semaphore(%dma_start3A_95 : memref<!tpu.dma_semaphore, #tpu.memory_space<semaphore_mem>>)
        } else {
        }
      }
      %scan3A_64 = arith.constant 25 : i32
    }
    %scan3A_9 = arith.constant 5 : i32
    %barrier3A_10 = arith.constant 0 : index
    tpu.barrier barrier_id(%barrier3A_10)
    %mul3A_11 = arith.constant 624 : i32
    %mul3A_12 = arith.muli %arg1, %mul3A_11 : i32
    %mul3A_13 = arith.constant 624 : i32
    %mul3A_14 = arith.muli %arg1, %mul3A_13 : i32
    "tpu.region"() ({
      %run_scoped3A = tpu.sem_alloc : memref<!tpu.dma_semaphore, #tpu.memory_space<semaphore_mem>>
      %dma_start3A = arith.constant 0 : i32
      %dma_start3A_15 = tpu.memref_slice %arg6[%arg0, %mul3A_14, %dma_start3A] : memref<2x10000x128xf32, #tpu.memory_space<hbm>> -> memref<1x640x128xf32, #tpu.memory_space<hbm>>
      %dma_start3A_16 = tpu.memref_squeeze %dma_start3A_15 : memref<1x640x128xf32, #tpu.memory_space<hbm>> -> memref<640x128xf32, #tpu.memory_space<hbm>>
      %dma_start3A_17 = arith.constant 0 : i32
      %dma_start3A_18 = tpu.memref_slice %arg10[%mul3A_12, %dma_start3A_17] : memref<10000x128xf32, #tpu.memory_space<vmem_shared>> -> memref<640x128xf32, #tpu.memory_space<vmem_shared>>
      tpu.enqueue_dma source(%dma_start3A_18 : memref<640x128xf32, #tpu.memory_space<vmem_shared>>) target(%dma_start3A_16 : memref<640x128xf32, #tpu.memory_space<hbm>>) target_semaphore(%run_scoped3A : memref<!tpu.dma_semaphore, #tpu.memory_space<semaphore_mem>>)
      %dma_wait3A = arith.constant 0 : i32
      %dma_wait3A_19 = tpu.memref_slice %arg6[%arg0, %mul3A_14, %dma_wait3A] : memref<2x10000x128xf32, #tpu.memory_space<hbm>> -> memref<1x640x128xf32, #tpu.memory_space<hbm>>
      %dma_wait3A_20 = tpu.memref_squeeze %dma_wait3A_19 : memref<1x640x128xf32, #tpu.memory_space<hbm>> -> memref<640x128xf32, #tpu.memory_space<hbm>>
      %dma_wait3A_21 = arith.constant 0 : i32
      %dma_wait3A_22 = tpu.memref_slice %arg10[%mul3A_12, %dma_wait3A_21] : memref<10000x128xf32, #tpu.memory_space<vmem_shared>> -> memref<640x128xf32, #tpu.memory_space<vmem_shared>>
      tpu.wait_dma2 semaphore(%run_scoped3A : memref<!tpu.dma_semaphore, #tpu.memory_space<semaphore_mem>>) src(%dma_wait3A_22 : memref<640x128xf32, #tpu.memory_space<vmem_shared>>) dst(%dma_wait3A_20 : memref<640x128xf32, #tpu.memory_space<hbm>>)
      tpu.yield
    }) : () -> ()
    return
  }
}

#map = affine_map<(d0, d1) -> (0, 0)>
#map1 = affine_map<(d0, d1) -> (0, 0, 0, 0)>
#map2 = affine_map<(d0, d1) -> (0, 0, 0)>
module attributes {stable_mosaic.version = 14 : i64} {
  func.func @_agg_body(%arg0: i32, %arg1: i32, %arg2: memref<10000x128xf32, #tpu.memory_space<hbm>>, %arg3: memref<32x5x25x80xi32, #tpu.memory_space<hbm>>, %arg4: memref<32x5x25x80xi32, #tpu.memory_space<hbm>>, %arg5: memref<10000x128xf32, #tpu.memory_space<hbm>>, %arg6: memref<2x10000x128xf32, #tpu.memory_space<hbm>>, %arg7: memref<25x80xi32, #tpu.memory_space<vmem>>, %arg8: memref<25x80xi32, #tpu.memory_space<vmem>>, %arg9: memref<3x80x128xf32, #tpu.memory_space<vmem>>, %arg10: memref<10000x128xf32, #tpu.memory_space<vmem_shared>>, %arg11: memref<3x!tpu.dma_semaphore, #tpu.memory_space<semaphore_mem>>, %arg12: memref<3x!tpu.dma_semaphore, #tpu.memory_space<semaphore_mem>>) attributes {dimension_semantics = [#tpu.dimension_semantics<core_parallel>, #tpu.dimension_semantics<subcore_parallel>], iteration_bounds = array<i64: 2, 16>, scalar_prefetch = 0 : i64, scratch_operands = 6 : i64, tpu.core_type = #tpu.core_type<sc_vector_subcore>, window_params = [{transform_indices = #map}, {transform_indices = #map1}, {transform_indices = #map1}, {transform_indices = #map}, {transform_indices = #map2}]} {
    %mul3A = arith.constant 2 : i32
    %mul3A_0 = arith.muli %arg1, %mul3A : i32
    %add3A = arith.addi %mul3A_0, %arg0 : i32
    %mul3A_1 = arith.constant 624 : i32
    %mul3A_2 = arith.muli %arg1, %mul3A_1 : i32
    %mul3A_3 = arith.constant 624 : i32
    %mul3A_4 = arith.muli %arg1, %mul3A_3 : i32
    "tpu.region"() ({
      %run_scoped3A = tpu.sem_alloc : memref<!tpu.dma_semaphore, #tpu.memory_space<semaphore_mem>>
      %dma_start3A = arith.constant 0 : i32
      %dma_start3A_15 = tpu.memref_slice %arg10[%mul3A_4, %dma_start3A] : memref<10000x128xf32, #tpu.memory_space<vmem_shared>> -> memref<640x128xf32, #tpu.memory_space<vmem_shared>>
      %dma_start3A_16 = arith.constant 0 : i32
      %dma_start3A_17 = tpu.memref_slice %arg5[%mul3A_2, %dma_start3A_16] : memref<10000x128xf32, #tpu.memory_space<hbm>> -> memref<640x128xf32, #tpu.memory_space<hbm>>
      tpu.enqueue_dma source(%dma_start3A_17 : memref<640x128xf32, #tpu.memory_space<hbm>>) target(%dma_start3A_15 : memref<640x128xf32, #tpu.memory_space<vmem_shared>>) target_semaphore(%run_scoped3A : memref<!tpu.dma_semaphore, #tpu.memory_space<semaphore_mem>>)
      %dma_wait3A = arith.constant 0 : i32
      %dma_wait3A_18 = tpu.memref_slice %arg10[%mul3A_4, %dma_wait3A] : memref<10000x128xf32, #tpu.memory_space<vmem_shared>> -> memref<640x128xf32, #tpu.memory_space<vmem_shared>>
      %dma_wait3A_19 = arith.constant 0 : i32
      %dma_wait3A_20 = tpu.memref_slice %arg5[%mul3A_2, %dma_wait3A_19] : memref<10000x128xf32, #tpu.memory_space<hbm>> -> memref<640x128xf32, #tpu.memory_space<hbm>>
      tpu.wait_dma2 semaphore(%run_scoped3A : memref<!tpu.dma_semaphore, #tpu.memory_space<semaphore_mem>>) src(%dma_wait3A_20 : memref<640x128xf32, #tpu.memory_space<hbm>>) dst(%dma_wait3A_18 : memref<640x128xf32, #tpu.memory_space<vmem_shared>>)
      tpu.yield
    }) : () -> ()
    %barrier3A = arith.constant 0 : index
    tpu.barrier barrier_id(%barrier3A)
    %scan3A = arith.constant 0 : i32
    %scan3A_5 = arith.constant 0 : i32
    %scan3A_6 = arith.constant 5 : i32
    %scan3A_7 = arith.addi %scan3A_5, %scan3A_6 : i32
    %scan3A_8 = arith.constant 1 : i32
    scf.for %scan3A_15 = %scan3A_5 to %scan3A_7 step %scan3A_8  : i32 {
      "tpu.region"() ({
        %run_scoped3A = tpu.sem_alloc : memref<!tpu.dma_semaphore, #tpu.memory_space<semaphore_mem>>
        %dma_start3A_65 = arith.constant 0 : i32
        %dma_start3A_66 = arith.constant 0 : i32
        %dma_start3A_67 = tpu.memref_slice %arg3[%add3A, %scan3A_15, %dma_start3A_65, %dma_start3A_66] : memref<32x5x25x80xi32, #tpu.memory_space<hbm>> -> memref<1x1x25x80xi32, #tpu.memory_space<hbm>>
        %dma_start3A_68 = tpu.memref_squeeze %dma_start3A_67 : memref<1x1x25x80xi32, #tpu.memory_space<hbm>> -> memref<25x80xi32, #tpu.memory_space<hbm>>
        %dma_start3A_69 = arith.constant 0 : i32
        %dma_start3A_70 = arith.constant 0 : i32
        %dma_start3A_71 = tpu.memref_slice %arg3[%add3A, %scan3A_15, %dma_start3A_69, %dma_start3A_70] : memref<32x5x25x80xi32, #tpu.memory_space<hbm>> -> memref<1x1x25x80xi32, #tpu.memory_space<hbm>>
        %dma_start3A_72 = tpu.memref_squeeze %dma_start3A_71 : memref<1x1x25x80xi32, #tpu.memory_space<hbm>> -> memref<25x80xi32, #tpu.memory_space<hbm>>
        tpu.enqueue_dma source(%dma_start3A_72 : memref<25x80xi32, #tpu.memory_space<hbm>>) target(%arg7 : memref<25x80xi32, #tpu.memory_space<vmem>>) target_semaphore(%run_scoped3A : memref<!tpu.dma_semaphore, #tpu.memory_space<semaphore_mem>>)
        %dma_wait3A = arith.constant 0 : i32
        %dma_wait3A_73 = arith.constant 0 : i32
        %dma_wait3A_74 = tpu.memref_slice %arg3[%add3A, %scan3A_15, %dma_wait3A, %dma_wait3A_73] : memref<32x5x25x80xi32, #tpu.memory_space<hbm>> -> memref<1x1x25x80xi32, #tpu.memory_space<hbm>>
        %dma_wait3A_75 = tpu.memref_squeeze %dma_wait3A_74 : memref<1x1x25x80xi32, #tpu.memory_space<hbm>> -> memref<25x80xi32, #tpu.memory_space<hbm>>
        %dma_wait3A_76 = arith.constant 0 : i32
        %dma_wait3A_77 = arith.constant 0 : i32
        %dma_wait3A_78 = tpu.memref_slice %arg3[%add3A, %scan3A_15, %dma_wait3A_76, %dma_wait3A_77] : memref<32x5x25x80xi32, #tpu.memory_space<hbm>> -> memref<1x1x25x80xi32, #tpu.memory_space<hbm>>
        %dma_wait3A_79 = tpu.memref_squeeze %dma_wait3A_78 : memref<1x1x25x80xi32, #tpu.memory_space<hbm>> -> memref<25x80xi32, #tpu.memory_space<hbm>>
        tpu.wait_dma2 semaphore(%run_scoped3A : memref<!tpu.dma_semaphore, #tpu.memory_space<semaphore_mem>>) src(%dma_wait3A_79 : memref<25x80xi32, #tpu.memory_space<hbm>>) dst(%arg7 : memref<25x80xi32, #tpu.memory_space<vmem>>)
        tpu.yield
      }) : () -> ()
      "tpu.region"() ({
        %run_scoped3A = tpu.sem_alloc : memref<!tpu.dma_semaphore, #tpu.memory_space<semaphore_mem>>
        %dma_start3A_65 = arith.constant 0 : i32
        %dma_start3A_66 = arith.constant 0 : i32
        %dma_start3A_67 = tpu.memref_slice %arg4[%add3A, %scan3A_15, %dma_start3A_65, %dma_start3A_66] : memref<32x5x25x80xi32, #tpu.memory_space<hbm>> -> memref<1x1x25x80xi32, #tpu.memory_space<hbm>>
        %dma_start3A_68 = tpu.memref_squeeze %dma_start3A_67 : memref<1x1x25x80xi32, #tpu.memory_space<hbm>> -> memref<25x80xi32, #tpu.memory_space<hbm>>
        %dma_start3A_69 = arith.constant 0 : i32
        %dma_start3A_70 = arith.constant 0 : i32
        %dma_start3A_71 = tpu.memref_slice %arg4[%add3A, %scan3A_15, %dma_start3A_69, %dma_start3A_70] : memref<32x5x25x80xi32, #tpu.memory_space<hbm>> -> memref<1x1x25x80xi32, #tpu.memory_space<hbm>>
        %dma_start3A_72 = tpu.memref_squeeze %dma_start3A_71 : memref<1x1x25x80xi32, #tpu.memory_space<hbm>> -> memref<25x80xi32, #tpu.memory_space<hbm>>
        tpu.enqueue_dma source(%dma_start3A_72 : memref<25x80xi32, #tpu.memory_space<hbm>>) target(%arg8 : memref<25x80xi32, #tpu.memory_space<vmem>>) target_semaphore(%run_scoped3A : memref<!tpu.dma_semaphore, #tpu.memory_space<semaphore_mem>>)
        %dma_wait3A = arith.constant 0 : i32
        %dma_wait3A_73 = arith.constant 0 : i32
        %dma_wait3A_74 = tpu.memref_slice %arg4[%add3A, %scan3A_15, %dma_wait3A, %dma_wait3A_73] : memref<32x5x25x80xi32, #tpu.memory_space<hbm>> -> memref<1x1x25x80xi32, #tpu.memory_space<hbm>>
        %dma_wait3A_75 = tpu.memref_squeeze %dma_wait3A_74 : memref<1x1x25x80xi32, #tpu.memory_space<hbm>> -> memref<25x80xi32, #tpu.memory_space<hbm>>
        %dma_wait3A_76 = arith.constant 0 : i32
        %dma_wait3A_77 = arith.constant 0 : i32
        %dma_wait3A_78 = tpu.memref_slice %arg4[%add3A, %scan3A_15, %dma_wait3A_76, %dma_wait3A_77] : memref<32x5x25x80xi32, #tpu.memory_space<hbm>> -> memref<1x1x25x80xi32, #tpu.memory_space<hbm>>
        %dma_wait3A_79 = tpu.memref_squeeze %dma_wait3A_78 : memref<1x1x25x80xi32, #tpu.memory_space<hbm>> -> memref<25x80xi32, #tpu.memory_space<hbm>>
        tpu.wait_dma2 semaphore(%run_scoped3A : memref<!tpu.dma_semaphore, #tpu.memory_space<semaphore_mem>>) src(%dma_wait3A_79 : memref<25x80xi32, #tpu.memory_space<hbm>>) dst(%arg8 : memref<25x80xi32, #tpu.memory_space<vmem>>)
        tpu.yield
      }) : () -> ()
      %dma_start3A = arith.constant 0 : i32
      %dma_start3A_16 = arith.constant 0 : i32
      %dma_start3A_17 = arith.constant 0 : i32
      %dma_start3A_18 = arith.constant 0 : i32
      %dma_start3A_19 = arith.constant 0 : i32
      %dma_start3A_20 = tpu.memref_slice %arg9[%dma_start3A_16, %dma_start3A_18, %dma_start3A_19] : memref<3x80x128xf32, #tpu.memory_space<vmem>> -> memref<1x80x128xf32, #tpu.memory_space<vmem>>
      %dma_start3A_21 = tpu.memref_squeeze %dma_start3A_20 : memref<1x80x128xf32, #tpu.memory_space<vmem>> -> memref<80x128xf32, #tpu.memory_space<vmem>>
      %dma_start3A_22 = arith.constant 0 : i32
      %dma_start3A_23 = tpu.memref_slice %arg7[%dma_start3A, %dma_start3A_22] : memref<25x80xi32, #tpu.memory_space<vmem>> -> memref<1x80xi32, #tpu.memory_space<vmem>>
      %dma_start3A_24 = tpu.memref_squeeze %dma_start3A_23 : memref<1x80xi32, #tpu.memory_space<vmem>> -> memref<80xi32, #tpu.memory_space<vmem>>
      %dma_start3A_25 = arith.constant 0 : i32
      %dma_start3A_26 = arith.constant 0 : i32
      %dma_start3A_27 = tpu.memref_slice %arg2[%dma_start3A_25, %dma_start3A_26] : memref<10000x128xf32, #tpu.memory_space<hbm>> -> memref<10000x128xf32, #tpu.memory_space<hbm>>
      %dma_start3A_28 = tpu.memref_slice %arg11[%dma_start3A_17] : memref<3x!tpu.dma_semaphore, #tpu.memory_space<semaphore_mem>> -> memref<1x!tpu.dma_semaphore, #tpu.memory_space<semaphore_mem>>
      %dma_start3A_29 = tpu.memref_squeeze %dma_start3A_28 : memref<1x!tpu.dma_semaphore, #tpu.memory_space<semaphore_mem>> -> memref<!tpu.dma_semaphore, #tpu.memory_space<semaphore_mem>>
      tpu.enqueue_indirect_dma source(%dma_start3A_27 : memref<10000x128xf32, #tpu.memory_space<hbm>>) target(%dma_start3A_21 : memref<80x128xf32, #tpu.memory_space<vmem>>) offsets(%dma_start3A_24 : memref<80xi32, #tpu.memory_space<vmem>>) semaphore(%dma_start3A_29 : memref<!tpu.dma_semaphore, #tpu.memory_space<semaphore_mem>>)
      %dma_start3A_30 = arith.constant 1 : i32
      %dma_start3A_31 = arith.constant 1 : i32
      %dma_start3A_32 = arith.constant 1 : i32
      %dma_start3A_33 = arith.constant 0 : i32
      %dma_start3A_34 = arith.constant 0 : i32
      %dma_start3A_35 = tpu.memref_slice %arg9[%dma_start3A_31, %dma_start3A_33, %dma_start3A_34] : memref<3x80x128xf32, #tpu.memory_space<vmem>> -> memref<1x80x128xf32, #tpu.memory_space<vmem>>
      %dma_start3A_36 = tpu.memref_squeeze %dma_start3A_35 : memref<1x80x128xf32, #tpu.memory_space<vmem>> -> memref<80x128xf32, #tpu.memory_space<vmem>>
      %dma_start3A_37 = arith.constant 0 : i32
      %dma_start3A_38 = tpu.memref_slice %arg7[%dma_start3A_30, %dma_start3A_37] : memref<25x80xi32, #tpu.memory_space<vmem>> -> memref<1x80xi32, #tpu.memory_space<vmem>>
      %dma_start3A_39 = tpu.memref_squeeze %dma_start3A_38 : memref<1x80xi32, #tpu.memory_space<vmem>> -> memref<80xi32, #tpu.memory_space<vmem>>
      %dma_start3A_40 = arith.constant 0 : i32
      %dma_start3A_41 = arith.constant 0 : i32
      %dma_start3A_42 = tpu.memref_slice %arg2[%dma_start3A_40, %dma_start3A_41] : memref<10000x128xf32, #tpu.memory_space<hbm>> -> memref<10000x128xf32, #tpu.memory_space<hbm>>
      %dma_start3A_43 = tpu.memref_slice %arg11[%dma_start3A_32] : memref<3x!tpu.dma_semaphore, #tpu.memory_space<semaphore_mem>> -> memref<1x!tpu.dma_semaphore, #tpu.memory_space<semaphore_mem>>
      %dma_start3A_44 = tpu.memref_squeeze %dma_start3A_43 : memref<1x!tpu.dma_semaphore, #tpu.memory_space<semaphore_mem>> -> memref<!tpu.dma_semaphore, #tpu.memory_space<semaphore_mem>>
      tpu.enqueue_indirect_dma source(%dma_start3A_42 : memref<10000x128xf32, #tpu.memory_space<hbm>>) target(%dma_start3A_36 : memref<80x128xf32, #tpu.memory_space<vmem>>) offsets(%dma_start3A_39 : memref<80xi32, #tpu.memory_space<vmem>>) semaphore(%dma_start3A_44 : memref<!tpu.dma_semaphore, #tpu.memory_space<semaphore_mem>>)
      %dma_start3A_45 = arith.constant 2 : i32
      %dma_start3A_46 = arith.constant 2 : i32
      %dma_start3A_47 = arith.constant 2 : i32
      %dma_start3A_48 = arith.constant 0 : i32
      %dma_start3A_49 = arith.constant 0 : i32
      %dma_start3A_50 = tpu.memref_slice %arg9[%dma_start3A_46, %dma_start3A_48, %dma_start3A_49] : memref<3x80x128xf32, #tpu.memory_space<vmem>> -> memref<1x80x128xf32, #tpu.memory_space<vmem>>
      %dma_start3A_51 = tpu.memref_squeeze %dma_start3A_50 : memref<1x80x128xf32, #tpu.memory_space<vmem>> -> memref<80x128xf32, #tpu.memory_space<vmem>>
      %dma_start3A_52 = arith.constant 0 : i32
      %dma_start3A_53 = tpu.memref_slice %arg7[%dma_start3A_45, %dma_start3A_52] : memref<25x80xi32, #tpu.memory_space<vmem>> -> memref<1x80xi32, #tpu.memory_space<vmem>>
      %dma_start3A_54 = tpu.memref_squeeze %dma_start3A_53 : memref<1x80xi32, #tpu.memory_space<vmem>> -> memref<80xi32, #tpu.memory_space<vmem>>
      %dma_start3A_55 = arith.constant 0 : i32
      %dma_start3A_56 = arith.constant 0 : i32
      %dma_start3A_57 = tpu.memref_slice %arg2[%dma_start3A_55, %dma_start3A_56] : memref<10000x128xf32, #tpu.memory_space<hbm>> -> memref<10000x128xf32, #tpu.memory_space<hbm>>
      %dma_start3A_58 = tpu.memref_slice %arg11[%dma_start3A_47] : memref<3x!tpu.dma_semaphore, #tpu.memory_space<semaphore_mem>> -> memref<1x!tpu.dma_semaphore, #tpu.memory_space<semaphore_mem>>
      %dma_start3A_59 = tpu.memref_squeeze %dma_start3A_58 : memref<1x!tpu.dma_semaphore, #tpu.memory_space<semaphore_mem>> -> memref<!tpu.dma_semaphore, #tpu.memory_space<semaphore_mem>>
      tpu.enqueue_indirect_dma source(%dma_start3A_57 : memref<10000x128xf32, #tpu.memory_space<hbm>>) target(%dma_start3A_51 : memref<80x128xf32, #tpu.memory_space<vmem>>) offsets(%dma_start3A_54 : memref<80xi32, #tpu.memory_space<vmem>>) semaphore(%dma_start3A_59 : memref<!tpu.dma_semaphore, #tpu.memory_space<semaphore_mem>>)
      %scan3A_60 = arith.constant 0 : i32
      %scan3A_61 = arith.constant 25 : i32
      %scan3A_62 = arith.addi %scan3A_60, %scan3A_61 : i32
      %scan3A_63 = arith.constant 1 : i32
      scf.for %scan3A_65 = %scan3A_60 to %scan3A_62 step %scan3A_63  : i32 {
        %rem3A = arith.constant 3 : i32
        %rem3A_66 = arith.remsi %scan3A_65, %rem3A : i32
        %dma_wait3A = arith.constant 0 : i32
        %dma_wait3A_67 = arith.constant 0 : i32
        %dma_wait3A_68 = tpu.memref_slice %arg9[%rem3A_66, %dma_wait3A, %dma_wait3A_67] : memref<3x80x128xf32, #tpu.memory_space<vmem>> -> memref<1x80x128xf32, #tpu.memory_space<vmem>>
        %dma_wait3A_69 = tpu.memref_squeeze %dma_wait3A_68 : memref<1x80x128xf32, #tpu.memory_space<vmem>> -> memref<80x128xf32, #tpu.memory_space<vmem>>
        %dma_wait3A_70 = arith.constant 0 : i32
        %dma_wait3A_71 = tpu.memref_slice %arg7[%scan3A_65, %dma_wait3A_70] : memref<25x80xi32, #tpu.memory_space<vmem>> -> memref<1x80xi32, #tpu.memory_space<vmem>>
        %dma_wait3A_72 = tpu.memref_squeeze %dma_wait3A_71 : memref<1x80xi32, #tpu.memory_space<vmem>> -> memref<80xi32, #tpu.memory_space<vmem>>
        %dma_wait3A_73 = arith.constant 0 : i32
        %dma_wait3A_74 = arith.constant 0 : i32
        %dma_wait3A_75 = tpu.memref_slice %arg2[%dma_wait3A_73, %dma_wait3A_74] : memref<10000x128xf32, #tpu.memory_space<hbm>> -> memref<10000x128xf32, #tpu.memory_space<hbm>>
        %dma_wait3A_76 = tpu.memref_slice %arg11[%rem3A_66] : memref<3x!tpu.dma_semaphore, #tpu.memory_space<semaphore_mem>> -> memref<1x!tpu.dma_semaphore, #tpu.memory_space<semaphore_mem>>
        %dma_wait3A_77 = tpu.memref_squeeze %dma_wait3A_76 : memref<1x!tpu.dma_semaphore, #tpu.memory_space<semaphore_mem>> -> memref<!tpu.dma_semaphore, #tpu.memory_space<semaphore_mem>>
        tpu.wait_indirect_dma semaphore(%dma_wait3A_77 : memref<!tpu.dma_semaphore, #tpu.memory_space<semaphore_mem>>) src(%dma_wait3A_75 : memref<10000x128xf32, #tpu.memory_space<hbm>>) dst(%dma_wait3A_69 : memref<80x128xf32, #tpu.memory_space<vmem>>)
        "tpu.region"() ({
          %run_scoped3A = tpu.sem_alloc : memref<!tpu.dma_semaphore, #tpu.memory_space<semaphore_mem>>
          %dma_start3A_82 = arith.constant 0 : i32
          %dma_start3A_83 = arith.constant 0 : i32
          %dma_start3A_84 = tpu.memref_slice %arg9[%rem3A_66, %dma_start3A_82, %dma_start3A_83] : memref<3x80x128xf32, #tpu.memory_space<vmem>> -> memref<1x80x128xf32, #tpu.memory_space<vmem>>
          %dma_start3A_85 = tpu.memref_squeeze %dma_start3A_84 : memref<1x80x128xf32, #tpu.memory_space<vmem>> -> memref<80x128xf32, #tpu.memory_space<vmem>>
          %dma_start3A_86 = arith.constant 0 : i32
          %dma_start3A_87 = tpu.memref_slice %arg8[%scan3A_65, %dma_start3A_86] : memref<25x80xi32, #tpu.memory_space<vmem>> -> memref<1x80xi32, #tpu.memory_space<vmem>>
          %dma_start3A_88 = tpu.memref_squeeze %dma_start3A_87 : memref<1x80xi32, #tpu.memory_space<vmem>> -> memref<80xi32, #tpu.memory_space<vmem>>
          %dma_start3A_89 = arith.constant 0 : i32
          %dma_start3A_90 = arith.constant 0 : i32
          %dma_start3A_91 = tpu.memref_slice %arg10[%dma_start3A_89, %dma_start3A_90] : memref<10000x128xf32, #tpu.memory_space<vmem_shared>> -> memref<10000x128xf32, #tpu.memory_space<vmem_shared>>
          tpu.enqueue_indirect_dma source(%dma_start3A_85 : memref<80x128xf32, #tpu.memory_space<vmem>>) target(%dma_start3A_91 : memref<10000x128xf32, #tpu.memory_space<vmem_shared>>) offsets(%dma_start3A_88 : memref<80xi32, #tpu.memory_space<vmem>>) semaphore(%run_scoped3A : memref<!tpu.dma_semaphore, #tpu.memory_space<semaphore_mem>>) {add = true}
          %dma_wait3A_92 = arith.constant 0 : i32
          %dma_wait3A_93 = arith.constant 0 : i32
          %dma_wait3A_94 = tpu.memref_slice %arg9[%rem3A_66, %dma_wait3A_92, %dma_wait3A_93] : memref<3x80x128xf32, #tpu.memory_space<vmem>> -> memref<1x80x128xf32, #tpu.memory_space<vmem>>
          %dma_wait3A_95 = tpu.memref_squeeze %dma_wait3A_94 : memref<1x80x128xf32, #tpu.memory_space<vmem>> -> memref<80x128xf32, #tpu.memory_space<vmem>>
          %dma_wait3A_96 = arith.constant 0 : i32
          %dma_wait3A_97 = tpu.memref_slice %arg8[%scan3A_65, %dma_wait3A_96] : memref<25x80xi32, #tpu.memory_space<vmem>> -> memref<1x80xi32, #tpu.memory_space<vmem>>
          %dma_wait3A_98 = tpu.memref_squeeze %dma_wait3A_97 : memref<1x80xi32, #tpu.memory_space<vmem>> -> memref<80xi32, #tpu.memory_space<vmem>>
          %dma_wait3A_99 = arith.constant 0 : i32
          %dma_wait3A_100 = arith.constant 0 : i32
          %dma_wait3A_101 = tpu.memref_slice %arg10[%dma_wait3A_99, %dma_wait3A_100] : memref<10000x128xf32, #tpu.memory_space<vmem_shared>> -> memref<10000x128xf32, #tpu.memory_space<vmem_shared>>
          tpu.wait_indirect_dma semaphore(%run_scoped3A : memref<!tpu.dma_semaphore, #tpu.memory_space<semaphore_mem>>) src(%dma_wait3A_95 : memref<80x128xf32, #tpu.memory_space<vmem>>) dst(%dma_wait3A_101 : memref<10000x128xf32, #tpu.memory_space<vmem_shared>>)
          tpu.yield
        }) : () -> ()
        %add3A_78 = arith.constant 3 : i32
        %add3A_79 = arith.addi %scan3A_65, %add3A_78 : i32
        %lt3A = arith.constant 25 : i32
        %lt3A_80 = arith.cmpi slt, %add3A_79, %lt3A : i32
        %convert_element_type3A = arith.extui %lt3A_80 : i1 to i32
        %cond3A = arith.constant 0 : i32
        %cond3A_81 = arith.cmpi ne, %convert_element_type3A, %cond3A : i32
        scf.if %cond3A_81 {
          %add3A_82 = arith.constant 3 : i32
          %add3A_83 = arith.addi %scan3A_65, %add3A_82 : i32
          %dma_start3A_84 = arith.constant 0 : i32
          %dma_start3A_85 = arith.constant 0 : i32
          %dma_start3A_86 = tpu.memref_slice %arg9[%rem3A_66, %dma_start3A_84, %dma_start3A_85] : memref<3x80x128xf32, #tpu.memory_space<vmem>> -> memref<1x80x128xf32, #tpu.memory_space<vmem>>
          %dma_start3A_87 = tpu.memref_squeeze %dma_start3A_86 : memref<1x80x128xf32, #tpu.memory_space<vmem>> -> memref<80x128xf32, #tpu.memory_space<vmem>>
          %dma_start3A_88 = arith.constant 0 : i32
          %dma_start3A_89 = tpu.memref_slice %arg7[%add3A_83, %dma_start3A_88] : memref<25x80xi32, #tpu.memory_space<vmem>> -> memref<1x80xi32, #tpu.memory_space<vmem>>
          %dma_start3A_90 = tpu.memref_squeeze %dma_start3A_89 : memref<1x80xi32, #tpu.memory_space<vmem>> -> memref<80xi32, #tpu.memory_space<vmem>>
          %dma_start3A_91 = arith.constant 0 : i32
          %dma_start3A_92 = arith.constant 0 : i32
          %dma_start3A_93 = tpu.memref_slice %arg2[%dma_start3A_91, %dma_start3A_92] : memref<10000x128xf32, #tpu.memory_space<hbm>> -> memref<10000x128xf32, #tpu.memory_space<hbm>>
          %dma_start3A_94 = tpu.memref_slice %arg11[%rem3A_66] : memref<3x!tpu.dma_semaphore, #tpu.memory_space<semaphore_mem>> -> memref<1x!tpu.dma_semaphore, #tpu.memory_space<semaphore_mem>>
          %dma_start3A_95 = tpu.memref_squeeze %dma_start3A_94 : memref<1x!tpu.dma_semaphore, #tpu.memory_space<semaphore_mem>> -> memref<!tpu.dma_semaphore, #tpu.memory_space<semaphore_mem>>
          tpu.enqueue_indirect_dma source(%dma_start3A_93 : memref<10000x128xf32, #tpu.memory_space<hbm>>) target(%dma_start3A_87 : memref<80x128xf32, #tpu.memory_space<vmem>>) offsets(%dma_start3A_90 : memref<80xi32, #tpu.memory_space<vmem>>) semaphore(%dma_start3A_95 : memref<!tpu.dma_semaphore, #tpu.memory_space<semaphore_mem>>)
        } else {
        }
      }
      %scan3A_64 = arith.constant 25 : i32
    }
    %scan3A_9 = arith.constant 5 : i32
    %barrier3A_10 = arith.constant 0 : index
    tpu.barrier barrier_id(%barrier3A_10)
    %mul3A_11 = arith.constant 624 : i32
    %mul3A_12 = arith.muli %arg1, %mul3A_11 : i32
    %mul3A_13 = arith.constant 624 : i32
    %mul3A_14 = arith.muli %arg1, %mul3A_13 : i32
    "tpu.region"() ({
      %run_scoped3A = tpu.sem_alloc : memref<!tpu.dma_semaphore, #tpu.memory_space<semaphore_mem>>
      %dma_start3A = arith.constant 0 : i32
      %dma_start3A_15 = tpu.memref_slice %arg6[%arg0, %mul3A_14, %dma_start3A] : memref<2x10000x128xf32, #tpu.memory_space<hbm>> -> memref<1x640x128xf32, #tpu.memory_space<hbm>>
      %dma_start3A_16 = tpu.memref_squeeze %dma_start3A_15 : memref<1x640x128xf32, #tpu.memory_space<hbm>> -> memref<640x128xf32, #tpu.memory_space<hbm>>
      %dma_start3A_17 = arith.constant 0 : i32
      %dma_start3A_18 = tpu.memref_slice %arg10[%mul3A_12, %dma_start3A_17] : memref<10000x128xf32, #tpu.memory_space<vmem_shared>> -> memref<640x128xf32, #tpu.memory_space<vmem_shared>>
      tpu.enqueue_dma source(%dma_start3A_18 : memref<640x128xf32, #tpu.memory_space<vmem_shared>>) target(%dma_start3A_16 : memref<640x128xf32, #tpu.memory_space<hbm>>) target_semaphore(%run_scoped3A : memref<!tpu.dma_semaphore, #tpu.memory_space<semaphore_mem>>)
      %dma_wait3A = arith.constant 0 : i32
      %dma_wait3A_19 = tpu.memref_slice %arg6[%arg0, %mul3A_14, %dma_wait3A] : memref<2x10000x128xf32, #tpu.memory_space<hbm>> -> memref<1x640x128xf32, #tpu.memory_space<hbm>>
      %dma_wait3A_20 = tpu.memref_squeeze %dma_wait3A_19 : memref<1x640x128xf32, #tpu.memory_space<hbm>> -> memref<640x128xf32, #tpu.memory_space<hbm>>
      %dma_wait3A_21 = arith.constant 0 : i32
      %dma_wait3A_22 = tpu.memref_slice %arg10[%mul3A_12, %dma_wait3A_21] : memref<10000x128xf32, #tpu.memory_space<vmem_shared>> -> memref<640x128xf32, #tpu.memory_space<vmem_shared>>
      tpu.wait_dma2 semaphore(%run_scoped3A : memref<!tpu.dma_semaphore, #tpu.memory_space<semaphore_mem>>) src(%dma_wait3A_22 : memref<640x128xf32, #tpu.memory_space<vmem_shared>>) dst(%dma_wait3A_20 : memref<640x128xf32, #tpu.memory_space<hbm>>)
      tpu.yield
    }) : () -> ()
    return
  }
}

#map = affine_map<(d0, d1) -> (0, 0)>
#map1 = affine_map<(d0, d1) -> (0, 0, 0, 0)>
#map2 = affine_map<(d0, d1) -> (0, 0, 0)>
module attributes {stable_mosaic.version = 14 : i64} {
  func.func @_agg_body(%arg0: i32, %arg1: i32, %arg2: memref<10000x128xf32, #tpu.memory_space<hbm>>, %arg3: memref<32x5x25x80xi32, #tpu.memory_space<hbm>>, %arg4: memref<32x5x25x80xi32, #tpu.memory_space<hbm>>, %arg5: memref<10000x128xf32, #tpu.memory_space<hbm>>, %arg6: memref<2x10000x128xf32, #tpu.memory_space<hbm>>, %arg7: memref<25x80xi32, #tpu.memory_space<vmem>>, %arg8: memref<25x80xi32, #tpu.memory_space<vmem>>, %arg9: memref<3x80x128xf32, #tpu.memory_space<vmem>>, %arg10: memref<10000x128xf32, #tpu.memory_space<vmem_shared>>, %arg11: memref<3x!tpu.dma_semaphore, #tpu.memory_space<semaphore_mem>>, %arg12: memref<3x!tpu.dma_semaphore, #tpu.memory_space<semaphore_mem>>) attributes {dimension_semantics = [#tpu.dimension_semantics<core_parallel>, #tpu.dimension_semantics<subcore_parallel>], iteration_bounds = array<i64: 2, 16>, scalar_prefetch = 0 : i64, scratch_operands = 6 : i64, tpu.core_type = #tpu.core_type<sc_vector_subcore>, window_params = [{transform_indices = #map}, {transform_indices = #map1}, {transform_indices = #map1}, {transform_indices = #map}, {transform_indices = #map2}]} {
    %mul3A = arith.constant 2 : i32
    %mul3A_0 = arith.muli %arg1, %mul3A : i32
    %add3A = arith.addi %mul3A_0, %arg0 : i32
    %mul3A_1 = arith.constant 624 : i32
    %mul3A_2 = arith.muli %arg1, %mul3A_1 : i32
    %mul3A_3 = arith.constant 624 : i32
    %mul3A_4 = arith.muli %arg1, %mul3A_3 : i32
    "tpu.region"() ({
      %run_scoped3A = tpu.sem_alloc : memref<!tpu.dma_semaphore, #tpu.memory_space<semaphore_mem>>
      %dma_start3A = arith.constant 0 : i32
      %dma_start3A_15 = tpu.memref_slice %arg10[%mul3A_4, %dma_start3A] : memref<10000x128xf32, #tpu.memory_space<vmem_shared>> -> memref<640x128xf32, #tpu.memory_space<vmem_shared>>
      %dma_start3A_16 = arith.constant 0 : i32
      %dma_start3A_17 = tpu.memref_slice %arg5[%mul3A_2, %dma_start3A_16] : memref<10000x128xf32, #tpu.memory_space<hbm>> -> memref<640x128xf32, #tpu.memory_space<hbm>>
      tpu.enqueue_dma source(%dma_start3A_17 : memref<640x128xf32, #tpu.memory_space<hbm>>) target(%dma_start3A_15 : memref<640x128xf32, #tpu.memory_space<vmem_shared>>) target_semaphore(%run_scoped3A : memref<!tpu.dma_semaphore, #tpu.memory_space<semaphore_mem>>)
      %dma_wait3A = arith.constant 0 : i32
      %dma_wait3A_18 = tpu.memref_slice %arg10[%mul3A_4, %dma_wait3A] : memref<10000x128xf32, #tpu.memory_space<vmem_shared>> -> memref<640x128xf32, #tpu.memory_space<vmem_shared>>
      %dma_wait3A_19 = arith.constant 0 : i32
      %dma_wait3A_20 = tpu.memref_slice %arg5[%mul3A_2, %dma_wait3A_19] : memref<10000x128xf32, #tpu.memory_space<hbm>> -> memref<640x128xf32, #tpu.memory_space<hbm>>
      tpu.wait_dma2 semaphore(%run_scoped3A : memref<!tpu.dma_semaphore, #tpu.memory_space<semaphore_mem>>) src(%dma_wait3A_20 : memref<640x128xf32, #tpu.memory_space<hbm>>) dst(%dma_wait3A_18 : memref<640x128xf32, #tpu.memory_space<vmem_shared>>)
      tpu.yield
    }) : () -> ()
    %barrier3A = arith.constant 0 : index
    tpu.barrier barrier_id(%barrier3A)
    %scan3A = arith.constant 0 : i32
    %scan3A_5 = arith.constant 0 : i32
    %scan3A_6 = arith.constant 5 : i32
    %scan3A_7 = arith.addi %scan3A_5, %scan3A_6 : i32
    %scan3A_8 = arith.constant 1 : i32
    scf.for %scan3A_15 = %scan3A_5 to %scan3A_7 step %scan3A_8  : i32 {
      "tpu.region"() ({
        %run_scoped3A = tpu.sem_alloc : memref<!tpu.dma_semaphore, #tpu.memory_space<semaphore_mem>>
        %dma_start3A_65 = arith.constant 0 : i32
        %dma_start3A_66 = arith.constant 0 : i32
        %dma_start3A_67 = tpu.memref_slice %arg3[%add3A, %scan3A_15, %dma_start3A_65, %dma_start3A_66] : memref<32x5x25x80xi32, #tpu.memory_space<hbm>> -> memref<1x1x25x80xi32, #tpu.memory_space<hbm>>
        %dma_start3A_68 = tpu.memref_squeeze %dma_start3A_67 : memref<1x1x25x80xi32, #tpu.memory_space<hbm>> -> memref<25x80xi32, #tpu.memory_space<hbm>>
        %dma_start3A_69 = arith.constant 0 : i32
        %dma_start3A_70 = arith.constant 0 : i32
        %dma_start3A_71 = tpu.memref_slice %arg3[%add3A, %scan3A_15, %dma_start3A_69, %dma_start3A_70] : memref<32x5x25x80xi32, #tpu.memory_space<hbm>> -> memref<1x1x25x80xi32, #tpu.memory_space<hbm>>
        %dma_start3A_72 = tpu.memref_squeeze %dma_start3A_71 : memref<1x1x25x80xi32, #tpu.memory_space<hbm>> -> memref<25x80xi32, #tpu.memory_space<hbm>>
        tpu.enqueue_dma source(%dma_start3A_72 : memref<25x80xi32, #tpu.memory_space<hbm>>) target(%arg7 : memref<25x80xi32, #tpu.memory_space<vmem>>) target_semaphore(%run_scoped3A : memref<!tpu.dma_semaphore, #tpu.memory_space<semaphore_mem>>)
        %dma_wait3A = arith.constant 0 : i32
        %dma_wait3A_73 = arith.constant 0 : i32
        %dma_wait3A_74 = tpu.memref_slice %arg3[%add3A, %scan3A_15, %dma_wait3A, %dma_wait3A_73] : memref<32x5x25x80xi32, #tpu.memory_space<hbm>> -> memref<1x1x25x80xi32, #tpu.memory_space<hbm>>
        %dma_wait3A_75 = tpu.memref_squeeze %dma_wait3A_74 : memref<1x1x25x80xi32, #tpu.memory_space<hbm>> -> memref<25x80xi32, #tpu.memory_space<hbm>>
        %dma_wait3A_76 = arith.constant 0 : i32
        %dma_wait3A_77 = arith.constant 0 : i32
        %dma_wait3A_78 = tpu.memref_slice %arg3[%add3A, %scan3A_15, %dma_wait3A_76, %dma_wait3A_77] : memref<32x5x25x80xi32, #tpu.memory_space<hbm>> -> memref<1x1x25x80xi32, #tpu.memory_space<hbm>>
        %dma_wait3A_79 = tpu.memref_squeeze %dma_wait3A_78 : memref<1x1x25x80xi32, #tpu.memory_space<hbm>> -> memref<25x80xi32, #tpu.memory_space<hbm>>
        tpu.wait_dma2 semaphore(%run_scoped3A : memref<!tpu.dma_semaphore, #tpu.memory_space<semaphore_mem>>) src(%dma_wait3A_79 : memref<25x80xi32, #tpu.memory_space<hbm>>) dst(%arg7 : memref<25x80xi32, #tpu.memory_space<vmem>>)
        tpu.yield
      }) : () -> ()
      "tpu.region"() ({
        %run_scoped3A = tpu.sem_alloc : memref<!tpu.dma_semaphore, #tpu.memory_space<semaphore_mem>>
        %dma_start3A_65 = arith.constant 0 : i32
        %dma_start3A_66 = arith.constant 0 : i32
        %dma_start3A_67 = tpu.memref_slice %arg4[%add3A, %scan3A_15, %dma_start3A_65, %dma_start3A_66] : memref<32x5x25x80xi32, #tpu.memory_space<hbm>> -> memref<1x1x25x80xi32, #tpu.memory_space<hbm>>
        %dma_start3A_68 = tpu.memref_squeeze %dma_start3A_67 : memref<1x1x25x80xi32, #tpu.memory_space<hbm>> -> memref<25x80xi32, #tpu.memory_space<hbm>>
        %dma_start3A_69 = arith.constant 0 : i32
        %dma_start3A_70 = arith.constant 0 : i32
        %dma_start3A_71 = tpu.memref_slice %arg4[%add3A, %scan3A_15, %dma_start3A_69, %dma_start3A_70] : memref<32x5x25x80xi32, #tpu.memory_space<hbm>> -> memref<1x1x25x80xi32, #tpu.memory_space<hbm>>
        %dma_start3A_72 = tpu.memref_squeeze %dma_start3A_71 : memref<1x1x25x80xi32, #tpu.memory_space<hbm>> -> memref<25x80xi32, #tpu.memory_space<hbm>>
        tpu.enqueue_dma source(%dma_start3A_72 : memref<25x80xi32, #tpu.memory_space<hbm>>) target(%arg8 : memref<25x80xi32, #tpu.memory_space<vmem>>) target_semaphore(%run_scoped3A : memref<!tpu.dma_semaphore, #tpu.memory_space<semaphore_mem>>)
        %dma_wait3A = arith.constant 0 : i32
        %dma_wait3A_73 = arith.constant 0 : i32
        %dma_wait3A_74 = tpu.memref_slice %arg4[%add3A, %scan3A_15, %dma_wait3A, %dma_wait3A_73] : memref<32x5x25x80xi32, #tpu.memory_space<hbm>> -> memref<1x1x25x80xi32, #tpu.memory_space<hbm>>
        %dma_wait3A_75 = tpu.memref_squeeze %dma_wait3A_74 : memref<1x1x25x80xi32, #tpu.memory_space<hbm>> -> memref<25x80xi32, #tpu.memory_space<hbm>>
        %dma_wait3A_76 = arith.constant 0 : i32
        %dma_wait3A_77 = arith.constant 0 : i32
        %dma_wait3A_78 = tpu.memref_slice %arg4[%add3A, %scan3A_15, %dma_wait3A_76, %dma_wait3A_77] : memref<32x5x25x80xi32, #tpu.memory_space<hbm>> -> memref<1x1x25x80xi32, #tpu.memory_space<hbm>>
        %dma_wait3A_79 = tpu.memref_squeeze %dma_wait3A_78 : memref<1x1x25x80xi32, #tpu.memory_space<hbm>> -> memref<25x80xi32, #tpu.memory_space<hbm>>
        tpu.wait_dma2 semaphore(%run_scoped3A : memref<!tpu.dma_semaphore, #tpu.memory_space<semaphore_mem>>) src(%dma_wait3A_79 : memref<25x80xi32, #tpu.memory_space<hbm>>) dst(%arg8 : memref<25x80xi32, #tpu.memory_space<vmem>>)
        tpu.yield
      }) : () -> ()
      %dma_start3A = arith.constant 0 : i32
      %dma_start3A_16 = arith.constant 0 : i32
      %dma_start3A_17 = arith.constant 0 : i32
      %dma_start3A_18 = arith.constant 0 : i32
      %dma_start3A_19 = arith.constant 0 : i32
      %dma_start3A_20 = tpu.memref_slice %arg9[%dma_start3A_16, %dma_start3A_18, %dma_start3A_19] : memref<3x80x128xf32, #tpu.memory_space<vmem>> -> memref<1x80x128xf32, #tpu.memory_space<vmem>>
      %dma_start3A_21 = tpu.memref_squeeze %dma_start3A_20 : memref<1x80x128xf32, #tpu.memory_space<vmem>> -> memref<80x128xf32, #tpu.memory_space<vmem>>
      %dma_start3A_22 = arith.constant 0 : i32
      %dma_start3A_23 = tpu.memref_slice %arg7[%dma_start3A, %dma_start3A_22] : memref<25x80xi32, #tpu.memory_space<vmem>> -> memref<1x80xi32, #tpu.memory_space<vmem>>
      %dma_start3A_24 = tpu.memref_squeeze %dma_start3A_23 : memref<1x80xi32, #tpu.memory_space<vmem>> -> memref<80xi32, #tpu.memory_space<vmem>>
      %dma_start3A_25 = arith.constant 0 : i32
      %dma_start3A_26 = arith.constant 0 : i32
      %dma_start3A_27 = tpu.memref_slice %arg2[%dma_start3A_25, %dma_start3A_26] : memref<10000x128xf32, #tpu.memory_space<hbm>> -> memref<10000x128xf32, #tpu.memory_space<hbm>>
      %dma_start3A_28 = tpu.memref_slice %arg11[%dma_start3A_17] : memref<3x!tpu.dma_semaphore, #tpu.memory_space<semaphore_mem>> -> memref<1x!tpu.dma_semaphore, #tpu.memory_space<semaphore_mem>>
      %dma_start3A_29 = tpu.memref_squeeze %dma_start3A_28 : memref<1x!tpu.dma_semaphore, #tpu.memory_space<semaphore_mem>> -> memref<!tpu.dma_semaphore, #tpu.memory_space<semaphore_mem>>
      tpu.enqueue_indirect_dma source(%dma_start3A_27 : memref<10000x128xf32, #tpu.memory_space<hbm>>) target(%dma_start3A_21 : memref<80x128xf32, #tpu.memory_space<vmem>>) offsets(%dma_start3A_24 : memref<80xi32, #tpu.memory_space<vmem>>) semaphore(%dma_start3A_29 : memref<!tpu.dma_semaphore, #tpu.memory_space<semaphore_mem>>)
      %dma_start3A_30 = arith.constant 1 : i32
      %dma_start3A_31 = arith.constant 1 : i32
      %dma_start3A_32 = arith.constant 1 : i32
      %dma_start3A_33 = arith.constant 0 : i32
      %dma_start3A_34 = arith.constant 0 : i32
      %dma_start3A_35 = tpu.memref_slice %arg9[%dma_start3A_31, %dma_start3A_33, %dma_start3A_34] : memref<3x80x128xf32, #tpu.memory_space<vmem>> -> memref<1x80x128xf32, #tpu.memory_space<vmem>>
      %dma_start3A_36 = tpu.memref_squeeze %dma_start3A_35 : memref<1x80x128xf32, #tpu.memory_space<vmem>> -> memref<80x128xf32, #tpu.memory_space<vmem>>
      %dma_start3A_37 = arith.constant 0 : i32
      %dma_start3A_38 = tpu.memref_slice %arg7[%dma_start3A_30, %dma_start3A_37] : memref<25x80xi32, #tpu.memory_space<vmem>> -> memref<1x80xi32, #tpu.memory_space<vmem>>
      %dma_start3A_39 = tpu.memref_squeeze %dma_start3A_38 : memref<1x80xi32, #tpu.memory_space<vmem>> -> memref<80xi32, #tpu.memory_space<vmem>>
      %dma_start3A_40 = arith.constant 0 : i32
      %dma_start3A_41 = arith.constant 0 : i32
      %dma_start3A_42 = tpu.memref_slice %arg2[%dma_start3A_40, %dma_start3A_41] : memref<10000x128xf32, #tpu.memory_space<hbm>> -> memref<10000x128xf32, #tpu.memory_space<hbm>>
      %dma_start3A_43 = tpu.memref_slice %arg11[%dma_start3A_32] : memref<3x!tpu.dma_semaphore, #tpu.memory_space<semaphore_mem>> -> memref<1x!tpu.dma_semaphore, #tpu.memory_space<semaphore_mem>>
      %dma_start3A_44 = tpu.memref_squeeze %dma_start3A_43 : memref<1x!tpu.dma_semaphore, #tpu.memory_space<semaphore_mem>> -> memref<!tpu.dma_semaphore, #tpu.memory_space<semaphore_mem>>
      tpu.enqueue_indirect_dma source(%dma_start3A_42 : memref<10000x128xf32, #tpu.memory_space<hbm>>) target(%dma_start3A_36 : memref<80x128xf32, #tpu.memory_space<vmem>>) offsets(%dma_start3A_39 : memref<80xi32, #tpu.memory_space<vmem>>) semaphore(%dma_start3A_44 : memref<!tpu.dma_semaphore, #tpu.memory_space<semaphore_mem>>)
      %dma_start3A_45 = arith.constant 2 : i32
      %dma_start3A_46 = arith.constant 2 : i32
      %dma_start3A_47 = arith.constant 2 : i32
      %dma_start3A_48 = arith.constant 0 : i32
      %dma_start3A_49 = arith.constant 0 : i32
      %dma_start3A_50 = tpu.memref_slice %arg9[%dma_start3A_46, %dma_start3A_48, %dma_start3A_49] : memref<3x80x128xf32, #tpu.memory_space<vmem>> -> memref<1x80x128xf32, #tpu.memory_space<vmem>>
      %dma_start3A_51 = tpu.memref_squeeze %dma_start3A_50 : memref<1x80x128xf32, #tpu.memory_space<vmem>> -> memref<80x128xf32, #tpu.memory_space<vmem>>
      %dma_start3A_52 = arith.constant 0 : i32
      %dma_start3A_53 = tpu.memref_slice %arg7[%dma_start3A_45, %dma_start3A_52] : memref<25x80xi32, #tpu.memory_space<vmem>> -> memref<1x80xi32, #tpu.memory_space<vmem>>
      %dma_start3A_54 = tpu.memref_squeeze %dma_start3A_53 : memref<1x80xi32, #tpu.memory_space<vmem>> -> memref<80xi32, #tpu.memory_space<vmem>>
      %dma_start3A_55 = arith.constant 0 : i32
      %dma_start3A_56 = arith.constant 0 : i32
      %dma_start3A_57 = tpu.memref_slice %arg2[%dma_start3A_55, %dma_start3A_56] : memref<10000x128xf32, #tpu.memory_space<hbm>> -> memref<10000x128xf32, #tpu.memory_space<hbm>>
      %dma_start3A_58 = tpu.memref_slice %arg11[%dma_start3A_47] : memref<3x!tpu.dma_semaphore, #tpu.memory_space<semaphore_mem>> -> memref<1x!tpu.dma_semaphore, #tpu.memory_space<semaphore_mem>>
      %dma_start3A_59 = tpu.memref_squeeze %dma_start3A_58 : memref<1x!tpu.dma_semaphore, #tpu.memory_space<semaphore_mem>> -> memref<!tpu.dma_semaphore, #tpu.memory_space<semaphore_mem>>
      tpu.enqueue_indirect_dma source(%dma_start3A_57 : memref<10000x128xf32, #tpu.memory_space<hbm>>) target(%dma_start3A_51 : memref<80x128xf32, #tpu.memory_space<vmem>>) offsets(%dma_start3A_54 : memref<80xi32, #tpu.memory_space<vmem>>) semaphore(%dma_start3A_59 : memref<!tpu.dma_semaphore, #tpu.memory_space<semaphore_mem>>)
      %scan3A_60 = arith.constant 0 : i32
      %scan3A_61 = arith.constant 25 : i32
      %scan3A_62 = arith.addi %scan3A_60, %scan3A_61 : i32
      %scan3A_63 = arith.constant 1 : i32
      scf.for %scan3A_65 = %scan3A_60 to %scan3A_62 step %scan3A_63  : i32 {
        %rem3A = arith.constant 3 : i32
        %rem3A_66 = arith.remsi %scan3A_65, %rem3A : i32
        %dma_wait3A = arith.constant 0 : i32
        %dma_wait3A_67 = arith.constant 0 : i32
        %dma_wait3A_68 = tpu.memref_slice %arg9[%rem3A_66, %dma_wait3A, %dma_wait3A_67] : memref<3x80x128xf32, #tpu.memory_space<vmem>> -> memref<1x80x128xf32, #tpu.memory_space<vmem>>
        %dma_wait3A_69 = tpu.memref_squeeze %dma_wait3A_68 : memref<1x80x128xf32, #tpu.memory_space<vmem>> -> memref<80x128xf32, #tpu.memory_space<vmem>>
        %dma_wait3A_70 = arith.constant 0 : i32
        %dma_wait3A_71 = tpu.memref_slice %arg7[%scan3A_65, %dma_wait3A_70] : memref<25x80xi32, #tpu.memory_space<vmem>> -> memref<1x80xi32, #tpu.memory_space<vmem>>
        %dma_wait3A_72 = tpu.memref_squeeze %dma_wait3A_71 : memref<1x80xi32, #tpu.memory_space<vmem>> -> memref<80xi32, #tpu.memory_space<vmem>>
        %dma_wait3A_73 = arith.constant 0 : i32
        %dma_wait3A_74 = arith.constant 0 : i32
        %dma_wait3A_75 = tpu.memref_slice %arg2[%dma_wait3A_73, %dma_wait3A_74] : memref<10000x128xf32, #tpu.memory_space<hbm>> -> memref<10000x128xf32, #tpu.memory_space<hbm>>
        %dma_wait3A_76 = tpu.memref_slice %arg11[%rem3A_66] : memref<3x!tpu.dma_semaphore, #tpu.memory_space<semaphore_mem>> -> memref<1x!tpu.dma_semaphore, #tpu.memory_space<semaphore_mem>>
        %dma_wait3A_77 = tpu.memref_squeeze %dma_wait3A_76 : memref<1x!tpu.dma_semaphore, #tpu.memory_space<semaphore_mem>> -> memref<!tpu.dma_semaphore, #tpu.memory_space<semaphore_mem>>
        tpu.wait_indirect_dma semaphore(%dma_wait3A_77 : memref<!tpu.dma_semaphore, #tpu.memory_space<semaphore_mem>>) src(%dma_wait3A_75 : memref<10000x128xf32, #tpu.memory_space<hbm>>) dst(%dma_wait3A_69 : memref<80x128xf32, #tpu.memory_space<vmem>>)
        "tpu.region"() ({
          %run_scoped3A = tpu.sem_alloc : memref<!tpu.dma_semaphore, #tpu.memory_space<semaphore_mem>>
          %dma_start3A_82 = arith.constant 0 : i32
          %dma_start3A_83 = arith.constant 0 : i32
          %dma_start3A_84 = tpu.memref_slice %arg9[%rem3A_66, %dma_start3A_82, %dma_start3A_83] : memref<3x80x128xf32, #tpu.memory_space<vmem>> -> memref<1x80x128xf32, #tpu.memory_space<vmem>>
          %dma_start3A_85 = tpu.memref_squeeze %dma_start3A_84 : memref<1x80x128xf32, #tpu.memory_space<vmem>> -> memref<80x128xf32, #tpu.memory_space<vmem>>
          %dma_start3A_86 = arith.constant 0 : i32
          %dma_start3A_87 = tpu.memref_slice %arg8[%scan3A_65, %dma_start3A_86] : memref<25x80xi32, #tpu.memory_space<vmem>> -> memref<1x80xi32, #tpu.memory_space<vmem>>
          %dma_start3A_88 = tpu.memref_squeeze %dma_start3A_87 : memref<1x80xi32, #tpu.memory_space<vmem>> -> memref<80xi32, #tpu.memory_space<vmem>>
          %dma_start3A_89 = arith.constant 0 : i32
          %dma_start3A_90 = arith.constant 0 : i32
          %dma_start3A_91 = tpu.memref_slice %arg10[%dma_start3A_89, %dma_start3A_90] : memref<10000x128xf32, #tpu.memory_space<vmem_shared>> -> memref<10000x128xf32, #tpu.memory_space<vmem_shared>>
          tpu.enqueue_indirect_dma source(%dma_start3A_85 : memref<80x128xf32, #tpu.memory_space<vmem>>) target(%dma_start3A_91 : memref<10000x128xf32, #tpu.memory_space<vmem_shared>>) offsets(%dma_start3A_88 : memref<80xi32, #tpu.memory_space<vmem>>) semaphore(%run_scoped3A : memref<!tpu.dma_semaphore, #tpu.memory_space<semaphore_mem>>) {add = true}
          %dma_wait3A_92 = arith.constant 0 : i32
          %dma_wait3A_93 = arith.constant 0 : i32
          %dma_wait3A_94 = tpu.memref_slice %arg9[%rem3A_66, %dma_wait3A_92, %dma_wait3A_93] : memref<3x80x128xf32, #tpu.memory_space<vmem>> -> memref<1x80x128xf32, #tpu.memory_space<vmem>>
          %dma_wait3A_95 = tpu.memref_squeeze %dma_wait3A_94 : memref<1x80x128xf32, #tpu.memory_space<vmem>> -> memref<80x128xf32, #tpu.memory_space<vmem>>
          %dma_wait3A_96 = arith.constant 0 : i32
          %dma_wait3A_97 = tpu.memref_slice %arg8[%scan3A_65, %dma_wait3A_96] : memref<25x80xi32, #tpu.memory_space<vmem>> -> memref<1x80xi32, #tpu.memory_space<vmem>>
          %dma_wait3A_98 = tpu.memref_squeeze %dma_wait3A_97 : memref<1x80xi32, #tpu.memory_space<vmem>> -> memref<80xi32, #tpu.memory_space<vmem>>
          %dma_wait3A_99 = arith.constant 0 : i32
          %dma_wait3A_100 = arith.constant 0 : i32
          %dma_wait3A_101 = tpu.memref_slice %arg10[%dma_wait3A_99, %dma_wait3A_100] : memref<10000x128xf32, #tpu.memory_space<vmem_shared>> -> memref<10000x128xf32, #tpu.memory_space<vmem_shared>>
          tpu.wait_indirect_dma semaphore(%run_scoped3A : memref<!tpu.dma_semaphore, #tpu.memory_space<semaphore_mem>>) src(%dma_wait3A_95 : memref<80x128xf32, #tpu.memory_space<vmem>>) dst(%dma_wait3A_101 : memref<10000x128xf32, #tpu.memory_space<vmem_shared>>)
          tpu.yield
        }) : () -> ()
        %add3A_78 = arith.constant 3 : i32
        %add3A_79 = arith.addi %scan3A_65, %add3A_78 : i32
        %lt3A = arith.constant 25 : i32
        %lt3A_80 = arith.cmpi slt, %add3A_79, %lt3A : i32
        %convert_element_type3A = arith.extui %lt3A_80 : i1 to i32
        %cond3A = arith.constant 0 : i32
        %cond3A_81 = arith.cmpi ne, %convert_element_type3A, %cond3A : i32
        scf.if %cond3A_81 {
          %add3A_82 = arith.constant 3 : i32
          %add3A_83 = arith.addi %scan3A_65, %add3A_82 : i32
          %dma_start3A_84 = arith.constant 0 : i32
          %dma_start3A_85 = arith.constant 0 : i32
          %dma_start3A_86 = tpu.memref_slice %arg9[%rem3A_66, %dma_start3A_84, %dma_start3A_85] : memref<3x80x128xf32, #tpu.memory_space<vmem>> -> memref<1x80x128xf32, #tpu.memory_space<vmem>>
          %dma_start3A_87 = tpu.memref_squeeze %dma_start3A_86 : memref<1x80x128xf32, #tpu.memory_space<vmem>> -> memref<80x128xf32, #tpu.memory_space<vmem>>
          %dma_start3A_88 = arith.constant 0 : i32
          %dma_start3A_89 = tpu.memref_slice %arg7[%add3A_83, %dma_start3A_88] : memref<25x80xi32, #tpu.memory_space<vmem>> -> memref<1x80xi32, #tpu.memory_space<vmem>>
          %dma_start3A_90 = tpu.memref_squeeze %dma_start3A_89 : memref<1x80xi32, #tpu.memory_space<vmem>> -> memref<80xi32, #tpu.memory_space<vmem>>
          %dma_start3A_91 = arith.constant 0 : i32
          %dma_start3A_92 = arith.constant 0 : i32
          %dma_start3A_93 = tpu.memref_slice %arg2[%dma_start3A_91, %dma_start3A_92] : memref<10000x128xf32, #tpu.memory_space<hbm>> -> memref<10000x128xf32, #tpu.memory_space<hbm>>
          %dma_start3A_94 = tpu.memref_slice %arg11[%rem3A_66] : memref<3x!tpu.dma_semaphore, #tpu.memory_space<semaphore_mem>> -> memref<1x!tpu.dma_semaphore, #tpu.memory_space<semaphore_mem>>
          %dma_start3A_95 = tpu.memref_squeeze %dma_start3A_94 : memref<1x!tpu.dma_semaphore, #tpu.memory_space<semaphore_mem>> -> memref<!tpu.dma_semaphore, #tpu.memory_space<semaphore_mem>>
          tpu.enqueue_indirect_dma source(%dma_start3A_93 : memref<10000x128xf32, #tpu.memory_space<hbm>>) target(%dma_start3A_87 : memref<80x128xf32, #tpu.memory_space<vmem>>) offsets(%dma_start3A_90 : memref<80xi32, #tpu.memory_space<vmem>>) semaphore(%dma_start3A_95 : memref<!tpu.dma_semaphore, #tpu.memory_space<semaphore_mem>>)
        } else {
        }
      }
      %scan3A_64 = arith.constant 25 : i32
    }
    %scan3A_9 = arith.constant 5 : i32
    %barrier3A_10 = arith.constant 0 : index
    tpu.barrier barrier_id(%barrier3A_10)
    %mul3A_11 = arith.constant 624 : i32
    %mul3A_12 = arith.muli %arg1, %mul3A_11 : i32
    %mul3A_13 = arith.constant 624 : i32
    %mul3A_14 = arith.muli %arg1, %mul3A_13 : i32
    "tpu.region"() ({
      %run_scoped3A = tpu.sem_alloc : memref<!tpu.dma_semaphore, #tpu.memory_space<semaphore_mem>>
      %dma_start3A = arith.constant 0 : i32
      %dma_start3A_15 = tpu.memref_slice %arg6[%arg0, %mul3A_14, %dma_start3A] : memref<2x10000x128xf32, #tpu.memory_space<hbm>> -> memref<1x640x128xf32, #tpu.memory_space<hbm>>
      %dma_start3A_16 = tpu.memref_squeeze %dma_start3A_15 : memref<1x640x128xf32, #tpu.memory_space<hbm>> -> memref<640x128xf32, #tpu.memory_space<hbm>>
      %dma_start3A_17 = arith.constant 0 : i32
      %dma_start3A_18 = tpu.memref_slice %arg10[%mul3A_12, %dma_start3A_17] : memref<10000x128xf32, #tpu.memory_space<vmem_shared>> -> memref<640x128xf32, #tpu.memory_space<vmem_shared>>
      tpu.enqueue_dma source(%dma_start3A_18 : memref<640x128xf32, #tpu.memory_space<vmem_shared>>) target(%dma_start3A_16 : memref<640x128xf32, #tpu.memory_space<hbm>>) target_semaphore(%run_scoped3A : memref<!tpu.dma_semaphore, #tpu.memory_space<semaphore_mem>>)
      %dma_wait3A = arith.constant 0 : i32
      %dma_wait3A_19 = tpu.memref_slice %arg6[%arg0, %mul3A_14, %dma_wait3A] : memref<2x10000x128xf32, #tpu.memory_space<hbm>> -> memref<1x640x128xf32, #tpu.memory_space<hbm>>
      %dma_wait3A_20 = tpu.memref_squeeze %dma_wait3A_19 : memref<1x640x128xf32, #tpu.memory_space<hbm>> -> memref<640x128xf32, #tpu.memory_space<hbm>>
      %dma_wait3A_21 = arith.constant 0 : i32
      %dma_wait3A_22 = tpu.memref_slice %arg10[%mul3A_12, %dma_wait3A_21] : memref<10000x128xf32, #tpu.memory_space<vmem_shared>> -> memref<640x128xf32, #tpu.memory_space<vmem_shared>>
      tpu.wait_dma2 semaphore(%run_scoped3A : memref<!tpu.dma_semaphore, #tpu.memory_space<semaphore_mem>>) src(%dma_wait3A_22 : memref<640x128xf32, #tpu.memory_space<vmem_shared>>) dst(%dma_wait3A_20 : memref<640x128xf32, #tpu.memory_space<hbm>>)
      tpu.yield
    }) : () -> ()
    return
  }
}

#map = affine_map<(d0, d1) -> (0, 0)>
#map1 = affine_map<(d0, d1) -> (0, 0, 0, 0)>
#map2 = affine_map<(d0, d1) -> (0, 0, 0)>
module attributes {stable_mosaic.version = 14 : i64} {
  func.func @_agg_body(%arg0: i32, %arg1: i32, %arg2: memref<10000x128xf32, #tpu.memory_space<hbm>>, %arg3: memref<32x5x25x80xi32, #tpu.memory_space<hbm>>, %arg4: memref<32x5x25x80xi32, #tpu.memory_space<hbm>>, %arg5: memref<10000x128xf32, #tpu.memory_space<hbm>>, %arg6: memref<2x10000x128xf32, #tpu.memory_space<hbm>>, %arg7: memref<25x80xi32, #tpu.memory_space<vmem>>, %arg8: memref<25x80xi32, #tpu.memory_space<vmem>>, %arg9: memref<3x80x128xf32, #tpu.memory_space<vmem>>, %arg10: memref<10000x128xf32, #tpu.memory_space<vmem_shared>>, %arg11: memref<3x!tpu.dma_semaphore, #tpu.memory_space<semaphore_mem>>, %arg12: memref<3x!tpu.dma_semaphore, #tpu.memory_space<semaphore_mem>>) attributes {dimension_semantics = [#tpu.dimension_semantics<core_parallel>, #tpu.dimension_semantics<subcore_parallel>], iteration_bounds = array<i64: 2, 16>, scalar_prefetch = 0 : i64, scratch_operands = 6 : i64, tpu.core_type = #tpu.core_type<sc_vector_subcore>, window_params = [{transform_indices = #map}, {transform_indices = #map1}, {transform_indices = #map1}, {transform_indices = #map}, {transform_indices = #map2}]} {
    %mul3A = arith.constant 2 : i32
    %mul3A_0 = arith.muli %arg1, %mul3A : i32
    %add3A = arith.addi %mul3A_0, %arg0 : i32
    %mul3A_1 = arith.constant 624 : i32
    %mul3A_2 = arith.muli %arg1, %mul3A_1 : i32
    %mul3A_3 = arith.constant 624 : i32
    %mul3A_4 = arith.muli %arg1, %mul3A_3 : i32
    "tpu.region"() ({
      %run_scoped3A = tpu.sem_alloc : memref<!tpu.dma_semaphore, #tpu.memory_space<semaphore_mem>>
      %dma_start3A = arith.constant 0 : i32
      %dma_start3A_15 = tpu.memref_slice %arg10[%mul3A_4, %dma_start3A] : memref<10000x128xf32, #tpu.memory_space<vmem_shared>> -> memref<640x128xf32, #tpu.memory_space<vmem_shared>>
      %dma_start3A_16 = arith.constant 0 : i32
      %dma_start3A_17 = tpu.memref_slice %arg5[%mul3A_2, %dma_start3A_16] : memref<10000x128xf32, #tpu.memory_space<hbm>> -> memref<640x128xf32, #tpu.memory_space<hbm>>
      tpu.enqueue_dma source(%dma_start3A_17 : memref<640x128xf32, #tpu.memory_space<hbm>>) target(%dma_start3A_15 : memref<640x128xf32, #tpu.memory_space<vmem_shared>>) target_semaphore(%run_scoped3A : memref<!tpu.dma_semaphore, #tpu.memory_space<semaphore_mem>>)
      %dma_wait3A = arith.constant 0 : i32
      %dma_wait3A_18 = tpu.memref_slice %arg10[%mul3A_4, %dma_wait3A] : memref<10000x128xf32, #tpu.memory_space<vmem_shared>> -> memref<640x128xf32, #tpu.memory_space<vmem_shared>>
      %dma_wait3A_19 = arith.constant 0 : i32
      %dma_wait3A_20 = tpu.memref_slice %arg5[%mul3A_2, %dma_wait3A_19] : memref<10000x128xf32, #tpu.memory_space<hbm>> -> memref<640x128xf32, #tpu.memory_space<hbm>>
      tpu.wait_dma2 semaphore(%run_scoped3A : memref<!tpu.dma_semaphore, #tpu.memory_space<semaphore_mem>>) src(%dma_wait3A_20 : memref<640x128xf32, #tpu.memory_space<hbm>>) dst(%dma_wait3A_18 : memref<640x128xf32, #tpu.memory_space<vmem_shared>>)
      tpu.yield
    }) : () -> ()
    %barrier3A = arith.constant 0 : index
    tpu.barrier barrier_id(%barrier3A)
    %scan3A = arith.constant 0 : i32
    %scan3A_5 = arith.constant 0 : i32
    %scan3A_6 = arith.constant 5 : i32
    %scan3A_7 = arith.addi %scan3A_5, %scan3A_6 : i32
    %scan3A_8 = arith.constant 1 : i32
    scf.for %scan3A_15 = %scan3A_5 to %scan3A_7 step %scan3A_8  : i32 {
      "tpu.region"() ({
        %run_scoped3A = tpu.sem_alloc : memref<!tpu.dma_semaphore, #tpu.memory_space<semaphore_mem>>
        %dma_start3A_65 = arith.constant 0 : i32
        %dma_start3A_66 = arith.constant 0 : i32
        %dma_start3A_67 = tpu.memref_slice %arg3[%add3A, %scan3A_15, %dma_start3A_65, %dma_start3A_66] : memref<32x5x25x80xi32, #tpu.memory_space<hbm>> -> memref<1x1x25x80xi32, #tpu.memory_space<hbm>>
        %dma_start3A_68 = tpu.memref_squeeze %dma_start3A_67 : memref<1x1x25x80xi32, #tpu.memory_space<hbm>> -> memref<25x80xi32, #tpu.memory_space<hbm>>
        %dma_start3A_69 = arith.constant 0 : i32
        %dma_start3A_70 = arith.constant 0 : i32
        %dma_start3A_71 = tpu.memref_slice %arg3[%add3A, %scan3A_15, %dma_start3A_69, %dma_start3A_70] : memref<32x5x25x80xi32, #tpu.memory_space<hbm>> -> memref<1x1x25x80xi32, #tpu.memory_space<hbm>>
        %dma_start3A_72 = tpu.memref_squeeze %dma_start3A_71 : memref<1x1x25x80xi32, #tpu.memory_space<hbm>> -> memref<25x80xi32, #tpu.memory_space<hbm>>
        tpu.enqueue_dma source(%dma_start3A_72 : memref<25x80xi32, #tpu.memory_space<hbm>>) target(%arg7 : memref<25x80xi32, #tpu.memory_space<vmem>>) target_semaphore(%run_scoped3A : memref<!tpu.dma_semaphore, #tpu.memory_space<semaphore_mem>>)
        %dma_wait3A = arith.constant 0 : i32
        %dma_wait3A_73 = arith.constant 0 : i32
        %dma_wait3A_74 = tpu.memref_slice %arg3[%add3A, %scan3A_15, %dma_wait3A, %dma_wait3A_73] : memref<32x5x25x80xi32, #tpu.memory_space<hbm>> -> memref<1x1x25x80xi32, #tpu.memory_space<hbm>>
        %dma_wait3A_75 = tpu.memref_squeeze %dma_wait3A_74 : memref<1x1x25x80xi32, #tpu.memory_space<hbm>> -> memref<25x80xi32, #tpu.memory_space<hbm>>
        %dma_wait3A_76 = arith.constant 0 : i32
        %dma_wait3A_77 = arith.constant 0 : i32
        %dma_wait3A_78 = tpu.memref_slice %arg3[%add3A, %scan3A_15, %dma_wait3A_76, %dma_wait3A_77] : memref<32x5x25x80xi32, #tpu.memory_space<hbm>> -> memref<1x1x25x80xi32, #tpu.memory_space<hbm>>
        %dma_wait3A_79 = tpu.memref_squeeze %dma_wait3A_78 : memref<1x1x25x80xi32, #tpu.memory_space<hbm>> -> memref<25x80xi32, #tpu.memory_space<hbm>>
        tpu.wait_dma2 semaphore(%run_scoped3A : memref<!tpu.dma_semaphore, #tpu.memory_space<semaphore_mem>>) src(%dma_wait3A_79 : memref<25x80xi32, #tpu.memory_space<hbm>>) dst(%arg7 : memref<25x80xi32, #tpu.memory_space<vmem>>)
        tpu.yield
      }) : () -> ()
      "tpu.region"() ({
        %run_scoped3A = tpu.sem_alloc : memref<!tpu.dma_semaphore, #tpu.memory_space<semaphore_mem>>
        %dma_start3A_65 = arith.constant 0 : i32
        %dma_start3A_66 = arith.constant 0 : i32
        %dma_start3A_67 = tpu.memref_slice %arg4[%add3A, %scan3A_15, %dma_start3A_65, %dma_start3A_66] : memref<32x5x25x80xi32, #tpu.memory_space<hbm>> -> memref<1x1x25x80xi32, #tpu.memory_space<hbm>>
        %dma_start3A_68 = tpu.memref_squeeze %dma_start3A_67 : memref<1x1x25x80xi32, #tpu.memory_space<hbm>> -> memref<25x80xi32, #tpu.memory_space<hbm>>
        %dma_start3A_69 = arith.constant 0 : i32
        %dma_start3A_70 = arith.constant 0 : i32
        %dma_start3A_71 = tpu.memref_slice %arg4[%add3A, %scan3A_15, %dma_start3A_69, %dma_start3A_70] : memref<32x5x25x80xi32, #tpu.memory_space<hbm>> -> memref<1x1x25x80xi32, #tpu.memory_space<hbm>>
        %dma_start3A_72 = tpu.memref_squeeze %dma_start3A_71 : memref<1x1x25x80xi32, #tpu.memory_space<hbm>> -> memref<25x80xi32, #tpu.memory_space<hbm>>
        tpu.enqueue_dma source(%dma_start3A_72 : memref<25x80xi32, #tpu.memory_space<hbm>>) target(%arg8 : memref<25x80xi32, #tpu.memory_space<vmem>>) target_semaphore(%run_scoped3A : memref<!tpu.dma_semaphore, #tpu.memory_space<semaphore_mem>>)
        %dma_wait3A = arith.constant 0 : i32
        %dma_wait3A_73 = arith.constant 0 : i32
        %dma_wait3A_74 = tpu.memref_slice %arg4[%add3A, %scan3A_15, %dma_wait3A, %dma_wait3A_73] : memref<32x5x25x80xi32, #tpu.memory_space<hbm>> -> memref<1x1x25x80xi32, #tpu.memory_space<hbm>>
        %dma_wait3A_75 = tpu.memref_squeeze %dma_wait3A_74 : memref<1x1x25x80xi32, #tpu.memory_space<hbm>> -> memref<25x80xi32, #tpu.memory_space<hbm>>
        %dma_wait3A_76 = arith.constant 0 : i32
        %dma_wait3A_77 = arith.constant 0 : i32
        %dma_wait3A_78 = tpu.memref_slice %arg4[%add3A, %scan3A_15, %dma_wait3A_76, %dma_wait3A_77] : memref<32x5x25x80xi32, #tpu.memory_space<hbm>> -> memref<1x1x25x80xi32, #tpu.memory_space<hbm>>
        %dma_wait3A_79 = tpu.memref_squeeze %dma_wait3A_78 : memref<1x1x25x80xi32, #tpu.memory_space<hbm>> -> memref<25x80xi32, #tpu.memory_space<hbm>>
        tpu.wait_dma2 semaphore(%run_scoped3A : memref<!tpu.dma_semaphore, #tpu.memory_space<semaphore_mem>>) src(%dma_wait3A_79 : memref<25x80xi32, #tpu.memory_space<hbm>>) dst(%arg8 : memref<25x80xi32, #tpu.memory_space<vmem>>)
        tpu.yield
      }) : () -> ()
      %dma_start3A = arith.constant 0 : i32
      %dma_start3A_16 = arith.constant 0 : i32
      %dma_start3A_17 = arith.constant 0 : i32
      %dma_start3A_18 = arith.constant 0 : i32
      %dma_start3A_19 = arith.constant 0 : i32
      %dma_start3A_20 = tpu.memref_slice %arg9[%dma_start3A_16, %dma_start3A_18, %dma_start3A_19] : memref<3x80x128xf32, #tpu.memory_space<vmem>> -> memref<1x80x128xf32, #tpu.memory_space<vmem>>
      %dma_start3A_21 = tpu.memref_squeeze %dma_start3A_20 : memref<1x80x128xf32, #tpu.memory_space<vmem>> -> memref<80x128xf32, #tpu.memory_space<vmem>>
      %dma_start3A_22 = arith.constant 0 : i32
      %dma_start3A_23 = tpu.memref_slice %arg7[%dma_start3A, %dma_start3A_22] : memref<25x80xi32, #tpu.memory_space<vmem>> -> memref<1x80xi32, #tpu.memory_space<vmem>>
      %dma_start3A_24 = tpu.memref_squeeze %dma_start3A_23 : memref<1x80xi32, #tpu.memory_space<vmem>> -> memref<80xi32, #tpu.memory_space<vmem>>
      %dma_start3A_25 = arith.constant 0 : i32
      %dma_start3A_26 = arith.constant 0 : i32
      %dma_start3A_27 = tpu.memref_slice %arg2[%dma_start3A_25, %dma_start3A_26] : memref<10000x128xf32, #tpu.memory_space<hbm>> -> memref<10000x128xf32, #tpu.memory_space<hbm>>
      %dma_start3A_28 = tpu.memref_slice %arg11[%dma_start3A_17] : memref<3x!tpu.dma_semaphore, #tpu.memory_space<semaphore_mem>> -> memref<1x!tpu.dma_semaphore, #tpu.memory_space<semaphore_mem>>
      %dma_start3A_29 = tpu.memref_squeeze %dma_start3A_28 : memref<1x!tpu.dma_semaphore, #tpu.memory_space<semaphore_mem>> -> memref<!tpu.dma_semaphore, #tpu.memory_space<semaphore_mem>>
      tpu.enqueue_indirect_dma source(%dma_start3A_27 : memref<10000x128xf32, #tpu.memory_space<hbm>>) target(%dma_start3A_21 : memref<80x128xf32, #tpu.memory_space<vmem>>) offsets(%dma_start3A_24 : memref<80xi32, #tpu.memory_space<vmem>>) semaphore(%dma_start3A_29 : memref<!tpu.dma_semaphore, #tpu.memory_space<semaphore_mem>>)
      %dma_start3A_30 = arith.constant 1 : i32
      %dma_start3A_31 = arith.constant 1 : i32
      %dma_start3A_32 = arith.constant 1 : i32
      %dma_start3A_33 = arith.constant 0 : i32
      %dma_start3A_34 = arith.constant 0 : i32
      %dma_start3A_35 = tpu.memref_slice %arg9[%dma_start3A_31, %dma_start3A_33, %dma_start3A_34] : memref<3x80x128xf32, #tpu.memory_space<vmem>> -> memref<1x80x128xf32, #tpu.memory_space<vmem>>
      %dma_start3A_36 = tpu.memref_squeeze %dma_start3A_35 : memref<1x80x128xf32, #tpu.memory_space<vmem>> -> memref<80x128xf32, #tpu.memory_space<vmem>>
      %dma_start3A_37 = arith.constant 0 : i32
      %dma_start3A_38 = tpu.memref_slice %arg7[%dma_start3A_30, %dma_start3A_37] : memref<25x80xi32, #tpu.memory_space<vmem>> -> memref<1x80xi32, #tpu.memory_space<vmem>>
      %dma_start3A_39 = tpu.memref_squeeze %dma_start3A_38 : memref<1x80xi32, #tpu.memory_space<vmem>> -> memref<80xi32, #tpu.memory_space<vmem>>
      %dma_start3A_40 = arith.constant 0 : i32
      %dma_start3A_41 = arith.constant 0 : i32
      %dma_start3A_42 = tpu.memref_slice %arg2[%dma_start3A_40, %dma_start3A_41] : memref<10000x128xf32, #tpu.memory_space<hbm>> -> memref<10000x128xf32, #tpu.memory_space<hbm>>
      %dma_start3A_43 = tpu.memref_slice %arg11[%dma_start3A_32] : memref<3x!tpu.dma_semaphore, #tpu.memory_space<semaphore_mem>> -> memref<1x!tpu.dma_semaphore, #tpu.memory_space<semaphore_mem>>
      %dma_start3A_44 = tpu.memref_squeeze %dma_start3A_43 : memref<1x!tpu.dma_semaphore, #tpu.memory_space<semaphore_mem>> -> memref<!tpu.dma_semaphore, #tpu.memory_space<semaphore_mem>>
      tpu.enqueue_indirect_dma source(%dma_start3A_42 : memref<10000x128xf32, #tpu.memory_space<hbm>>) target(%dma_start3A_36 : memref<80x128xf32, #tpu.memory_space<vmem>>) offsets(%dma_start3A_39 : memref<80xi32, #tpu.memory_space<vmem>>) semaphore(%dma_start3A_44 : memref<!tpu.dma_semaphore, #tpu.memory_space<semaphore_mem>>)
      %dma_start3A_45 = arith.constant 2 : i32
      %dma_start3A_46 = arith.constant 2 : i32
      %dma_start3A_47 = arith.constant 2 : i32
      %dma_start3A_48 = arith.constant 0 : i32
      %dma_start3A_49 = arith.constant 0 : i32
      %dma_start3A_50 = tpu.memref_slice %arg9[%dma_start3A_46, %dma_start3A_48, %dma_start3A_49] : memref<3x80x128xf32, #tpu.memory_space<vmem>> -> memref<1x80x128xf32, #tpu.memory_space<vmem>>
      %dma_start3A_51 = tpu.memref_squeeze %dma_start3A_50 : memref<1x80x128xf32, #tpu.memory_space<vmem>> -> memref<80x128xf32, #tpu.memory_space<vmem>>
      %dma_start3A_52 = arith.constant 0 : i32
      %dma_start3A_53 = tpu.memref_slice %arg7[%dma_start3A_45, %dma_start3A_52] : memref<25x80xi32, #tpu.memory_space<vmem>> -> memref<1x80xi32, #tpu.memory_space<vmem>>
      %dma_start3A_54 = tpu.memref_squeeze %dma_start3A_53 : memref<1x80xi32, #tpu.memory_space<vmem>> -> memref<80xi32, #tpu.memory_space<vmem>>
      %dma_start3A_55 = arith.constant 0 : i32
      %dma_start3A_56 = arith.constant 0 : i32
      %dma_start3A_57 = tpu.memref_slice %arg2[%dma_start3A_55, %dma_start3A_56] : memref<10000x128xf32, #tpu.memory_space<hbm>> -> memref<10000x128xf32, #tpu.memory_space<hbm>>
      %dma_start3A_58 = tpu.memref_slice %arg11[%dma_start3A_47] : memref<3x!tpu.dma_semaphore, #tpu.memory_space<semaphore_mem>> -> memref<1x!tpu.dma_semaphore, #tpu.memory_space<semaphore_mem>>
      %dma_start3A_59 = tpu.memref_squeeze %dma_start3A_58 : memref<1x!tpu.dma_semaphore, #tpu.memory_space<semaphore_mem>> -> memref<!tpu.dma_semaphore, #tpu.memory_space<semaphore_mem>>
      tpu.enqueue_indirect_dma source(%dma_start3A_57 : memref<10000x128xf32, #tpu.memory_space<hbm>>) target(%dma_start3A_51 : memref<80x128xf32, #tpu.memory_space<vmem>>) offsets(%dma_start3A_54 : memref<80xi32, #tpu.memory_space<vmem>>) semaphore(%dma_start3A_59 : memref<!tpu.dma_semaphore, #tpu.memory_space<semaphore_mem>>)
      %scan3A_60 = arith.constant 0 : i32
      %scan3A_61 = arith.constant 25 : i32
      %scan3A_62 = arith.addi %scan3A_60, %scan3A_61 : i32
      %scan3A_63 = arith.constant 1 : i32
      scf.for %scan3A_65 = %scan3A_60 to %scan3A_62 step %scan3A_63  : i32 {
        %rem3A = arith.constant 3 : i32
        %rem3A_66 = arith.remsi %scan3A_65, %rem3A : i32
        %dma_wait3A = arith.constant 0 : i32
        %dma_wait3A_67 = arith.constant 0 : i32
        %dma_wait3A_68 = tpu.memref_slice %arg9[%rem3A_66, %dma_wait3A, %dma_wait3A_67] : memref<3x80x128xf32, #tpu.memory_space<vmem>> -> memref<1x80x128xf32, #tpu.memory_space<vmem>>
        %dma_wait3A_69 = tpu.memref_squeeze %dma_wait3A_68 : memref<1x80x128xf32, #tpu.memory_space<vmem>> -> memref<80x128xf32, #tpu.memory_space<vmem>>
        %dma_wait3A_70 = arith.constant 0 : i32
        %dma_wait3A_71 = tpu.memref_slice %arg7[%scan3A_65, %dma_wait3A_70] : memref<25x80xi32, #tpu.memory_space<vmem>> -> memref<1x80xi32, #tpu.memory_space<vmem>>
        %dma_wait3A_72 = tpu.memref_squeeze %dma_wait3A_71 : memref<1x80xi32, #tpu.memory_space<vmem>> -> memref<80xi32, #tpu.memory_space<vmem>>
        %dma_wait3A_73 = arith.constant 0 : i32
        %dma_wait3A_74 = arith.constant 0 : i32
        %dma_wait3A_75 = tpu.memref_slice %arg2[%dma_wait3A_73, %dma_wait3A_74] : memref<10000x128xf32, #tpu.memory_space<hbm>> -> memref<10000x128xf32, #tpu.memory_space<hbm>>
        %dma_wait3A_76 = tpu.memref_slice %arg11[%rem3A_66] : memref<3x!tpu.dma_semaphore, #tpu.memory_space<semaphore_mem>> -> memref<1x!tpu.dma_semaphore, #tpu.memory_space<semaphore_mem>>
        %dma_wait3A_77 = tpu.memref_squeeze %dma_wait3A_76 : memref<1x!tpu.dma_semaphore, #tpu.memory_space<semaphore_mem>> -> memref<!tpu.dma_semaphore, #tpu.memory_space<semaphore_mem>>
        tpu.wait_indirect_dma semaphore(%dma_wait3A_77 : memref<!tpu.dma_semaphore, #tpu.memory_space<semaphore_mem>>) src(%dma_wait3A_75 : memref<10000x128xf32, #tpu.memory_space<hbm>>) dst(%dma_wait3A_69 : memref<80x128xf32, #tpu.memory_space<vmem>>)
        "tpu.region"() ({
          %run_scoped3A = tpu.sem_alloc : memref<!tpu.dma_semaphore, #tpu.memory_space<semaphore_mem>>
          %dma_start3A_82 = arith.constant 0 : i32
          %dma_start3A_83 = arith.constant 0 : i32
          %dma_start3A_84 = tpu.memref_slice %arg9[%rem3A_66, %dma_start3A_82, %dma_start3A_83] : memref<3x80x128xf32, #tpu.memory_space<vmem>> -> memref<1x80x128xf32, #tpu.memory_space<vmem>>
          %dma_start3A_85 = tpu.memref_squeeze %dma_start3A_84 : memref<1x80x128xf32, #tpu.memory_space<vmem>> -> memref<80x128xf32, #tpu.memory_space<vmem>>
          %dma_start3A_86 = arith.constant 0 : i32
          %dma_start3A_87 = tpu.memref_slice %arg8[%scan3A_65, %dma_start3A_86] : memref<25x80xi32, #tpu.memory_space<vmem>> -> memref<1x80xi32, #tpu.memory_space<vmem>>
          %dma_start3A_88 = tpu.memref_squeeze %dma_start3A_87 : memref<1x80xi32, #tpu.memory_space<vmem>> -> memref<80xi32, #tpu.memory_space<vmem>>
          %dma_start3A_89 = arith.constant 0 : i32
          %dma_start3A_90 = arith.constant 0 : i32
          %dma_start3A_91 = tpu.memref_slice %arg10[%dma_start3A_89, %dma_start3A_90] : memref<10000x128xf32, #tpu.memory_space<vmem_shared>> -> memref<10000x128xf32, #tpu.memory_space<vmem_shared>>
          tpu.enqueue_indirect_dma source(%dma_start3A_85 : memref<80x128xf32, #tpu.memory_space<vmem>>) target(%dma_start3A_91 : memref<10000x128xf32, #tpu.memory_space<vmem_shared>>) offsets(%dma_start3A_88 : memref<80xi32, #tpu.memory_space<vmem>>) semaphore(%run_scoped3A : memref<!tpu.dma_semaphore, #tpu.memory_space<semaphore_mem>>) {add = true}
          %dma_wait3A_92 = arith.constant 0 : i32
          %dma_wait3A_93 = arith.constant 0 : i32
          %dma_wait3A_94 = tpu.memref_slice %arg9[%rem3A_66, %dma_wait3A_92, %dma_wait3A_93] : memref<3x80x128xf32, #tpu.memory_space<vmem>> -> memref<1x80x128xf32, #tpu.memory_space<vmem>>
          %dma_wait3A_95 = tpu.memref_squeeze %dma_wait3A_94 : memref<1x80x128xf32, #tpu.memory_space<vmem>> -> memref<80x128xf32, #tpu.memory_space<vmem>>
          %dma_wait3A_96 = arith.constant 0 : i32
          %dma_wait3A_97 = tpu.memref_slice %arg8[%scan3A_65, %dma_wait3A_96] : memref<25x80xi32, #tpu.memory_space<vmem>> -> memref<1x80xi32, #tpu.memory_space<vmem>>
          %dma_wait3A_98 = tpu.memref_squeeze %dma_wait3A_97 : memref<1x80xi32, #tpu.memory_space<vmem>> -> memref<80xi32, #tpu.memory_space<vmem>>
          %dma_wait3A_99 = arith.constant 0 : i32
          %dma_wait3A_100 = arith.constant 0 : i32
          %dma_wait3A_101 = tpu.memref_slice %arg10[%dma_wait3A_99, %dma_wait3A_100] : memref<10000x128xf32, #tpu.memory_space<vmem_shared>> -> memref<10000x128xf32, #tpu.memory_space<vmem_shared>>
          tpu.wait_indirect_dma semaphore(%run_scoped3A : memref<!tpu.dma_semaphore, #tpu.memory_space<semaphore_mem>>) src(%dma_wait3A_95 : memref<80x128xf32, #tpu.memory_space<vmem>>) dst(%dma_wait3A_101 : memref<10000x128xf32, #tpu.memory_space<vmem_shared>>)
          tpu.yield
        }) : () -> ()
        %add3A_78 = arith.constant 3 : i32
        %add3A_79 = arith.addi %scan3A_65, %add3A_78 : i32
        %lt3A = arith.constant 25 : i32
        %lt3A_80 = arith.cmpi slt, %add3A_79, %lt3A : i32
        %convert_element_type3A = arith.extui %lt3A_80 : i1 to i32
        %cond3A = arith.constant 0 : i32
        %cond3A_81 = arith.cmpi ne, %convert_element_type3A, %cond3A : i32
        scf.if %cond3A_81 {
          %add3A_82 = arith.constant 3 : i32
          %add3A_83 = arith.addi %scan3A_65, %add3A_82 : i32
          %dma_start3A_84 = arith.constant 0 : i32
          %dma_start3A_85 = arith.constant 0 : i32
          %dma_start3A_86 = tpu.memref_slice %arg9[%rem3A_66, %dma_start3A_84, %dma_start3A_85] : memref<3x80x128xf32, #tpu.memory_space<vmem>> -> memref<1x80x128xf32, #tpu.memory_space<vmem>>
          %dma_start3A_87 = tpu.memref_squeeze %dma_start3A_86 : memref<1x80x128xf32, #tpu.memory_space<vmem>> -> memref<80x128xf32, #tpu.memory_space<vmem>>
          %dma_start3A_88 = arith.constant 0 : i32
          %dma_start3A_89 = tpu.memref_slice %arg7[%add3A_83, %dma_start3A_88] : memref<25x80xi32, #tpu.memory_space<vmem>> -> memref<1x80xi32, #tpu.memory_space<vmem>>
          %dma_start3A_90 = tpu.memref_squeeze %dma_start3A_89 : memref<1x80xi32, #tpu.memory_space<vmem>> -> memref<80xi32, #tpu.memory_space<vmem>>
          %dma_start3A_91 = arith.constant 0 : i32
          %dma_start3A_92 = arith.constant 0 : i32
          %dma_start3A_93 = tpu.memref_slice %arg2[%dma_start3A_91, %dma_start3A_92] : memref<10000x128xf32, #tpu.memory_space<hbm>> -> memref<10000x128xf32, #tpu.memory_space<hbm>>
          %dma_start3A_94 = tpu.memref_slice %arg11[%rem3A_66] : memref<3x!tpu.dma_semaphore, #tpu.memory_space<semaphore_mem>> -> memref<1x!tpu.dma_semaphore, #tpu.memory_space<semaphore_mem>>
          %dma_start3A_95 = tpu.memref_squeeze %dma_start3A_94 : memref<1x!tpu.dma_semaphore, #tpu.memory_space<semaphore_mem>> -> memref<!tpu.dma_semaphore, #tpu.memory_space<semaphore_mem>>
          tpu.enqueue_indirect_dma source(%dma_start3A_93 : memref<10000x128xf32, #tpu.memory_space<hbm>>) target(%dma_start3A_87 : memref<80x128xf32, #tpu.memory_space<vmem>>) offsets(%dma_start3A_90 : memref<80xi32, #tpu.memory_space<vmem>>) semaphore(%dma_start3A_95 : memref<!tpu.dma_semaphore, #tpu.memory_space<semaphore_mem>>)
        } else {
        }
      }
      %scan3A_64 = arith.constant 25 : i32
    }
    %scan3A_9 = arith.constant 5 : i32
    %barrier3A_10 = arith.constant 0 : index
    tpu.barrier barrier_id(%barrier3A_10)
    %mul3A_11 = arith.constant 624 : i32
    %mul3A_12 = arith.muli %arg1, %mul3A_11 : i32
    %mul3A_13 = arith.constant 624 : i32
    %mul3A_14 = arith.muli %arg1, %mul3A_13 : i32
    "tpu.region"() ({
      %run_scoped3A = tpu.sem_alloc : memref<!tpu.dma_semaphore, #tpu.memory_space<semaphore_mem>>
      %dma_start3A = arith.constant 0 : i32
      %dma_start3A_15 = tpu.memref_slice %arg6[%arg0, %mul3A_14, %dma_start3A] : memref<2x10000x128xf32, #tpu.memory_space<hbm>> -> memref<1x640x128xf32, #tpu.memory_space<hbm>>
      %dma_start3A_16 = tpu.memref_squeeze %dma_start3A_15 : memref<1x640x128xf32, #tpu.memory_space<hbm>> -> memref<640x128xf32, #tpu.memory_space<hbm>>
      %dma_start3A_17 = arith.constant 0 : i32
      %dma_start3A_18 = tpu.memref_slice %arg10[%mul3A_12, %dma_start3A_17] : memref<10000x128xf32, #tpu.memory_space<vmem_shared>> -> memref<640x128xf32, #tpu.memory_space<vmem_shared>>
      tpu.enqueue_dma source(%dma_start3A_18 : memref<640x128xf32, #tpu.memory_space<vmem_shared>>) target(%dma_start3A_16 : memref<640x128xf32, #tpu.memory_space<hbm>>) target_semaphore(%run_scoped3A : memref<!tpu.dma_semaphore, #tpu.memory_space<semaphore_mem>>)
      %dma_wait3A = arith.constant 0 : i32
      %dma_wait3A_19 = tpu.memref_slice %arg6[%arg0, %mul3A_14, %dma_wait3A] : memref<2x10000x128xf32, #tpu.memory_space<hbm>> -> memref<1x640x128xf32, #tpu.memory_space<hbm>>
      %dma_wait3A_20 = tpu.memref_squeeze %dma_wait3A_19 : memref<1x640x128xf32, #tpu.memory_space<hbm>> -> memref<640x128xf32, #tpu.memory_space<hbm>>
      %dma_wait3A_21 = arith.constant 0 : i32
      %dma_wait3A_22 = tpu.memref_slice %arg10[%mul3A_12, %dma_wait3A_21] : memref<10000x128xf32, #tpu.memory_space<vmem_shared>> -> memref<640x128xf32, #tpu.memory_space<vmem_shared>>
      tpu.wait_dma2 semaphore(%run_scoped3A : memref<!tpu.dma_semaphore, #tpu.memory_space<semaphore_mem>>) src(%dma_wait3A_22 : memref<640x128xf32, #tpu.memory_space<vmem_shared>>) dst(%dma_wait3A_20 : memref<640x128xf32, #tpu.memory_space<hbm>>)
      tpu.yield
    }) : () -> ()
    return
  }
}

#map = affine_map<(d0, d1) -> (0, 0)>
#map1 = affine_map<(d0, d1) -> (0, 0, 0, 0)>
#map2 = affine_map<(d0, d1) -> (0, 0, 0)>
module attributes {stable_mosaic.version = 14 : i64} {
  func.func @_agg_body(%arg0: i32, %arg1: i32, %arg2: memref<10000x128xf32, #tpu.memory_space<hbm>>, %arg3: memref<32x5x25x80xi32, #tpu.memory_space<hbm>>, %arg4: memref<32x5x25x80xi32, #tpu.memory_space<hbm>>, %arg5: memref<10000x128xf32, #tpu.memory_space<hbm>>, %arg6: memref<2x10000x128xf32, #tpu.memory_space<hbm>>, %arg7: memref<25x80xi32, #tpu.memory_space<vmem>>, %arg8: memref<25x80xi32, #tpu.memory_space<vmem>>, %arg9: memref<3x80x128xf32, #tpu.memory_space<vmem>>, %arg10: memref<10000x128xf32, #tpu.memory_space<vmem_shared>>, %arg11: memref<3x!tpu.dma_semaphore, #tpu.memory_space<semaphore_mem>>, %arg12: memref<3x!tpu.dma_semaphore, #tpu.memory_space<semaphore_mem>>) attributes {dimension_semantics = [#tpu.dimension_semantics<core_parallel>, #tpu.dimension_semantics<subcore_parallel>], iteration_bounds = array<i64: 2, 16>, scalar_prefetch = 0 : i64, scratch_operands = 6 : i64, tpu.core_type = #tpu.core_type<sc_vector_subcore>, window_params = [{transform_indices = #map}, {transform_indices = #map1}, {transform_indices = #map1}, {transform_indices = #map}, {transform_indices = #map2}]} {
    %mul3A = arith.constant 2 : i32
    %mul3A_0 = arith.muli %arg1, %mul3A : i32
    %add3A = arith.addi %mul3A_0, %arg0 : i32
    %mul3A_1 = arith.constant 624 : i32
    %mul3A_2 = arith.muli %arg1, %mul3A_1 : i32
    %mul3A_3 = arith.constant 624 : i32
    %mul3A_4 = arith.muli %arg1, %mul3A_3 : i32
    "tpu.region"() ({
      %run_scoped3A = tpu.sem_alloc : memref<!tpu.dma_semaphore, #tpu.memory_space<semaphore_mem>>
      %dma_start3A = arith.constant 0 : i32
      %dma_start3A_15 = tpu.memref_slice %arg10[%mul3A_4, %dma_start3A] : memref<10000x128xf32, #tpu.memory_space<vmem_shared>> -> memref<640x128xf32, #tpu.memory_space<vmem_shared>>
      %dma_start3A_16 = arith.constant 0 : i32
      %dma_start3A_17 = tpu.memref_slice %arg5[%mul3A_2, %dma_start3A_16] : memref<10000x128xf32, #tpu.memory_space<hbm>> -> memref<640x128xf32, #tpu.memory_space<hbm>>
      tpu.enqueue_dma source(%dma_start3A_17 : memref<640x128xf32, #tpu.memory_space<hbm>>) target(%dma_start3A_15 : memref<640x128xf32, #tpu.memory_space<vmem_shared>>) target_semaphore(%run_scoped3A : memref<!tpu.dma_semaphore, #tpu.memory_space<semaphore_mem>>)
      %dma_wait3A = arith.constant 0 : i32
      %dma_wait3A_18 = tpu.memref_slice %arg10[%mul3A_4, %dma_wait3A] : memref<10000x128xf32, #tpu.memory_space<vmem_shared>> -> memref<640x128xf32, #tpu.memory_space<vmem_shared>>
      %dma_wait3A_19 = arith.constant 0 : i32
      %dma_wait3A_20 = tpu.memref_slice %arg5[%mul3A_2, %dma_wait3A_19] : memref<10000x128xf32, #tpu.memory_space<hbm>> -> memref<640x128xf32, #tpu.memory_space<hbm>>
      tpu.wait_dma2 semaphore(%run_scoped3A : memref<!tpu.dma_semaphore, #tpu.memory_space<semaphore_mem>>) src(%dma_wait3A_20 : memref<640x128xf32, #tpu.memory_space<hbm>>) dst(%dma_wait3A_18 : memref<640x128xf32, #tpu.memory_space<vmem_shared>>)
      tpu.yield
    }) : () -> ()
    %barrier3A = arith.constant 0 : index
    tpu.barrier barrier_id(%barrier3A)
    %scan3A = arith.constant 0 : i32
    %scan3A_5 = arith.constant 0 : i32
    %scan3A_6 = arith.constant 5 : i32
    %scan3A_7 = arith.addi %scan3A_5, %scan3A_6 : i32
    %scan3A_8 = arith.constant 1 : i32
    scf.for %scan3A_15 = %scan3A_5 to %scan3A_7 step %scan3A_8  : i32 {
      "tpu.region"() ({
        %run_scoped3A = tpu.sem_alloc : memref<!tpu.dma_semaphore, #tpu.memory_space<semaphore_mem>>
        %dma_start3A_65 = arith.constant 0 : i32
        %dma_start3A_66 = arith.constant 0 : i32
        %dma_start3A_67 = tpu.memref_slice %arg3[%add3A, %scan3A_15, %dma_start3A_65, %dma_start3A_66] : memref<32x5x25x80xi32, #tpu.memory_space<hbm>> -> memref<1x1x25x80xi32, #tpu.memory_space<hbm>>
        %dma_start3A_68 = tpu.memref_squeeze %dma_start3A_67 : memref<1x1x25x80xi32, #tpu.memory_space<hbm>> -> memref<25x80xi32, #tpu.memory_space<hbm>>
        %dma_start3A_69 = arith.constant 0 : i32
        %dma_start3A_70 = arith.constant 0 : i32
        %dma_start3A_71 = tpu.memref_slice %arg3[%add3A, %scan3A_15, %dma_start3A_69, %dma_start3A_70] : memref<32x5x25x80xi32, #tpu.memory_space<hbm>> -> memref<1x1x25x80xi32, #tpu.memory_space<hbm>>
        %dma_start3A_72 = tpu.memref_squeeze %dma_start3A_71 : memref<1x1x25x80xi32, #tpu.memory_space<hbm>> -> memref<25x80xi32, #tpu.memory_space<hbm>>
        tpu.enqueue_dma source(%dma_start3A_72 : memref<25x80xi32, #tpu.memory_space<hbm>>) target(%arg7 : memref<25x80xi32, #tpu.memory_space<vmem>>) target_semaphore(%run_scoped3A : memref<!tpu.dma_semaphore, #tpu.memory_space<semaphore_mem>>)
        %dma_wait3A = arith.constant 0 : i32
        %dma_wait3A_73 = arith.constant 0 : i32
        %dma_wait3A_74 = tpu.memref_slice %arg3[%add3A, %scan3A_15, %dma_wait3A, %dma_wait3A_73] : memref<32x5x25x80xi32, #tpu.memory_space<hbm>> -> memref<1x1x25x80xi32, #tpu.memory_space<hbm>>
        %dma_wait3A_75 = tpu.memref_squeeze %dma_wait3A_74 : memref<1x1x25x80xi32, #tpu.memory_space<hbm>> -> memref<25x80xi32, #tpu.memory_space<hbm>>
        %dma_wait3A_76 = arith.constant 0 : i32
        %dma_wait3A_77 = arith.constant 0 : i32
        %dma_wait3A_78 = tpu.memref_slice %arg3[%add3A, %scan3A_15, %dma_wait3A_76, %dma_wait3A_77] : memref<32x5x25x80xi32, #tpu.memory_space<hbm>> -> memref<1x1x25x80xi32, #tpu.memory_space<hbm>>
        %dma_wait3A_79 = tpu.memref_squeeze %dma_wait3A_78 : memref<1x1x25x80xi32, #tpu.memory_space<hbm>> -> memref<25x80xi32, #tpu.memory_space<hbm>>
        tpu.wait_dma2 semaphore(%run_scoped3A : memref<!tpu.dma_semaphore, #tpu.memory_space<semaphore_mem>>) src(%dma_wait3A_79 : memref<25x80xi32, #tpu.memory_space<hbm>>) dst(%arg7 : memref<25x80xi32, #tpu.memory_space<vmem>>)
        tpu.yield
      }) : () -> ()
      "tpu.region"() ({
        %run_scoped3A = tpu.sem_alloc : memref<!tpu.dma_semaphore, #tpu.memory_space<semaphore_mem>>
        %dma_start3A_65 = arith.constant 0 : i32
        %dma_start3A_66 = arith.constant 0 : i32
        %dma_start3A_67 = tpu.memref_slice %arg4[%add3A, %scan3A_15, %dma_start3A_65, %dma_start3A_66] : memref<32x5x25x80xi32, #tpu.memory_space<hbm>> -> memref<1x1x25x80xi32, #tpu.memory_space<hbm>>
        %dma_start3A_68 = tpu.memref_squeeze %dma_start3A_67 : memref<1x1x25x80xi32, #tpu.memory_space<hbm>> -> memref<25x80xi32, #tpu.memory_space<hbm>>
        %dma_start3A_69 = arith.constant 0 : i32
        %dma_start3A_70 = arith.constant 0 : i32
        %dma_start3A_71 = tpu.memref_slice %arg4[%add3A, %scan3A_15, %dma_start3A_69, %dma_start3A_70] : memref<32x5x25x80xi32, #tpu.memory_space<hbm>> -> memref<1x1x25x80xi32, #tpu.memory_space<hbm>>
        %dma_start3A_72 = tpu.memref_squeeze %dma_start3A_71 : memref<1x1x25x80xi32, #tpu.memory_space<hbm>> -> memref<25x80xi32, #tpu.memory_space<hbm>>
        tpu.enqueue_dma source(%dma_start3A_72 : memref<25x80xi32, #tpu.memory_space<hbm>>) target(%arg8 : memref<25x80xi32, #tpu.memory_space<vmem>>) target_semaphore(%run_scoped3A : memref<!tpu.dma_semaphore, #tpu.memory_space<semaphore_mem>>)
        %dma_wait3A = arith.constant 0 : i32
        %dma_wait3A_73 = arith.constant 0 : i32
        %dma_wait3A_74 = tpu.memref_slice %arg4[%add3A, %scan3A_15, %dma_wait3A, %dma_wait3A_73] : memref<32x5x25x80xi32, #tpu.memory_space<hbm>> -> memref<1x1x25x80xi32, #tpu.memory_space<hbm>>
        %dma_wait3A_75 = tpu.memref_squeeze %dma_wait3A_74 : memref<1x1x25x80xi32, #tpu.memory_space<hbm>> -> memref<25x80xi32, #tpu.memory_space<hbm>>
        %dma_wait3A_76 = arith.constant 0 : i32
        %dma_wait3A_77 = arith.constant 0 : i32
        %dma_wait3A_78 = tpu.memref_slice %arg4[%add3A, %scan3A_15, %dma_wait3A_76, %dma_wait3A_77] : memref<32x5x25x80xi32, #tpu.memory_space<hbm>> -> memref<1x1x25x80xi32, #tpu.memory_space<hbm>>
        %dma_wait3A_79 = tpu.memref_squeeze %dma_wait3A_78 : memref<1x1x25x80xi32, #tpu.memory_space<hbm>> -> memref<25x80xi32, #tpu.memory_space<hbm>>
        tpu.wait_dma2 semaphore(%run_scoped3A : memref<!tpu.dma_semaphore, #tpu.memory_space<semaphore_mem>>) src(%dma_wait3A_79 : memref<25x80xi32, #tpu.memory_space<hbm>>) dst(%arg8 : memref<25x80xi32, #tpu.memory_space<vmem>>)
        tpu.yield
      }) : () -> ()
      %dma_start3A = arith.constant 0 : i32
      %dma_start3A_16 = arith.constant 0 : i32
      %dma_start3A_17 = arith.constant 0 : i32
      %dma_start3A_18 = arith.constant 0 : i32
      %dma_start3A_19 = arith.constant 0 : i32
      %dma_start3A_20 = tpu.memref_slice %arg9[%dma_start3A_16, %dma_start3A_18, %dma_start3A_19] : memref<3x80x128xf32, #tpu.memory_space<vmem>> -> memref<1x80x128xf32, #tpu.memory_space<vmem>>
      %dma_start3A_21 = tpu.memref_squeeze %dma_start3A_20 : memref<1x80x128xf32, #tpu.memory_space<vmem>> -> memref<80x128xf32, #tpu.memory_space<vmem>>
      %dma_start3A_22 = arith.constant 0 : i32
      %dma_start3A_23 = tpu.memref_slice %arg7[%dma_start3A, %dma_start3A_22] : memref<25x80xi32, #tpu.memory_space<vmem>> -> memref<1x80xi32, #tpu.memory_space<vmem>>
      %dma_start3A_24 = tpu.memref_squeeze %dma_start3A_23 : memref<1x80xi32, #tpu.memory_space<vmem>> -> memref<80xi32, #tpu.memory_space<vmem>>
      %dma_start3A_25 = arith.constant 0 : i32
      %dma_start3A_26 = arith.constant 0 : i32
      %dma_start3A_27 = tpu.memref_slice %arg2[%dma_start3A_25, %dma_start3A_26] : memref<10000x128xf32, #tpu.memory_space<hbm>> -> memref<10000x128xf32, #tpu.memory_space<hbm>>
      %dma_start3A_28 = tpu.memref_slice %arg11[%dma_start3A_17] : memref<3x!tpu.dma_semaphore, #tpu.memory_space<semaphore_mem>> -> memref<1x!tpu.dma_semaphore, #tpu.memory_space<semaphore_mem>>
      %dma_start3A_29 = tpu.memref_squeeze %dma_start3A_28 : memref<1x!tpu.dma_semaphore, #tpu.memory_space<semaphore_mem>> -> memref<!tpu.dma_semaphore, #tpu.memory_space<semaphore_mem>>
      tpu.enqueue_indirect_dma source(%dma_start3A_27 : memref<10000x128xf32, #tpu.memory_space<hbm>>) target(%dma_start3A_21 : memref<80x128xf32, #tpu.memory_space<vmem>>) offsets(%dma_start3A_24 : memref<80xi32, #tpu.memory_space<vmem>>) semaphore(%dma_start3A_29 : memref<!tpu.dma_semaphore, #tpu.memory_space<semaphore_mem>>)
      %dma_start3A_30 = arith.constant 1 : i32
      %dma_start3A_31 = arith.constant 1 : i32
      %dma_start3A_32 = arith.constant 1 : i32
      %dma_start3A_33 = arith.constant 0 : i32
      %dma_start3A_34 = arith.constant 0 : i32
      %dma_start3A_35 = tpu.memref_slice %arg9[%dma_start3A_31, %dma_start3A_33, %dma_start3A_34] : memref<3x80x128xf32, #tpu.memory_space<vmem>> -> memref<1x80x128xf32, #tpu.memory_space<vmem>>
      %dma_start3A_36 = tpu.memref_squeeze %dma_start3A_35 : memref<1x80x128xf32, #tpu.memory_space<vmem>> -> memref<80x128xf32, #tpu.memory_space<vmem>>
      %dma_start3A_37 = arith.constant 0 : i32
      %dma_start3A_38 = tpu.memref_slice %arg7[%dma_start3A_30, %dma_start3A_37] : memref<25x80xi32, #tpu.memory_space<vmem>> -> memref<1x80xi32, #tpu.memory_space<vmem>>
      %dma_start3A_39 = tpu.memref_squeeze %dma_start3A_38 : memref<1x80xi32, #tpu.memory_space<vmem>> -> memref<80xi32, #tpu.memory_space<vmem>>
      %dma_start3A_40 = arith.constant 0 : i32
      %dma_start3A_41 = arith.constant 0 : i32
      %dma_start3A_42 = tpu.memref_slice %arg2[%dma_start3A_40, %dma_start3A_41] : memref<10000x128xf32, #tpu.memory_space<hbm>> -> memref<10000x128xf32, #tpu.memory_space<hbm>>
      %dma_start3A_43 = tpu.memref_slice %arg11[%dma_start3A_32] : memref<3x!tpu.dma_semaphore, #tpu.memory_space<semaphore_mem>> -> memref<1x!tpu.dma_semaphore, #tpu.memory_space<semaphore_mem>>
      %dma_start3A_44 = tpu.memref_squeeze %dma_start3A_43 : memref<1x!tpu.dma_semaphore, #tpu.memory_space<semaphore_mem>> -> memref<!tpu.dma_semaphore, #tpu.memory_space<semaphore_mem>>
      tpu.enqueue_indirect_dma source(%dma_start3A_42 : memref<10000x128xf32, #tpu.memory_space<hbm>>) target(%dma_start3A_36 : memref<80x128xf32, #tpu.memory_space<vmem>>) offsets(%dma_start3A_39 : memref<80xi32, #tpu.memory_space<vmem>>) semaphore(%dma_start3A_44 : memref<!tpu.dma_semaphore, #tpu.memory_space<semaphore_mem>>)
      %dma_start3A_45 = arith.constant 2 : i32
      %dma_start3A_46 = arith.constant 2 : i32
      %dma_start3A_47 = arith.constant 2 : i32
      %dma_start3A_48 = arith.constant 0 : i32
      %dma_start3A_49 = arith.constant 0 : i32
      %dma_start3A_50 = tpu.memref_slice %arg9[%dma_start3A_46, %dma_start3A_48, %dma_start3A_49] : memref<3x80x128xf32, #tpu.memory_space<vmem>> -> memref<1x80x128xf32, #tpu.memory_space<vmem>>
      %dma_start3A_51 = tpu.memref_squeeze %dma_start3A_50 : memref<1x80x128xf32, #tpu.memory_space<vmem>> -> memref<80x128xf32, #tpu.memory_space<vmem>>
      %dma_start3A_52 = arith.constant 0 : i32
      %dma_start3A_53 = tpu.memref_slice %arg7[%dma_start3A_45, %dma_start3A_52] : memref<25x80xi32, #tpu.memory_space<vmem>> -> memref<1x80xi32, #tpu.memory_space<vmem>>
      %dma_start3A_54 = tpu.memref_squeeze %dma_start3A_53 : memref<1x80xi32, #tpu.memory_space<vmem>> -> memref<80xi32, #tpu.memory_space<vmem>>
      %dma_start3A_55 = arith.constant 0 : i32
      %dma_start3A_56 = arith.constant 0 : i32
      %dma_start3A_57 = tpu.memref_slice %arg2[%dma_start3A_55, %dma_start3A_56] : memref<10000x128xf32, #tpu.memory_space<hbm>> -> memref<10000x128xf32, #tpu.memory_space<hbm>>
      %dma_start3A_58 = tpu.memref_slice %arg11[%dma_start3A_47] : memref<3x!tpu.dma_semaphore, #tpu.memory_space<semaphore_mem>> -> memref<1x!tpu.dma_semaphore, #tpu.memory_space<semaphore_mem>>
      %dma_start3A_59 = tpu.memref_squeeze %dma_start3A_58 : memref<1x!tpu.dma_semaphore, #tpu.memory_space<semaphore_mem>> -> memref<!tpu.dma_semaphore, #tpu.memory_space<semaphore_mem>>
      tpu.enqueue_indirect_dma source(%dma_start3A_57 : memref<10000x128xf32, #tpu.memory_space<hbm>>) target(%dma_start3A_51 : memref<80x128xf32, #tpu.memory_space<vmem>>) offsets(%dma_start3A_54 : memref<80xi32, #tpu.memory_space<vmem>>) semaphore(%dma_start3A_59 : memref<!tpu.dma_semaphore, #tpu.memory_space<semaphore_mem>>)
      %scan3A_60 = arith.constant 0 : i32
      %scan3A_61 = arith.constant 25 : i32
      %scan3A_62 = arith.addi %scan3A_60, %scan3A_61 : i32
      %scan3A_63 = arith.constant 1 : i32
      scf.for %scan3A_65 = %scan3A_60 to %scan3A_62 step %scan3A_63  : i32 {
        %rem3A = arith.constant 3 : i32
        %rem3A_66 = arith.remsi %scan3A_65, %rem3A : i32
        %dma_wait3A = arith.constant 0 : i32
        %dma_wait3A_67 = arith.constant 0 : i32
        %dma_wait3A_68 = tpu.memref_slice %arg9[%rem3A_66, %dma_wait3A, %dma_wait3A_67] : memref<3x80x128xf32, #tpu.memory_space<vmem>> -> memref<1x80x128xf32, #tpu.memory_space<vmem>>
        %dma_wait3A_69 = tpu.memref_squeeze %dma_wait3A_68 : memref<1x80x128xf32, #tpu.memory_space<vmem>> -> memref<80x128xf32, #tpu.memory_space<vmem>>
        %dma_wait3A_70 = arith.constant 0 : i32
        %dma_wait3A_71 = tpu.memref_slice %arg7[%scan3A_65, %dma_wait3A_70] : memref<25x80xi32, #tpu.memory_space<vmem>> -> memref<1x80xi32, #tpu.memory_space<vmem>>
        %dma_wait3A_72 = tpu.memref_squeeze %dma_wait3A_71 : memref<1x80xi32, #tpu.memory_space<vmem>> -> memref<80xi32, #tpu.memory_space<vmem>>
        %dma_wait3A_73 = arith.constant 0 : i32
        %dma_wait3A_74 = arith.constant 0 : i32
        %dma_wait3A_75 = tpu.memref_slice %arg2[%dma_wait3A_73, %dma_wait3A_74] : memref<10000x128xf32, #tpu.memory_space<hbm>> -> memref<10000x128xf32, #tpu.memory_space<hbm>>
        %dma_wait3A_76 = tpu.memref_slice %arg11[%rem3A_66] : memref<3x!tpu.dma_semaphore, #tpu.memory_space<semaphore_mem>> -> memref<1x!tpu.dma_semaphore, #tpu.memory_space<semaphore_mem>>
        %dma_wait3A_77 = tpu.memref_squeeze %dma_wait3A_76 : memref<1x!tpu.dma_semaphore, #tpu.memory_space<semaphore_mem>> -> memref<!tpu.dma_semaphore, #tpu.memory_space<semaphore_mem>>
        tpu.wait_indirect_dma semaphore(%dma_wait3A_77 : memref<!tpu.dma_semaphore, #tpu.memory_space<semaphore_mem>>) src(%dma_wait3A_75 : memref<10000x128xf32, #tpu.memory_space<hbm>>) dst(%dma_wait3A_69 : memref<80x128xf32, #tpu.memory_space<vmem>>)
        "tpu.region"() ({
          %run_scoped3A = tpu.sem_alloc : memref<!tpu.dma_semaphore, #tpu.memory_space<semaphore_mem>>
          %dma_start3A_82 = arith.constant 0 : i32
          %dma_start3A_83 = arith.constant 0 : i32
          %dma_start3A_84 = tpu.memref_slice %arg9[%rem3A_66, %dma_start3A_82, %dma_start3A_83] : memref<3x80x128xf32, #tpu.memory_space<vmem>> -> memref<1x80x128xf32, #tpu.memory_space<vmem>>
          %dma_start3A_85 = tpu.memref_squeeze %dma_start3A_84 : memref<1x80x128xf32, #tpu.memory_space<vmem>> -> memref<80x128xf32, #tpu.memory_space<vmem>>
          %dma_start3A_86 = arith.constant 0 : i32
          %dma_start3A_87 = tpu.memref_slice %arg8[%scan3A_65, %dma_start3A_86] : memref<25x80xi32, #tpu.memory_space<vmem>> -> memref<1x80xi32, #tpu.memory_space<vmem>>
          %dma_start3A_88 = tpu.memref_squeeze %dma_start3A_87 : memref<1x80xi32, #tpu.memory_space<vmem>> -> memref<80xi32, #tpu.memory_space<vmem>>
          %dma_start3A_89 = arith.constant 0 : i32
          %dma_start3A_90 = arith.constant 0 : i32
          %dma_start3A_91 = tpu.memref_slice %arg10[%dma_start3A_89, %dma_start3A_90] : memref<10000x128xf32, #tpu.memory_space<vmem_shared>> -> memref<10000x128xf32, #tpu.memory_space<vmem_shared>>
          tpu.enqueue_indirect_dma source(%dma_start3A_85 : memref<80x128xf32, #tpu.memory_space<vmem>>) target(%dma_start3A_91 : memref<10000x128xf32, #tpu.memory_space<vmem_shared>>) offsets(%dma_start3A_88 : memref<80xi32, #tpu.memory_space<vmem>>) semaphore(%run_scoped3A : memref<!tpu.dma_semaphore, #tpu.memory_space<semaphore_mem>>) {add = true}
          %dma_wait3A_92 = arith.constant 0 : i32
          %dma_wait3A_93 = arith.constant 0 : i32
          %dma_wait3A_94 = tpu.memref_slice %arg9[%rem3A_66, %dma_wait3A_92, %dma_wait3A_93] : memref<3x80x128xf32, #tpu.memory_space<vmem>> -> memref<1x80x128xf32, #tpu.memory_space<vmem>>
          %dma_wait3A_95 = tpu.memref_squeeze %dma_wait3A_94 : memref<1x80x128xf32, #tpu.memory_space<vmem>> -> memref<80x128xf32, #tpu.memory_space<vmem>>
          %dma_wait3A_96 = arith.constant 0 : i32
          %dma_wait3A_97 = tpu.memref_slice %arg8[%scan3A_65, %dma_wait3A_96] : memref<25x80xi32, #tpu.memory_space<vmem>> -> memref<1x80xi32, #tpu.memory_space<vmem>>
          %dma_wait3A_98 = tpu.memref_squeeze %dma_wait3A_97 : memref<1x80xi32, #tpu.memory_space<vmem>> -> memref<80xi32, #tpu.memory_space<vmem>>
          %dma_wait3A_99 = arith.constant 0 : i32
          %dma_wait3A_100 = arith.constant 0 : i32
          %dma_wait3A_101 = tpu.memref_slice %arg10[%dma_wait3A_99, %dma_wait3A_100] : memref<10000x128xf32, #tpu.memory_space<vmem_shared>> -> memref<10000x128xf32, #tpu.memory_space<vmem_shared>>
          tpu.wait_indirect_dma semaphore(%run_scoped3A : memref<!tpu.dma_semaphore, #tpu.memory_space<semaphore_mem>>) src(%dma_wait3A_95 : memref<80x128xf32, #tpu.memory_space<vmem>>) dst(%dma_wait3A_101 : memref<10000x128xf32, #tpu.memory_space<vmem_shared>>)
          tpu.yield
        }) : () -> ()
        %add3A_78 = arith.constant 3 : i32
        %add3A_79 = arith.addi %scan3A_65, %add3A_78 : i32
        %lt3A = arith.constant 25 : i32
        %lt3A_80 = arith.cmpi slt, %add3A_79, %lt3A : i32
        %convert_element_type3A = arith.extui %lt3A_80 : i1 to i32
        %cond3A = arith.constant 0 : i32
        %cond3A_81 = arith.cmpi ne, %convert_element_type3A, %cond3A : i32
        scf.if %cond3A_81 {
          %add3A_82 = arith.constant 3 : i32
          %add3A_83 = arith.addi %scan3A_65, %add3A_82 : i32
          %dma_start3A_84 = arith.constant 0 : i32
          %dma_start3A_85 = arith.constant 0 : i32
          %dma_start3A_86 = tpu.memref_slice %arg9[%rem3A_66, %dma_start3A_84, %dma_start3A_85] : memref<3x80x128xf32, #tpu.memory_space<vmem>> -> memref<1x80x128xf32, #tpu.memory_space<vmem>>
          %dma_start3A_87 = tpu.memref_squeeze %dma_start3A_86 : memref<1x80x128xf32, #tpu.memory_space<vmem>> -> memref<80x128xf32, #tpu.memory_space<vmem>>
          %dma_start3A_88 = arith.constant 0 : i32
          %dma_start3A_89 = tpu.memref_slice %arg7[%add3A_83, %dma_start3A_88] : memref<25x80xi32, #tpu.memory_space<vmem>> -> memref<1x80xi32, #tpu.memory_space<vmem>>
          %dma_start3A_90 = tpu.memref_squeeze %dma_start3A_89 : memref<1x80xi32, #tpu.memory_space<vmem>> -> memref<80xi32, #tpu.memory_space<vmem>>
          %dma_start3A_91 = arith.constant 0 : i32
          %dma_start3A_92 = arith.constant 0 : i32
          %dma_start3A_93 = tpu.memref_slice %arg2[%dma_start3A_91, %dma_start3A_92] : memref<10000x128xf32, #tpu.memory_space<hbm>> -> memref<10000x128xf32, #tpu.memory_space<hbm>>
          %dma_start3A_94 = tpu.memref_slice %arg11[%rem3A_66] : memref<3x!tpu.dma_semaphore, #tpu.memory_space<semaphore_mem>> -> memref<1x!tpu.dma_semaphore, #tpu.memory_space<semaphore_mem>>
          %dma_start3A_95 = tpu.memref_squeeze %dma_start3A_94 : memref<1x!tpu.dma_semaphore, #tpu.memory_space<semaphore_mem>> -> memref<!tpu.dma_semaphore, #tpu.memory_space<semaphore_mem>>
          tpu.enqueue_indirect_dma source(%dma_start3A_93 : memref<10000x128xf32, #tpu.memory_space<hbm>>) target(%dma_start3A_87 : memref<80x128xf32, #tpu.memory_space<vmem>>) offsets(%dma_start3A_90 : memref<80xi32, #tpu.memory_space<vmem>>) semaphore(%dma_start3A_95 : memref<!tpu.dma_semaphore, #tpu.memory_space<semaphore_mem>>)
        } else {
        }
      }
      %scan3A_64 = arith.constant 25 : i32
    }
    %scan3A_9 = arith.constant 5 : i32
    %barrier3A_10 = arith.constant 0 : index
    tpu.barrier barrier_id(%barrier3A_10)
    %mul3A_11 = arith.constant 624 : i32
    %mul3A_12 = arith.muli %arg1, %mul3A_11 : i32
    %mul3A_13 = arith.constant 624 : i32
    %mul3A_14 = arith.muli %arg1, %mul3A_13 : i32
    "tpu.region"() ({
      %run_scoped3A = tpu.sem_alloc : memref<!tpu.dma_semaphore, #tpu.memory_space<semaphore_mem>>
      %dma_start3A = arith.constant 0 : i32
      %dma_start3A_15 = tpu.memref_slice %arg6[%arg0, %mul3A_14, %dma_start3A] : memref<2x10000x128xf32, #tpu.memory_space<hbm>> -> memref<1x640x128xf32, #tpu.memory_space<hbm>>
      %dma_start3A_16 = tpu.memref_squeeze %dma_start3A_15 : memref<1x640x128xf32, #tpu.memory_space<hbm>> -> memref<640x128xf32, #tpu.memory_space<hbm>>
      %dma_start3A_17 = arith.constant 0 : i32
      %dma_start3A_18 = tpu.memref_slice %arg10[%mul3A_12, %dma_start3A_17] : memref<10000x128xf32, #tpu.memory_space<vmem_shared>> -> memref<640x128xf32, #tpu.memory_space<vmem_shared>>
      tpu.enqueue_dma source(%dma_start3A_18 : memref<640x128xf32, #tpu.memory_space<vmem_shared>>) target(%dma_start3A_16 : memref<640x128xf32, #tpu.memory_space<hbm>>) target_semaphore(%run_scoped3A : memref<!tpu.dma_semaphore, #tpu.memory_space<semaphore_mem>>)
      %dma_wait3A = arith.constant 0 : i32
      %dma_wait3A_19 = tpu.memref_slice %arg6[%arg0, %mul3A_14, %dma_wait3A] : memref<2x10000x128xf32, #tpu.memory_space<hbm>> -> memref<1x640x128xf32, #tpu.memory_space<hbm>>
      %dma_wait3A_20 = tpu.memref_squeeze %dma_wait3A_19 : memref<1x640x128xf32, #tpu.memory_space<hbm>> -> memref<640x128xf32, #tpu.memory_space<hbm>>
      %dma_wait3A_21 = arith.constant 0 : i32
      %dma_wait3A_22 = tpu.memref_slice %arg10[%mul3A_12, %dma_wait3A_21] : memref<10000x128xf32, #tpu.memory_space<vmem_shared>> -> memref<640x128xf32, #tpu.memory_space<vmem_shared>>
      tpu.wait_dma2 semaphore(%run_scoped3A : memref<!tpu.dma_semaphore, #tpu.memory_space<semaphore_mem>>) src(%dma_wait3A_22 : memref<640x128xf32, #tpu.memory_space<vmem_shared>>) dst(%dma_wait3A_20 : memref<640x128xf32, #tpu.memory_space<hbm>>)
      tpu.yield
    }) : () -> ()
    return
  }
}

module attributes {stable_mosaic.version = 14 : i64} {
  func.func @_lin_in_body(%arg0: memref<10000x128xf32, #tpu.memory_space<vmem>>, %arg1: memref<128x128xf32, #tpu.memory_space<vmem>>, %arg2: memref<1x128xf32, #tpu.memory_space<vmem>>, %arg3: memref<10000x128xf32, #tpu.memory_space<vmem>>) attributes {dimension_semantics = [], scalar_prefetch = 0 : i64, scratch_operands = 0 : i64, tpu.core_type = #tpu.core_type<tc>} {
    %get3A = arith.constant 0 : index
    %get3A_0 = arith.constant 0 : index
    %get3A_1 = vector.load %arg0[%get3A, %get3A_0] : memref<10000x128xf32, #tpu.memory_space<vmem>>, vector<10000x128xf32>
    %get3A_2 = arith.constant 0 : index
    %get3A_3 = arith.constant 0 : index
    %get3A_4 = vector.load %arg1[%get3A_2, %get3A_3] : memref<128x128xf32, #tpu.memory_space<vmem>>, vector<128x128xf32>
    %dot_general3A = arith.constant dense<0.000000e+00> : vector<10000x128xf32>
    %dot_general3A_5 = tpu.matmul %get3A_1, %get3A_4, %dot_general3A {dimension_numbers = #tpu.dot_dimension_numbers<[1], [0], [0], [1], [0, 0, 1, 1], [], []>, transpose_lhs_hint = false} : vector<10000x128xf32>, vector<128x128xf32>, vector<10000x128xf32> -> vector<10000x128xf32>
    %get3A_6 = arith.constant 0 : index
    %get3A_7 = arith.constant 0 : index
    %get3A_8 = vector.load %arg2[%get3A_6, %get3A_7] : memref<1x128xf32, #tpu.memory_space<vmem>>, vector<1x128xf32>
    %add3A = vector.broadcast %get3A_8 : vector<1x128xf32> to vector<10000x128xf32>
    %add3A_9 = arith.addf %dot_general3A_5, %add3A : vector<10000x128xf32>
    %swap3A = arith.constant 0 : index
    %swap3A_10 = arith.constant 0 : index
    %swap3A_11 = vector.load %arg3[%swap3A, %swap3A_10] : memref<10000x128xf32, #tpu.memory_space<vmem>>, vector<10000x128xf32>
    tpu.vector_store %arg3[%swap3A, %swap3A_10], %add3A_9 {strides = array<i32>} : memref<10000x128xf32, #tpu.memory_space<vmem>>, vector<10000x128xf32>,
    return
  }
}

module attributes {stable_mosaic.version = 14 : i64} {
  func.func @_layer_body(%arg0: memref<10000x128xf32, #tpu.memory_space<vmem>>, %arg1: memref<2x10000x128xf32, #tpu.memory_space<vmem>>, %arg2: memref<128x128xf32, #tpu.memory_space<vmem>>, %arg3: memref<1x128xf32, #tpu.memory_space<vmem>>, %arg4: memref<128x128xf32, #tpu.memory_space<vmem>>, %arg5: memref<1x128xf32, #tpu.memory_space<vmem>>, %arg6: memref<1x128xf32, #tpu.memory_space<vmem>>, %arg7: memref<1x128xf32, #tpu.memory_space<vmem>>, %arg8: memref<10000x128xf32, #tpu.memory_space<vmem>>, %arg9: memref<10000x128xf32, #tpu.memory_space<vmem>>) attributes {dimension_semantics = [], scalar_prefetch = 0 : i64, scratch_operands = 1 : i64, tpu.core_type = #tpu.core_type<tc>} {
    %get3A = arith.constant 0 : index
    %get3A_0 = arith.constant 0 : index
    %get3A_1 = vector.load %arg0[%get3A, %get3A_0] : memref<10000x128xf32, #tpu.memory_space<vmem>>, vector<10000x128xf32>
    %get3A_2 = arith.constant 0 : index
    %get3A_3 = arith.constant 0 : index
    %get3A_4 = arith.constant 0 : index
    %get3A_5 = vector.load %arg1[%get3A_2, %get3A_3, %get3A_4] : memref<2x10000x128xf32, #tpu.memory_space<vmem>>, vector<1x10000x128xf32>
    %get3A_6 = vector.shape_cast %get3A_5 : vector<1x10000x128xf32> to vector<10000x128xf32>
    %add3A = arith.addf %get3A_1, %get3A_6 : vector<10000x128xf32>
    %get3A_7 = arith.constant 1 : index
    %get3A_8 = arith.constant 0 : index
    %get3A_9 = arith.constant 0 : index
    %get3A_10 = vector.load %arg1[%get3A_7, %get3A_8, %get3A_9] : memref<2x10000x128xf32, #tpu.memory_space<vmem>>, vector<1x10000x128xf32>
    %get3A_11 = vector.shape_cast %get3A_10 : vector<1x10000x128xf32> to vector<10000x128xf32>
    %add3A_12 = arith.addf %add3A, %get3A_11 : vector<10000x128xf32>
    %get3A_13 = arith.constant 0 : index
    %get3A_14 = arith.constant 0 : index
    %get3A_15 = vector.load %arg2[%get3A_13, %get3A_14] : memref<128x128xf32, #tpu.memory_space<vmem>>, vector<128x128xf32>
    %dot_general3A = arith.constant dense<0.000000e+00> : vector<10000x128xf32>
    %dot_general3A_16 = tpu.matmul %add3A_12, %get3A_15, %dot_general3A {dimension_numbers = #tpu.dot_dimension_numbers<[1], [0], [0], [1], [0, 0, 1, 1], [], []>, transpose_lhs_hint = false} : vector<10000x128xf32>, vector<128x128xf32>, vector<10000x128xf32> -> vector<10000x128xf32>
    %get3A_17 = arith.constant 0 : index
    %get3A_18 = arith.constant 0 : index
    %get3A_19 = vector.load %arg3[%get3A_17, %get3A_18] : memref<1x128xf32, #tpu.memory_space<vmem>>, vector<1x128xf32>
    %add3A_20 = vector.broadcast %get3A_19 : vector<1x128xf32> to vector<10000x128xf32>
    %add3A_21 = arith.addf %dot_general3A_16, %add3A_20 : vector<10000x128xf32>
    %max3A = arith.constant 0.000000e+00 : f32
    %max3A_22 = vector.broadcast %max3A : f32 to vector<10000x128xf32>
    %max3A_23 = arith.maximumf %add3A_21, %max3A_22 : vector<10000x128xf32>
    %get3A_24 = arith.constant 0 : index
    %get3A_25 = arith.constant 0 : index
    %get3A_26 = vector.load %arg4[%get3A_24, %get3A_25] : memref<128x128xf32, #tpu.memory_space<vmem>>, vector<128x128xf32>
    %dot_general3A_27 = arith.constant dense<0.000000e+00> : vector<10000x128xf32>
    %dot_general3A_28 = tpu.matmul %max3A_23, %get3A_26, %dot_general3A_27 {dimension_numbers = #tpu.dot_dimension_numbers<[1], [0], [0], [1], [0, 0, 1, 1], [], []>, transpose_lhs_hint = false} : vector<10000x128xf32>, vector<128x128xf32>, vector<10000x128xf32> -> vector<10000x128xf32>
    %get3A_29 = arith.constant 0 : index
    %get3A_30 = arith.constant 0 : index
    %get3A_31 = vector.load %arg5[%get3A_29, %get3A_30] : memref<1x128xf32, #tpu.memory_space<vmem>>, vector<1x128xf32>
    %add3A_32 = vector.broadcast %get3A_31 : vector<1x128xf32> to vector<10000x128xf32>
    %add3A_33 = arith.addf %dot_general3A_28, %add3A_32 : vector<10000x128xf32>
    %swap3A = arith.constant 0 : index
    %swap3A_34 = arith.constant 0 : index
    %swap3A_35 = vector.load %arg9[%swap3A, %swap3A_34] : memref<10000x128xf32, #tpu.memory_space<vmem>>, vector<10000x128xf32>
    tpu.vector_store %arg9[%swap3A, %swap3A_34], %add3A_33 {strides = array<i32>} : memref<10000x128xf32, #tpu.memory_space<vmem>>, vector<10000x128xf32>,
    %broadcast_in_dim3A = arith.constant 0.000000e+00 : f32
    %broadcast_in_dim3A_36 = vector.broadcast %broadcast_in_dim3A : f32 to vector<8x128xf32>
    %scan3A = arith.constant 0 : i32
    %scan3A_37 = arith.constant 25 : i32
    %scan3A_38 = arith.addi %scan3A, %scan3A_37 : i32
    %scan3A_39 = arith.constant 1 : i32
    %scan3A_40 = scf.for %scan3A_132 = %scan3A to %scan3A_38 step %scan3A_39 iter_args(%scan3A_133 = %broadcast_in_dim3A_36) -> (vector<8x128xf32>)  : i32 {
      %mul3A_134 = arith.constant 25 : i32
      %mul3A_135 = arith.muli %scan3A_132, %mul3A_134 : i32
      %add3A_136 = arith.constant 0 : i32
      %add3A_137 = arith.addi %add3A_136, %mul3A_135 : i32
      %add3A_138 = arith.constant 0 : i32
      %add3A_139 = arith.addi %add3A_137, %add3A_138 : i32
      %mul3A_140 = arith.constant 8 : i32
      %mul3A_141 = arith.muli %add3A_139, %mul3A_140 : i32
      %get3A_142 = arith.index_cast %mul3A_141 : i32 to index
      %get3A_143 = arith.constant 0 : index
      %get3A_144 = vector.load %arg9[%get3A_142, %get3A_143] : memref<10000x128xf32, #tpu.memory_space<vmem>>, vector<8x128xf32>
      %add3A_145 = arith.addf %scan3A_133, %get3A_144 : vector<8x128xf32>
      %add3A_146 = arith.constant 1 : i32
      %add3A_147 = arith.addi %add3A_137, %add3A_146 : i32
      %mul3A_148 = arith.constant 8 : i32
      %mul3A_149 = arith.muli %add3A_147, %mul3A_148 : i32
      %get3A_150 = arith.index_cast %mul3A_149 : i32 to index
      %get3A_151 = arith.constant 0 : index
      %get3A_152 = vector.load %arg9[%get3A_150, %get3A_151] : memref<10000x128xf32, #tpu.memory_space<vmem>>, vector<8x128xf32>
      %add3A_153 = arith.addf %add3A_145, %get3A_152 : vector<8x128xf32>
      %add3A_154 = arith.constant 2 : i32
      %add3A_155 = arith.addi %add3A_137, %add3A_154 : i32
      %mul3A_156 = arith.constant 8 : i32
      %mul3A_157 = arith.muli %add3A_155, %mul3A_156 : i32
      %get3A_158 = arith.index_cast %mul3A_157 : i32 to index
      %get3A_159 = arith.constant 0 : index
      %get3A_160 = vector.load %arg9[%get3A_158, %get3A_159] : memref<10000x128xf32, #tpu.memory_space<vmem>>, vector<8x128xf32>
      %add3A_161 = arith.addf %add3A_153, %get3A_160 : vector<8x128xf32>
      %add3A_162 = arith.constant 3 : i32
      %add3A_163 = arith.addi %add3A_137, %add3A_162 : i32
      %mul3A_164 = arith.constant 8 : i32
      %mul3A_165 = arith.muli %add3A_163, %mul3A_164 : i32
      %get3A_166 = arith.index_cast %mul3A_165 : i32 to index
      %get3A_167 = arith.constant 0 : index
      %get3A_168 = vector.load %arg9[%get3A_166, %get3A_167] : memref<10000x128xf32, #tpu.memory_space<vmem>>, vector<8x128xf32>
      %add3A_169 = arith.addf %add3A_161, %get3A_168 : vector<8x128xf32>
      %add3A_170 = arith.constant 4 : i32
      %add3A_171 = arith.addi %add3A_137, %add3A_170 : i32
      %mul3A_172 = arith.constant 8 : i32
      %mul3A_173 = arith.muli %add3A_171, %mul3A_172 : i32
      %get3A_174 = arith.index_cast %mul3A_173 : i32 to index
      %get3A_175 = arith.constant 0 : index
      %get3A_176 = vector.load %arg9[%get3A_174, %get3A_175] : memref<10000x128xf32, #tpu.memory_space<vmem>>, vector<8x128xf32>
      %add3A_177 = arith.addf %add3A_169, %get3A_176 : vector<8x128xf32>
      %add3A_178 = arith.constant 5 : i32
      %add3A_179 = arith.addi %add3A_137, %add3A_178 : i32
      %mul3A_180 = arith.constant 8 : i32
      %mul3A_181 = arith.muli %add3A_179, %mul3A_180 : i32
      %get3A_182 = arith.index_cast %mul3A_181 : i32 to index
      %get3A_183 = arith.constant 0 : index
      %get3A_184 = vector.load %arg9[%get3A_182, %get3A_183] : memref<10000x128xf32, #tpu.memory_space<vmem>>, vector<8x128xf32>
      %add3A_185 = arith.addf %add3A_177, %get3A_184 : vector<8x128xf32>
      %add3A_186 = arith.constant 6 : i32
      %add3A_187 = arith.addi %add3A_137, %add3A_186 : i32
      %mul3A_188 = arith.constant 8 : i32
      %mul3A_189 = arith.muli %add3A_187, %mul3A_188 : i32
      %get3A_190 = arith.index_cast %mul3A_189 : i32 to index
      %get3A_191 = arith.constant 0 : index
      %get3A_192 = vector.load %arg9[%get3A_190, %get3A_191] : memref<10000x128xf32, #tpu.memory_space<vmem>>, vector<8x128xf32>
      %add3A_193 = arith.addf %add3A_185, %get3A_192 : vector<8x128xf32>
      %add3A_194 = arith.constant 7 : i32
      %add3A_195 = arith.addi %add3A_137, %add3A_194 : i32
      %mul3A_196 = arith.constant 8 : i32
      %mul3A_197 = arith.muli %add3A_195, %mul3A_196 : i32
      %get3A_198 = arith.index_cast %mul3A_197 : i32 to index
      %get3A_199 = arith.constant 0 : index
      %get3A_200 = vector.load %arg9[%get3A_198, %get3A_199] : memref<10000x128xf32, #tpu.memory_space<vmem>>, vector<8x128xf32>
      %add3A_201 = arith.addf %add3A_193, %get3A_200 : vector<8x128xf32>
      %add3A_202 = arith.constant 8 : i32
      %add3A_203 = arith.addi %add3A_137, %add3A_202 : i32
      %mul3A_204 = arith.constant 8 : i32
      %mul3A_205 = arith.muli %add3A_203, %mul3A_204 : i32
      %get3A_206 = arith.index_cast %mul3A_205 : i32 to index
      %get3A_207 = arith.constant 0 : index
      %get3A_208 = vector.load %arg9[%get3A_206, %get3A_207] : memref<10000x128xf32, #tpu.memory_space<vmem>>, vector<8x128xf32>
      %add3A_209 = arith.addf %add3A_201, %get3A_208 : vector<8x128xf32>
      %add3A_210 = arith.constant 9 : i32
      %add3A_211 = arith.addi %add3A_137, %add3A_210 : i32
      %mul3A_212 = arith.constant 8 : i32
      %mul3A_213 = arith.muli %add3A_211, %mul3A_212 : i32
      %get3A_214 = arith.index_cast %mul3A_213 : i32 to index
      %get3A_215 = arith.constant 0 : index
      %get3A_216 = vector.load %arg9[%get3A_214, %get3A_215] : memref<10000x128xf32, #tpu.memory_space<vmem>>, vector<8x128xf32>
      %add3A_217 = arith.addf %add3A_209, %get3A_216 : vector<8x128xf32>
      %add3A_218 = arith.constant 10 : i32
      %add3A_219 = arith.addi %add3A_137, %add3A_218 : i32
      %mul3A_220 = arith.constant 8 : i32
      %mul3A_221 = arith.muli %add3A_219, %mul3A_220 : i32
      %get3A_222 = arith.index_cast %mul3A_221 : i32 to index
      %get3A_223 = arith.constant 0 : index
      %get3A_224 = vector.load %arg9[%get3A_222, %get3A_223] : memref<10000x128xf32, #tpu.memory_space<vmem>>, vector<8x128xf32>
      %add3A_225 = arith.addf %add3A_217, %get3A_224 : vector<8x128xf32>
      %add3A_226 = arith.constant 11 : i32
      %add3A_227 = arith.addi %add3A_137, %add3A_226 : i32
      %mul3A_228 = arith.constant 8 : i32
      %mul3A_229 = arith.muli %add3A_227, %mul3A_228 : i32
      %get3A_230 = arith.index_cast %mul3A_229 : i32 to index
      %get3A_231 = arith.constant 0 : index
      %get3A_232 = vector.load %arg9[%get3A_230, %get3A_231] : memref<10000x128xf32, #tpu.memory_space<vmem>>, vector<8x128xf32>
      %add3A_233 = arith.addf %add3A_225, %get3A_232 : vector<8x128xf32>
      %add3A_234 = arith.constant 12 : i32
      %add3A_235 = arith.addi %add3A_137, %add3A_234 : i32
      %mul3A_236 = arith.constant 8 : i32
      %mul3A_237 = arith.muli %add3A_235, %mul3A_236 : i32
      %get3A_238 = arith.index_cast %mul3A_237 : i32 to index
      %get3A_239 = arith.constant 0 : index
      %get3A_240 = vector.load %arg9[%get3A_238, %get3A_239] : memref<10000x128xf32, #tpu.memory_space<vmem>>, vector<8x128xf32>
      %add3A_241 = arith.addf %add3A_233, %get3A_240 : vector<8x128xf32>
      %add3A_242 = arith.constant 13 : i32
      %add3A_243 = arith.addi %add3A_137, %add3A_242 : i32
      %mul3A_244 = arith.constant 8 : i32
      %mul3A_245 = arith.muli %add3A_243, %mul3A_244 : i32
      %get3A_246 = arith.index_cast %mul3A_245 : i32 to index
      %get3A_247 = arith.constant 0 : index
      %get3A_248 = vector.load %arg9[%get3A_246, %get3A_247] : memref<10000x128xf32, #tpu.memory_space<vmem>>, vector<8x128xf32>
      %add3A_249 = arith.addf %add3A_241, %get3A_248 : vector<8x128xf32>
      %add3A_250 = arith.constant 14 : i32
      %add3A_251 = arith.addi %add3A_137, %add3A_250 : i32
      %mul3A_252 = arith.constant 8 : i32
      %mul3A_253 = arith.muli %add3A_251, %mul3A_252 : i32
      %get3A_254 = arith.index_cast %mul3A_253 : i32 to index
      %get3A_255 = arith.constant 0 : index
      %get3A_256 = vector.load %arg9[%get3A_254, %get3A_255] : memref<10000x128xf32, #tpu.memory_space<vmem>>, vector<8x128xf32>
      %add3A_257 = arith.addf %add3A_249, %get3A_256 : vector<8x128xf32>
      %add3A_258 = arith.constant 15 : i32
      %add3A_259 = arith.addi %add3A_137, %add3A_258 : i32
      %mul3A_260 = arith.constant 8 : i32
      %mul3A_261 = arith.muli %add3A_259, %mul3A_260 : i32
      %get3A_262 = arith.index_cast %mul3A_261 : i32 to index
      %get3A_263 = arith.constant 0 : index
      %get3A_264 = vector.load %arg9[%get3A_262, %get3A_263] : memref<10000x128xf32, #tpu.memory_space<vmem>>, vector<8x128xf32>
      %add3A_265 = arith.addf %add3A_257, %get3A_264 : vector<8x128xf32>
      %add3A_266 = arith.constant 16 : i32
      %add3A_267 = arith.addi %add3A_137, %add3A_266 : i32
      %mul3A_268 = arith.constant 8 : i32
      %mul3A_269 = arith.muli %add3A_267, %mul3A_268 : i32
      %get3A_270 = arith.index_cast %mul3A_269 : i32 to index
      %get3A_271 = arith.constant 0 : index
      %get3A_272 = vector.load %arg9[%get3A_270, %get3A_271] : memref<10000x128xf32, #tpu.memory_space<vmem>>, vector<8x128xf32>
      %add3A_273 = arith.addf %add3A_265, %get3A_272 : vector<8x128xf32>
      %add3A_274 = arith.constant 17 : i32
      %add3A_275 = arith.addi %add3A_137, %add3A_274 : i32
      %mul3A_276 = arith.constant 8 : i32
      %mul3A_277 = arith.muli %add3A_275, %mul3A_276 : i32
      %get3A_278 = arith.index_cast %mul3A_277 : i32 to index
      %get3A_279 = arith.constant 0 : index
      %get3A_280 = vector.load %arg9[%get3A_278, %get3A_279] : memref<10000x128xf32, #tpu.memory_space<vmem>>, vector<8x128xf32>
      %add3A_281 = arith.addf %add3A_273, %get3A_280 : vector<8x128xf32>
      %add3A_282 = arith.constant 18 : i32
      %add3A_283 = arith.addi %add3A_137, %add3A_282 : i32
      %mul3A_284 = arith.constant 8 : i32
      %mul3A_285 = arith.muli %add3A_283, %mul3A_284 : i32
      %get3A_286 = arith.index_cast %mul3A_285 : i32 to index
      %get3A_287 = arith.constant 0 : index
      %get3A_288 = vector.load %arg9[%get3A_286, %get3A_287] : memref<10000x128xf32, #tpu.memory_space<vmem>>, vector<8x128xf32>
      %add3A_289 = arith.addf %add3A_281, %get3A_288 : vector<8x128xf32>
      %add3A_290 = arith.constant 19 : i32
      %add3A_291 = arith.addi %add3A_137, %add3A_290 : i32
      %mul3A_292 = arith.constant 8 : i32
      %mul3A_293 = arith.muli %add3A_291, %mul3A_292 : i32
      %get3A_294 = arith.index_cast %mul3A_293 : i32 to index
      %get3A_295 = arith.constant 0 : index
      %get3A_296 = vector.load %arg9[%get3A_294, %get3A_295] : memref<10000x128xf32, #tpu.memory_space<vmem>>, vector<8x128xf32>
      %add3A_297 = arith.addf %add3A_289, %get3A_296 : vector<8x128xf32>
      %add3A_298 = arith.constant 20 : i32
      %add3A_299 = arith.addi %add3A_137, %add3A_298 : i32
      %mul3A_300 = arith.constant 8 : i32
      %mul3A_301 = arith.muli %add3A_299, %mul3A_300 : i32
      %get3A_302 = arith.index_cast %mul3A_301 : i32 to index
      %get3A_303 = arith.constant 0 : index
      %get3A_304 = vector.load %arg9[%get3A_302, %get3A_303] : memref<10000x128xf32, #tpu.memory_space<vmem>>, vector<8x128xf32>
      %add3A_305 = arith.addf %add3A_297, %get3A_304 : vector<8x128xf32>
      %add3A_306 = arith.constant 21 : i32
      %add3A_307 = arith.addi %add3A_137, %add3A_306 : i32
      %mul3A_308 = arith.constant 8 : i32
      %mul3A_309 = arith.muli %add3A_307, %mul3A_308 : i32
      %get3A_310 = arith.index_cast %mul3A_309 : i32 to index
      %get3A_311 = arith.constant 0 : index
      %get3A_312 = vector.load %arg9[%get3A_310, %get3A_311] : memref<10000x128xf32, #tpu.memory_space<vmem>>, vector<8x128xf32>
      %add3A_313 = arith.addf %add3A_305, %get3A_312 : vector<8x128xf32>
      %add3A_314 = arith.constant 22 : i32
      %add3A_315 = arith.addi %add3A_137, %add3A_314 : i32
      %mul3A_316 = arith.constant 8 : i32
      %mul3A_317 = arith.muli %add3A_315, %mul3A_316 : i32
      %get3A_318 = arith.index_cast %mul3A_317 : i32 to index
      %get3A_319 = arith.constant 0 : index
      %get3A_320 = vector.load %arg9[%get3A_318, %get3A_319] : memref<10000x128xf32, #tpu.memory_space<vmem>>, vector<8x128xf32>
      %add3A_321 = arith.addf %add3A_313, %get3A_320 : vector<8x128xf32>
      %add3A_322 = arith.constant 23 : i32
      %add3A_323 = arith.addi %add3A_137, %add3A_322 : i32
      %mul3A_324 = arith.constant 8 : i32
      %mul3A_325 = arith.muli %add3A_323, %mul3A_324 : i32
      %get3A_326 = arith.index_cast %mul3A_325 : i32 to index
      %get3A_327 = arith.constant 0 : index
      %get3A_328 = vector.load %arg9[%get3A_326, %get3A_327] : memref<10000x128xf32, #tpu.memory_space<vmem>>, vector<8x128xf32>
      %add3A_329 = arith.addf %add3A_321, %get3A_328 : vector<8x128xf32>
      %add3A_330 = arith.constant 24 : i32
      %add3A_331 = arith.addi %add3A_137, %add3A_330 : i32
      %mul3A_332 = arith.constant 8 : i32
      %mul3A_333 = arith.muli %add3A_331, %mul3A_332 : i32
      %get3A_334 = arith.index_cast %mul3A_333 : i32 to index
      %get3A_335 = arith.constant 0 : index
      %get3A_336 = vector.load %arg9[%get3A_334, %get3A_335] : memref<10000x128xf32, #tpu.memory_space<vmem>>, vector<8x128xf32>
      %add3A_337 = arith.addf %add3A_329, %get3A_336 : vector<8x128xf32>
      scf.yield %add3A_337 : vector<8x128xf32>
    }
    %scan3A_41 = arith.constant 25 : i32
    %slice3A = vector.extract_strided_slice %scan3A_40 {offsets = [0, 0], sizes = [4, 128], strides = [1, 1]} : vector<8x128xf32> to vector<4x128xf32>
    %slice3A_42 = vector.extract_strided_slice %scan3A_40 {offsets = [4, 0], sizes = [4, 128], strides = [1, 1]} : vector<8x128xf32> to vector<4x128xf32>
    %add3A_43 = arith.addf %slice3A, %slice3A_42 : vector<4x128xf32>
    %slice3A_44 = vector.extract_strided_slice %add3A_43 {offsets = [0, 0], sizes = [2, 128], strides = [1, 1]} : vector<4x128xf32> to vector<2x128xf32>
    %slice3A_45 = vector.extract_strided_slice %add3A_43 {offsets = [2, 0], sizes = [2, 128], strides = [1, 1]} : vector<4x128xf32> to vector<2x128xf32>
    %add3A_46 = arith.addf %slice3A_44, %slice3A_45 : vector<2x128xf32>
    %slice3A_47 = vector.extract_strided_slice %add3A_46 {offsets = [0, 0], sizes = [1, 128], strides = [1, 1]} : vector<2x128xf32> to vector<1x128xf32>
    %slice3A_48 = vector.extract_strided_slice %add3A_46 {offsets = [1, 0], sizes = [1, 128], strides = [1, 1]} : vector<2x128xf32> to vector<1x128xf32>
    %add3A_49 = arith.addf %slice3A_47, %slice3A_48 : vector<1x128xf32>
    %broadcast_in_dim3A_50 = arith.constant 0.000000e+00 : f32
    %broadcast_in_dim3A_51 = vector.broadcast %broadcast_in_dim3A_50 : f32 to vector<8x128xf32>
    %scan3A_52 = arith.constant 0 : i32
    %scan3A_53 = arith.constant 25 : i32
    %scan3A_54 = arith.addi %scan3A_52, %scan3A_53 : i32
    %scan3A_55 = arith.constant 1 : i32
    %scan3A_56 = scf.for %scan3A_132 = %scan3A_52 to %scan3A_54 step %scan3A_55 iter_args(%scan3A_133 = %broadcast_in_dim3A_51) -> (vector<8x128xf32>)  : i32 {
      %mul3A_134 = arith.constant 25 : i32
      %mul3A_135 = arith.muli %scan3A_132, %mul3A_134 : i32
      %add3A_136 = arith.constant 625 : i32
      %add3A_137 = arith.addi %add3A_136, %mul3A_135 : i32
      %add3A_138 = arith.constant 0 : i32
      %add3A_139 = arith.addi %add3A_137, %add3A_138 : i32
      %mul3A_140 = arith.constant 8 : i32
      %mul3A_141 = arith.muli %add3A_139, %mul3A_140 : i32
      %get3A_142 = arith.index_cast %mul3A_141 : i32 to index
      %get3A_143 = arith.constant 0 : index
      %get3A_144 = vector.load %arg9[%get3A_142, %get3A_143] : memref<10000x128xf32, #tpu.memory_space<vmem>>, vector<8x128xf32>
      %add3A_145 = arith.addf %scan3A_133, %get3A_144 : vector<8x128xf32>
      %add3A_146 = arith.constant 1 : i32
      %add3A_147 = arith.addi %add3A_137, %add3A_146 : i32
      %mul3A_148 = arith.constant 8 : i32
      %mul3A_149 = arith.muli %add3A_147, %mul3A_148 : i32
      %get3A_150 = arith.index_cast %mul3A_149 : i32 to index
      %get3A_151 = arith.constant 0 : index
      %get3A_152 = vector.load %arg9[%get3A_150, %get3A_151] : memref<10000x128xf32, #tpu.memory_space<vmem>>, vector<8x128xf32>
      %add3A_153 = arith.addf %add3A_145, %get3A_152 : vector<8x128xf32>
      %add3A_154 = arith.constant 2 : i32
      %add3A_155 = arith.addi %add3A_137, %add3A_154 : i32
      %mul3A_156 = arith.constant 8 : i32
      %mul3A_157 = arith.muli %add3A_155, %mul3A_156 : i32
      %get3A_158 = arith.index_cast %mul3A_157 : i32 to index
      %get3A_159 = arith.constant 0 : index
      %get3A_160 = vector.load %arg9[%get3A_158, %get3A_159] : memref<10000x128xf32, #tpu.memory_space<vmem>>, vector<8x128xf32>
      %add3A_161 = arith.addf %add3A_153, %get3A_160 : vector<8x128xf32>
      %add3A_162 = arith.constant 3 : i32
      %add3A_163 = arith.addi %add3A_137, %add3A_162 : i32
      %mul3A_164 = arith.constant 8 : i32
      %mul3A_165 = arith.muli %add3A_163, %mul3A_164 : i32
      %get3A_166 = arith.index_cast %mul3A_165 : i32 to index
      %get3A_167 = arith.constant 0 : index
      %get3A_168 = vector.load %arg9[%get3A_166, %get3A_167] : memref<10000x128xf32, #tpu.memory_space<vmem>>, vector<8x128xf32>
      %add3A_169 = arith.addf %add3A_161, %get3A_168 : vector<8x128xf32>
      %add3A_170 = arith.constant 4 : i32
      %add3A_171 = arith.addi %add3A_137, %add3A_170 : i32
      %mul3A_172 = arith.constant 8 : i32
      %mul3A_173 = arith.muli %add3A_171, %mul3A_172 : i32
      %get3A_174 = arith.index_cast %mul3A_173 : i32 to index
      %get3A_175 = arith.constant 0 : index
      %get3A_176 = vector.load %arg9[%get3A_174, %get3A_175] : memref<10000x128xf32, #tpu.memory_space<vmem>>, vector<8x128xf32>
      %add3A_177 = arith.addf %add3A_169, %get3A_176 : vector<8x128xf32>
      %add3A_178 = arith.constant 5 : i32
      %add3A_179 = arith.addi %add3A_137, %add3A_178 : i32
      %mul3A_180 = arith.constant 8 : i32
      %mul3A_181 = arith.muli %add3A_179, %mul3A_180 : i32
      %get3A_182 = arith.index_cast %mul3A_181 : i32 to index
      %get3A_183 = arith.constant 0 : index
      %get3A_184 = vector.load %arg9[%get3A_182, %get3A_183] : memref<10000x128xf32, #tpu.memory_space<vmem>>, vector<8x128xf32>
      %add3A_185 = arith.addf %add3A_177, %get3A_184 : vector<8x128xf32>
      %add3A_186 = arith.constant 6 : i32
      %add3A_187 = arith.addi %add3A_137, %add3A_186 : i32
      %mul3A_188 = arith.constant 8 : i32
      %mul3A_189 = arith.muli %add3A_187, %mul3A_188 : i32
      %get3A_190 = arith.index_cast %mul3A_189 : i32 to index
      %get3A_191 = arith.constant 0 : index
      %get3A_192 = vector.load %arg9[%get3A_190, %get3A_191] : memref<10000x128xf32, #tpu.memory_space<vmem>>, vector<8x128xf32>
      %add3A_193 = arith.addf %add3A_185, %get3A_192 : vector<8x128xf32>
      %add3A_194 = arith.constant 7 : i32
      %add3A_195 = arith.addi %add3A_137, %add3A_194 : i32
      %mul3A_196 = arith.constant 8 : i32
      %mul3A_197 = arith.muli %add3A_195, %mul3A_196 : i32
      %get3A_198 = arith.index_cast %mul3A_197 : i32 to index
      %get3A_199 = arith.constant 0 : index
      %get3A_200 = vector.load %arg9[%get3A_198, %get3A_199] : memref<10000x128xf32, #tpu.memory_space<vmem>>, vector<8x128xf32>
      %add3A_201 = arith.addf %add3A_193, %get3A_200 : vector<8x128xf32>
      %add3A_202 = arith.constant 8 : i32
      %add3A_203 = arith.addi %add3A_137, %add3A_202 : i32
      %mul3A_204 = arith.constant 8 : i32
      %mul3A_205 = arith.muli %add3A_203, %mul3A_204 : i32
      %get3A_206 = arith.index_cast %mul3A_205 : i32 to index
      %get3A_207 = arith.constant 0 : index
      %get3A_208 = vector.load %arg9[%get3A_206, %get3A_207] : memref<10000x128xf32, #tpu.memory_space<vmem>>, vector<8x128xf32>
      %add3A_209 = arith.addf %add3A_201, %get3A_208 : vector<8x128xf32>
      %add3A_210 = arith.constant 9 : i32
      %add3A_211 = arith.addi %add3A_137, %add3A_210 : i32
      %mul3A_212 = arith.constant 8 : i32
      %mul3A_213 = arith.muli %add3A_211, %mul3A_212 : i32
      %get3A_214 = arith.index_cast %mul3A_213 : i32 to index
      %get3A_215 = arith.constant 0 : index
      %get3A_216 = vector.load %arg9[%get3A_214, %get3A_215] : memref<10000x128xf32, #tpu.memory_space<vmem>>, vector<8x128xf32>
      %add3A_217 = arith.addf %add3A_209, %get3A_216 : vector<8x128xf32>
      %add3A_218 = arith.constant 10 : i32
      %add3A_219 = arith.addi %add3A_137, %add3A_218 : i32
      %mul3A_220 = arith.constant 8 : i32
      %mul3A_221 = arith.muli %add3A_219, %mul3A_220 : i32
      %get3A_222 = arith.index_cast %mul3A_221 : i32 to index
      %get3A_223 = arith.constant 0 : index
      %get3A_224 = vector.load %arg9[%get3A_222, %get3A_223] : memref<10000x128xf32, #tpu.memory_space<vmem>>, vector<8x128xf32>
      %add3A_225 = arith.addf %add3A_217, %get3A_224 : vector<8x128xf32>
      %add3A_226 = arith.constant 11 : i32
      %add3A_227 = arith.addi %add3A_137, %add3A_226 : i32
      %mul3A_228 = arith.constant 8 : i32
      %mul3A_229 = arith.muli %add3A_227, %mul3A_228 : i32
      %get3A_230 = arith.index_cast %mul3A_229 : i32 to index
      %get3A_231 = arith.constant 0 : index
      %get3A_232 = vector.load %arg9[%get3A_230, %get3A_231] : memref<10000x128xf32, #tpu.memory_space<vmem>>, vector<8x128xf32>
      %add3A_233 = arith.addf %add3A_225, %get3A_232 : vector<8x128xf32>
      %add3A_234 = arith.constant 12 : i32
      %add3A_235 = arith.addi %add3A_137, %add3A_234 : i32
      %mul3A_236 = arith.constant 8 : i32
      %mul3A_237 = arith.muli %add3A_235, %mul3A_236 : i32
      %get3A_238 = arith.index_cast %mul3A_237 : i32 to index
      %get3A_239 = arith.constant 0 : index
      %get3A_240 = vector.load %arg9[%get3A_238, %get3A_239] : memref<10000x128xf32, #tpu.memory_space<vmem>>, vector<8x128xf32>
      %add3A_241 = arith.addf %add3A_233, %get3A_240 : vector<8x128xf32>
      %add3A_242 = arith.constant 13 : i32
      %add3A_243 = arith.addi %add3A_137, %add3A_242 : i32
      %mul3A_244 = arith.constant 8 : i32
      %mul3A_245 = arith.muli %add3A_243, %mul3A_244 : i32
      %get3A_246 = arith.index_cast %mul3A_245 : i32 to index
      %get3A_247 = arith.constant 0 : index
      %get3A_248 = vector.load %arg9[%get3A_246, %get3A_247] : memref<10000x128xf32, #tpu.memory_space<vmem>>, vector<8x128xf32>
      %add3A_249 = arith.addf %add3A_241, %get3A_248 : vector<8x128xf32>
      %add3A_250 = arith.constant 14 : i32
      %add3A_251 = arith.addi %add3A_137, %add3A_250 : i32
      %mul3A_252 = arith.constant 8 : i32
      %mul3A_253 = arith.muli %add3A_251, %mul3A_252 : i32
      %get3A_254 = arith.index_cast %mul3A_253 : i32 to index
      %get3A_255 = arith.constant 0 : index
      %get3A_256 = vector.load %arg9[%get3A_254, %get3A_255] : memref<10000x128xf32, #tpu.memory_space<vmem>>, vector<8x128xf32>
      %add3A_257 = arith.addf %add3A_249, %get3A_256 : vector<8x128xf32>
      %add3A_258 = arith.constant 15 : i32
      %add3A_259 = arith.addi %add3A_137, %add3A_258 : i32
      %mul3A_260 = arith.constant 8 : i32
      %mul3A_261 = arith.muli %add3A_259, %mul3A_260 : i32
      %get3A_262 = arith.index_cast %mul3A_261 : i32 to index
      %get3A_263 = arith.constant 0 : index
      %get3A_264 = vector.load %arg9[%get3A_262, %get3A_263] : memref<10000x128xf32, #tpu.memory_space<vmem>>, vector<8x128xf32>
      %add3A_265 = arith.addf %add3A_257, %get3A_264 : vector<8x128xf32>
      %add3A_266 = arith.constant 16 : i32
      %add3A_267 = arith.addi %add3A_137, %add3A_266 : i32
      %mul3A_268 = arith.constant 8 : i32
      %mul3A_269 = arith.muli %add3A_267, %mul3A_268 : i32
      %get3A_270 = arith.index_cast %mul3A_269 : i32 to index
      %get3A_271 = arith.constant 0 : index
      %get3A_272 = vector.load %arg9[%get3A_270, %get3A_271] : memref<10000x128xf32, #tpu.memory_space<vmem>>, vector<8x128xf32>
      %add3A_273 = arith.addf %add3A_265, %get3A_272 : vector<8x128xf32>
      %add3A_274 = arith.constant 17 : i32
      %add3A_275 = arith.addi %add3A_137, %add3A_274 : i32
      %mul3A_276 = arith.constant 8 : i32
      %mul3A_277 = arith.muli %add3A_275, %mul3A_276 : i32
      %get3A_278 = arith.index_cast %mul3A_277 : i32 to index
      %get3A_279 = arith.constant 0 : index
      %get3A_280 = vector.load %arg9[%get3A_278, %get3A_279] : memref<10000x128xf32, #tpu.memory_space<vmem>>, vector<8x128xf32>
      %add3A_281 = arith.addf %add3A_273, %get3A_280 : vector<8x128xf32>
      %add3A_282 = arith.constant 18 : i32
      %add3A_283 = arith.addi %add3A_137, %add3A_282 : i32
      %mul3A_284 = arith.constant 8 : i32
      %mul3A_285 = arith.muli %add3A_283, %mul3A_284 : i32
      %get3A_286 = arith.index_cast %mul3A_285 : i32 to index
      %get3A_287 = arith.constant 0 : index
      %get3A_288 = vector.load %arg9[%get3A_286, %get3A_287] : memref<10000x128xf32, #tpu.memory_space<vmem>>, vector<8x128xf32>
      %add3A_289 = arith.addf %add3A_281, %get3A_288 : vector<8x128xf32>
      %add3A_290 = arith.constant 19 : i32
      %add3A_291 = arith.addi %add3A_137, %add3A_290 : i32
      %mul3A_292 = arith.constant 8 : i32
      %mul3A_293 = arith.muli %add3A_291, %mul3A_292 : i32
      %get3A_294 = arith.index_cast %mul3A_293 : i32 to index
      %get3A_295 = arith.constant 0 : index
      %get3A_296 = vector.load %arg9[%get3A_294, %get3A_295] : memref<10000x128xf32, #tpu.memory_space<vmem>>, vector<8x128xf32>
      %add3A_297 = arith.addf %add3A_289, %get3A_296 : vector<8x128xf32>
      %add3A_298 = arith.constant 20 : i32
      %add3A_299 = arith.addi %add3A_137, %add3A_298 : i32
      %mul3A_300 = arith.constant 8 : i32
      %mul3A_301 = arith.muli %add3A_299, %mul3A_300 : i32
      %get3A_302 = arith.index_cast %mul3A_301 : i32 to index
      %get3A_303 = arith.constant 0 : index
      %get3A_304 = vector.load %arg9[%get3A_302, %get3A_303] : memref<10000x128xf32, #tpu.memory_space<vmem>>, vector<8x128xf32>
      %add3A_305 = arith.addf %add3A_297, %get3A_304 : vector<8x128xf32>
      %add3A_306 = arith.constant 21 : i32
      %add3A_307 = arith.addi %add3A_137, %add3A_306 : i32
      %mul3A_308 = arith.constant 8 : i32
      %mul3A_309 = arith.muli %add3A_307, %mul3A_308 : i32
      %get3A_310 = arith.index_cast %mul3A_309 : i32 to index
      %get3A_311 = arith.constant 0 : index
      %get3A_312 = vector.load %arg9[%get3A_310, %get3A_311] : memref<10000x128xf32, #tpu.memory_space<vmem>>, vector<8x128xf32>
      %add3A_313 = arith.addf %add3A_305, %get3A_312 : vector<8x128xf32>
      %add3A_314 = arith.constant 22 : i32
      %add3A_315 = arith.addi %add3A_137, %add3A_314 : i32
      %mul3A_316 = arith.constant 8 : i32
      %mul3A_317 = arith.muli %add3A_315, %mul3A_316 : i32
      %get3A_318 = arith.index_cast %mul3A_317 : i32 to index
      %get3A_319 = arith.constant 0 : index
      %get3A_320 = vector.load %arg9[%get3A_318, %get3A_319] : memref<10000x128xf32, #tpu.memory_space<vmem>>, vector<8x128xf32>
      %add3A_321 = arith.addf %add3A_313, %get3A_320 : vector<8x128xf32>
      %add3A_322 = arith.constant 23 : i32
      %add3A_323 = arith.addi %add3A_137, %add3A_322 : i32
      %mul3A_324 = arith.constant 8 : i32
      %mul3A_325 = arith.muli %add3A_323, %mul3A_324 : i32
      %get3A_326 = arith.index_cast %mul3A_325 : i32 to index
      %get3A_327 = arith.constant 0 : index
      %get3A_328 = vector.load %arg9[%get3A_326, %get3A_327] : memref<10000x128xf32, #tpu.memory_space<vmem>>, vector<8x128xf32>
      %add3A_329 = arith.addf %add3A_321, %get3A_328 : vector<8x128xf32>
      %add3A_330 = arith.constant 24 : i32
      %add3A_331 = arith.addi %add3A_137, %add3A_330 : i32
      %mul3A_332 = arith.constant 8 : i32
      %mul3A_333 = arith.muli %add3A_331, %mul3A_332 : i32
      %get3A_334 = arith.index_cast %mul3A_333 : i32 to index
      %get3A_335 = arith.constant 0 : index
      %get3A_336 = vector.load %arg9[%get3A_334, %get3A_335] : memref<10000x128xf32, #tpu.memory_space<vmem>>, vector<8x128xf32>
      %add3A_337 = arith.addf %add3A_329, %get3A_336 : vector<8x128xf32>
      scf.yield %add3A_337 : vector<8x128xf32>
    }
    %scan3A_57 = arith.constant 25 : i32
    %slice3A_58 = vector.extract_strided_slice %scan3A_56 {offsets = [0, 0], sizes = [4, 128], strides = [1, 1]} : vector<8x128xf32> to vector<4x128xf32>
    %slice3A_59 = vector.extract_strided_slice %scan3A_56 {offsets = [4, 0], sizes = [4, 128], strides = [1, 1]} : vector<8x128xf32> to vector<4x128xf32>
    %add3A_60 = arith.addf %slice3A_58, %slice3A_59 : vector<4x128xf32>
    %slice3A_61 = vector.extract_strided_slice %add3A_60 {offsets = [0, 0], sizes = [2, 128], strides = [1, 1]} : vector<4x128xf32> to vector<2x128xf32>
    %slice3A_62 = vector.extract_strided_slice %add3A_60 {offsets = [2, 0], sizes = [2, 128], strides = [1, 1]} : vector<4x128xf32> to vector<2x128xf32>
    %add3A_63 = arith.addf %slice3A_61, %slice3A_62 : vector<2x128xf32>
    %slice3A_64 = vector.extract_strided_slice %add3A_63 {offsets = [0, 0], sizes = [1, 128], strides = [1, 1]} : vector<2x128xf32> to vector<1x128xf32>
    %slice3A_65 = vector.extract_strided_slice %add3A_63 {offsets = [1, 0], sizes = [1, 128], strides = [1, 1]} : vector<2x128xf32> to vector<1x128xf32>
    %add3A_66 = arith.addf %slice3A_64, %slice3A_65 : vector<1x128xf32>
    %add3A_67 = arith.addf %add3A_49, %add3A_66 : vector<1x128xf32>
    %mul3A = arith.constant 9.99999974E-5 : f32
    %mul3A_68 = vector.broadcast %mul3A : f32 to vector<1x128xf32>
    %mul3A_69 = arith.mulf %add3A_67, %mul3A_68 : vector<1x128xf32>
    %broadcast_in_dim3A_70 = arith.constant 0.000000e+00 : f32
    %broadcast_in_dim3A_71 = vector.broadcast %broadcast_in_dim3A_70 : f32 to vector<8x128xf32>
    %scan3A_72 = arith.constant 0 : i32
    %scan3A_73 = arith.constant 25 : i32
    %scan3A_74 = arith.addi %scan3A_72, %scan3A_73 : i32
    %scan3A_75 = arith.constant 1 : i32
    %scan3A_76 = scf.for %scan3A_132 = %scan3A_72 to %scan3A_74 step %scan3A_75 iter_args(%scan3A_133 = %broadcast_in_dim3A_71) -> (vector<8x128xf32>)  : i32 {
      %mul3A_134 = arith.constant 25 : i32
      %mul3A_135 = arith.muli %scan3A_132, %mul3A_134 : i32
      %add3A_136 = arith.constant 0 : i32
      %add3A_137 = arith.addi %add3A_136, %mul3A_135 : i32
      %add3A_138 = arith.constant 0 : i32
      %add3A_139 = arith.addi %add3A_137, %add3A_138 : i32
      %mul3A_140 = arith.constant 8 : i32
      %mul3A_141 = arith.muli %add3A_139, %mul3A_140 : i32
      %get3A_142 = arith.index_cast %mul3A_141 : i32 to index
      %get3A_143 = arith.constant 0 : index
      %get3A_144 = vector.load %arg9[%get3A_142, %get3A_143] : memref<10000x128xf32, #tpu.memory_space<vmem>>, vector<8x128xf32>
      %sub3A_145 = vector.broadcast %mul3A_69 : vector<1x128xf32> to vector<8x128xf32>
      %sub3A_146 = arith.subf %get3A_144, %sub3A_145 : vector<8x128xf32>
      %integer_pow3A = arith.mulf %sub3A_146, %sub3A_146 : vector<8x128xf32>
      %add3A_147 = arith.addf %scan3A_133, %integer_pow3A : vector<8x128xf32>
      %add3A_148 = arith.constant 1 : i32
      %add3A_149 = arith.addi %add3A_137, %add3A_148 : i32
      %mul3A_150 = arith.constant 8 : i32
      %mul3A_151 = arith.muli %add3A_149, %mul3A_150 : i32
      %get3A_152 = arith.index_cast %mul3A_151 : i32 to index
      %get3A_153 = arith.constant 0 : index
      %get3A_154 = vector.load %arg9[%get3A_152, %get3A_153] : memref<10000x128xf32, #tpu.memory_space<vmem>>, vector<8x128xf32>
      %sub3A_155 = vector.broadcast %mul3A_69 : vector<1x128xf32> to vector<8x128xf32>
      %sub3A_156 = arith.subf %get3A_154, %sub3A_155 : vector<8x128xf32>
      %integer_pow3A_157 = arith.mulf %sub3A_156, %sub3A_156 : vector<8x128xf32>
      %add3A_158 = arith.addf %add3A_147, %integer_pow3A_157 : vector<8x128xf32>
      %add3A_159 = arith.constant 2 : i32
      %add3A_160 = arith.addi %add3A_137, %add3A_159 : i32
      %mul3A_161 = arith.constant 8 : i32
      %mul3A_162 = arith.muli %add3A_160, %mul3A_161 : i32
      %get3A_163 = arith.index_cast %mul3A_162 : i32 to index
      %get3A_164 = arith.constant 0 : index
      %get3A_165 = vector.load %arg9[%get3A_163, %get3A_164] : memref<10000x128xf32, #tpu.memory_space<vmem>>, vector<8x128xf32>
      %sub3A_166 = vector.broadcast %mul3A_69 : vector<1x128xf32> to vector<8x128xf32>
      %sub3A_167 = arith.subf %get3A_165, %sub3A_166 : vector<8x128xf32>
      %integer_pow3A_168 = arith.mulf %sub3A_167, %sub3A_167 : vector<8x128xf32>
      %add3A_169 = arith.addf %add3A_158, %integer_pow3A_168 : vector<8x128xf32>
      %add3A_170 = arith.constant 3 : i32
      %add3A_171 = arith.addi %add3A_137, %add3A_170 : i32
      %mul3A_172 = arith.constant 8 : i32
      %mul3A_173 = arith.muli %add3A_171, %mul3A_172 : i32
      %get3A_174 = arith.index_cast %mul3A_173 : i32 to index
      %get3A_175 = arith.constant 0 : index
      %get3A_176 = vector.load %arg9[%get3A_174, %get3A_175] : memref<10000x128xf32, #tpu.memory_space<vmem>>, vector<8x128xf32>
      %sub3A_177 = vector.broadcast %mul3A_69 : vector<1x128xf32> to vector<8x128xf32>
      %sub3A_178 = arith.subf %get3A_176, %sub3A_177 : vector<8x128xf32>
      %integer_pow3A_179 = arith.mulf %sub3A_178, %sub3A_178 : vector<8x128xf32>
      %add3A_180 = arith.addf %add3A_169, %integer_pow3A_179 : vector<8x128xf32>
      %add3A_181 = arith.constant 4 : i32
      %add3A_182 = arith.addi %add3A_137, %add3A_181 : i32
      %mul3A_183 = arith.constant 8 : i32
      %mul3A_184 = arith.muli %add3A_182, %mul3A_183 : i32
      %get3A_185 = arith.index_cast %mul3A_184 : i32 to index
      %get3A_186 = arith.constant 0 : index
      %get3A_187 = vector.load %arg9[%get3A_185, %get3A_186] : memref<10000x128xf32, #tpu.memory_space<vmem>>, vector<8x128xf32>
      %sub3A_188 = vector.broadcast %mul3A_69 : vector<1x128xf32> to vector<8x128xf32>
      %sub3A_189 = arith.subf %get3A_187, %sub3A_188 : vector<8x128xf32>
      %integer_pow3A_190 = arith.mulf %sub3A_189, %sub3A_189 : vector<8x128xf32>
      %add3A_191 = arith.addf %add3A_180, %integer_pow3A_190 : vector<8x128xf32>
      %add3A_192 = arith.constant 5 : i32
      %add3A_193 = arith.addi %add3A_137, %add3A_192 : i32
      %mul3A_194 = arith.constant 8 : i32
      %mul3A_195 = arith.muli %add3A_193, %mul3A_194 : i32
      %get3A_196 = arith.index_cast %mul3A_195 : i32 to index
      %get3A_197 = arith.constant 0 : index
      %get3A_198 = vector.load %arg9[%get3A_196, %get3A_197] : memref<10000x128xf32, #tpu.memory_space<vmem>>, vector<8x128xf32>
      %sub3A_199 = vector.broadcast %mul3A_69 : vector<1x128xf32> to vector<8x128xf32>
      %sub3A_200 = arith.subf %get3A_198, %sub3A_199 : vector<8x128xf32>
      %integer_pow3A_201 = arith.mulf %sub3A_200, %sub3A_200 : vector<8x128xf32>
      %add3A_202 = arith.addf %add3A_191, %integer_pow3A_201 : vector<8x128xf32>
      %add3A_203 = arith.constant 6 : i32
      %add3A_204 = arith.addi %add3A_137, %add3A_203 : i32
      %mul3A_205 = arith.constant 8 : i32
      %mul3A_206 = arith.muli %add3A_204, %mul3A_205 : i32
      %get3A_207 = arith.index_cast %mul3A_206 : i32 to index
      %get3A_208 = arith.constant 0 : index
      %get3A_209 = vector.load %arg9[%get3A_207, %get3A_208] : memref<10000x128xf32, #tpu.memory_space<vmem>>, vector<8x128xf32>
      %sub3A_210 = vector.broadcast %mul3A_69 : vector<1x128xf32> to vector<8x128xf32>
      %sub3A_211 = arith.subf %get3A_209, %sub3A_210 : vector<8x128xf32>
      %integer_pow3A_212 = arith.mulf %sub3A_211, %sub3A_211 : vector<8x128xf32>
      %add3A_213 = arith.addf %add3A_202, %integer_pow3A_212 : vector<8x128xf32>
      %add3A_214 = arith.constant 7 : i32
      %add3A_215 = arith.addi %add3A_137, %add3A_214 : i32
      %mul3A_216 = arith.constant 8 : i32
      %mul3A_217 = arith.muli %add3A_215, %mul3A_216 : i32
      %get3A_218 = arith.index_cast %mul3A_217 : i32 to index
      %get3A_219 = arith.constant 0 : index
      %get3A_220 = vector.load %arg9[%get3A_218, %get3A_219] : memref<10000x128xf32, #tpu.memory_space<vmem>>, vector<8x128xf32>
      %sub3A_221 = vector.broadcast %mul3A_69 : vector<1x128xf32> to vector<8x128xf32>
      %sub3A_222 = arith.subf %get3A_220, %sub3A_221 : vector<8x128xf32>
      %integer_pow3A_223 = arith.mulf %sub3A_222, %sub3A_222 : vector<8x128xf32>
      %add3A_224 = arith.addf %add3A_213, %integer_pow3A_223 : vector<8x128xf32>
      %add3A_225 = arith.constant 8 : i32
      %add3A_226 = arith.addi %add3A_137, %add3A_225 : i32
      %mul3A_227 = arith.constant 8 : i32
      %mul3A_228 = arith.muli %add3A_226, %mul3A_227 : i32
      %get3A_229 = arith.index_cast %mul3A_228 : i32 to index
      %get3A_230 = arith.constant 0 : index
      %get3A_231 = vector.load %arg9[%get3A_229, %get3A_230] : memref<10000x128xf32, #tpu.memory_space<vmem>>, vector<8x128xf32>
      %sub3A_232 = vector.broadcast %mul3A_69 : vector<1x128xf32> to vector<8x128xf32>
      %sub3A_233 = arith.subf %get3A_231, %sub3A_232 : vector<8x128xf32>
      %integer_pow3A_234 = arith.mulf %sub3A_233, %sub3A_233 : vector<8x128xf32>
      %add3A_235 = arith.addf %add3A_224, %integer_pow3A_234 : vector<8x128xf32>
      %add3A_236 = arith.constant 9 : i32
      %add3A_237 = arith.addi %add3A_137, %add3A_236 : i32
      %mul3A_238 = arith.constant 8 : i32
      %mul3A_239 = arith.muli %add3A_237, %mul3A_238 : i32
      %get3A_240 = arith.index_cast %mul3A_239 : i32 to index
      %get3A_241 = arith.constant 0 : index
      %get3A_242 = vector.load %arg9[%get3A_240, %get3A_241] : memref<10000x128xf32, #tpu.memory_space<vmem>>, vector<8x128xf32>
      %sub3A_243 = vector.broadcast %mul3A_69 : vector<1x128xf32> to vector<8x128xf32>
      %sub3A_244 = arith.subf %get3A_242, %sub3A_243 : vector<8x128xf32>
      %integer_pow3A_245 = arith.mulf %sub3A_244, %sub3A_244 : vector<8x128xf32>
      %add3A_246 = arith.addf %add3A_235, %integer_pow3A_245 : vector<8x128xf32>
      %add3A_247 = arith.constant 10 : i32
      %add3A_248 = arith.addi %add3A_137, %add3A_247 : i32
      %mul3A_249 = arith.constant 8 : i32
      %mul3A_250 = arith.muli %add3A_248, %mul3A_249 : i32
      %get3A_251 = arith.index_cast %mul3A_250 : i32 to index
      %get3A_252 = arith.constant 0 : index
      %get3A_253 = vector.load %arg9[%get3A_251, %get3A_252] : memref<10000x128xf32, #tpu.memory_space<vmem>>, vector<8x128xf32>
      %sub3A_254 = vector.broadcast %mul3A_69 : vector<1x128xf32> to vector<8x128xf32>
      %sub3A_255 = arith.subf %get3A_253, %sub3A_254 : vector<8x128xf32>
      %integer_pow3A_256 = arith.mulf %sub3A_255, %sub3A_255 : vector<8x128xf32>
      %add3A_257 = arith.addf %add3A_246, %integer_pow3A_256 : vector<8x128xf32>
      %add3A_258 = arith.constant 11 : i32
      %add3A_259 = arith.addi %add3A_137, %add3A_258 : i32
      %mul3A_260 = arith.constant 8 : i32
      %mul3A_261 = arith.muli %add3A_259, %mul3A_260 : i32
      %get3A_262 = arith.index_cast %mul3A_261 : i32 to index
      %get3A_263 = arith.constant 0 : index
      %get3A_264 = vector.load %arg9[%get3A_262, %get3A_263] : memref<10000x128xf32, #tpu.memory_space<vmem>>, vector<8x128xf32>
      %sub3A_265 = vector.broadcast %mul3A_69 : vector<1x128xf32> to vector<8x128xf32>
      %sub3A_266 = arith.subf %get3A_264, %sub3A_265 : vector<8x128xf32>
      %integer_pow3A_267 = arith.mulf %sub3A_266, %sub3A_266 : vector<8x128xf32>
      %add3A_268 = arith.addf %add3A_257, %integer_pow3A_267 : vector<8x128xf32>
      %add3A_269 = arith.constant 12 : i32
      %add3A_270 = arith.addi %add3A_137, %add3A_269 : i32
      %mul3A_271 = arith.constant 8 : i32
      %mul3A_272 = arith.muli %add3A_270, %mul3A_271 : i32
      %get3A_273 = arith.index_cast %mul3A_272 : i32 to index
      %get3A_274 = arith.constant 0 : index
      %get3A_275 = vector.load %arg9[%get3A_273, %get3A_274] : memref<10000x128xf32, #tpu.memory_space<vmem>>, vector<8x128xf32>
      %sub3A_276 = vector.broadcast %mul3A_69 : vector<1x128xf32> to vector<8x128xf32>
      %sub3A_277 = arith.subf %get3A_275, %sub3A_276 : vector<8x128xf32>
      %integer_pow3A_278 = arith.mulf %sub3A_277, %sub3A_277 : vector<8x128xf32>
      %add3A_279 = arith.addf %add3A_268, %integer_pow3A_278 : vector<8x128xf32>
      %add3A_280 = arith.constant 13 : i32
      %add3A_281 = arith.addi %add3A_137, %add3A_280 : i32
      %mul3A_282 = arith.constant 8 : i32
      %mul3A_283 = arith.muli %add3A_281, %mul3A_282 : i32
      %get3A_284 = arith.index_cast %mul3A_283 : i32 to index
      %get3A_285 = arith.constant 0 : index
      %get3A_286 = vector.load %arg9[%get3A_284, %get3A_285] : memref<10000x128xf32, #tpu.memory_space<vmem>>, vector<8x128xf32>
      %sub3A_287 = vector.broadcast %mul3A_69 : vector<1x128xf32> to vector<8x128xf32>
      %sub3A_288 = arith.subf %get3A_286, %sub3A_287 : vector<8x128xf32>
      %integer_pow3A_289 = arith.mulf %sub3A_288, %sub3A_288 : vector<8x128xf32>
      %add3A_290 = arith.addf %add3A_279, %integer_pow3A_289 : vector<8x128xf32>
      %add3A_291 = arith.constant 14 : i32
      %add3A_292 = arith.addi %add3A_137, %add3A_291 : i32
      %mul3A_293 = arith.constant 8 : i32
      %mul3A_294 = arith.muli %add3A_292, %mul3A_293 : i32
      %get3A_295 = arith.index_cast %mul3A_294 : i32 to index
      %get3A_296 = arith.constant 0 : index
      %get3A_297 = vector.load %arg9[%get3A_295, %get3A_296] : memref<10000x128xf32, #tpu.memory_space<vmem>>, vector<8x128xf32>
      %sub3A_298 = vector.broadcast %mul3A_69 : vector<1x128xf32> to vector<8x128xf32>
      %sub3A_299 = arith.subf %get3A_297, %sub3A_298 : vector<8x128xf32>
      %integer_pow3A_300 = arith.mulf %sub3A_299, %sub3A_299 : vector<8x128xf32>
      %add3A_301 = arith.addf %add3A_290, %integer_pow3A_300 : vector<8x128xf32>
      %add3A_302 = arith.constant 15 : i32
      %add3A_303 = arith.addi %add3A_137, %add3A_302 : i32
      %mul3A_304 = arith.constant 8 : i32
      %mul3A_305 = arith.muli %add3A_303, %mul3A_304 : i32
      %get3A_306 = arith.index_cast %mul3A_305 : i32 to index
      %get3A_307 = arith.constant 0 : index
      %get3A_308 = vector.load %arg9[%get3A_306, %get3A_307] : memref<10000x128xf32, #tpu.memory_space<vmem>>, vector<8x128xf32>
      %sub3A_309 = vector.broadcast %mul3A_69 : vector<1x128xf32> to vector<8x128xf32>
      %sub3A_310 = arith.subf %get3A_308, %sub3A_309 : vector<8x128xf32>
      %integer_pow3A_311 = arith.mulf %sub3A_310, %sub3A_310 : vector<8x128xf32>
      %add3A_312 = arith.addf %add3A_301, %integer_pow3A_311 : vector<8x128xf32>
      %add3A_313 = arith.constant 16 : i32
      %add3A_314 = arith.addi %add3A_137, %add3A_313 : i32
      %mul3A_315 = arith.constant 8 : i32
      %mul3A_316 = arith.muli %add3A_314, %mul3A_315 : i32
      %get3A_317 = arith.index_cast %mul3A_316 : i32 to index
      %get3A_318 = arith.constant 0 : index
      %get3A_319 = vector.load %arg9[%get3A_317, %get3A_318] : memref<10000x128xf32, #tpu.memory_space<vmem>>, vector<8x128xf32>
      %sub3A_320 = vector.broadcast %mul3A_69 : vector<1x128xf32> to vector<8x128xf32>
      %sub3A_321 = arith.subf %get3A_319, %sub3A_320 : vector<8x128xf32>
      %integer_pow3A_322 = arith.mulf %sub3A_321, %sub3A_321 : vector<8x128xf32>
      %add3A_323 = arith.addf %add3A_312, %integer_pow3A_322 : vector<8x128xf32>
      %add3A_324 = arith.constant 17 : i32
      %add3A_325 = arith.addi %add3A_137, %add3A_324 : i32
      %mul3A_326 = arith.constant 8 : i32
      %mul3A_327 = arith.muli %add3A_325, %mul3A_326 : i32
      %get3A_328 = arith.index_cast %mul3A_327 : i32 to index
      %get3A_329 = arith.constant 0 : index
      %get3A_330 = vector.load %arg9[%get3A_328, %get3A_329] : memref<10000x128xf32, #tpu.memory_space<vmem>>, vector<8x128xf32>
      %sub3A_331 = vector.broadcast %mul3A_69 : vector<1x128xf32> to vector<8x128xf32>
      %sub3A_332 = arith.subf %get3A_330, %sub3A_331 : vector<8x128xf32>
      %integer_pow3A_333 = arith.mulf %sub3A_332, %sub3A_332 : vector<8x128xf32>
      %add3A_334 = arith.addf %add3A_323, %integer_pow3A_333 : vector<8x128xf32>
      %add3A_335 = arith.constant 18 : i32
      %add3A_336 = arith.addi %add3A_137, %add3A_335 : i32
      %mul3A_337 = arith.constant 8 : i32
      %mul3A_338 = arith.muli %add3A_336, %mul3A_337 : i32
      %get3A_339 = arith.index_cast %mul3A_338 : i32 to index
      %get3A_340 = arith.constant 0 : index
      %get3A_341 = vector.load %arg9[%get3A_339, %get3A_340] : memref<10000x128xf32, #tpu.memory_space<vmem>>, vector<8x128xf32>
      %sub3A_342 = vector.broadcast %mul3A_69 : vector<1x128xf32> to vector<8x128xf32>
      %sub3A_343 = arith.subf %get3A_341, %sub3A_342 : vector<8x128xf32>
      %integer_pow3A_344 = arith.mulf %sub3A_343, %sub3A_343 : vector<8x128xf32>
      %add3A_345 = arith.addf %add3A_334, %integer_pow3A_344 : vector<8x128xf32>
      %add3A_346 = arith.constant 19 : i32
      %add3A_347 = arith.addi %add3A_137, %add3A_346 : i32
      %mul3A_348 = arith.constant 8 : i32
      %mul3A_349 = arith.muli %add3A_347, %mul3A_348 : i32
      %get3A_350 = arith.index_cast %mul3A_349 : i32 to index
      %get3A_351 = arith.constant 0 : index
      %get3A_352 = vector.load %arg9[%get3A_350, %get3A_351] : memref<10000x128xf32, #tpu.memory_space<vmem>>, vector<8x128xf32>
      %sub3A_353 = vector.broadcast %mul3A_69 : vector<1x128xf32> to vector<8x128xf32>
      %sub3A_354 = arith.subf %get3A_352, %sub3A_353 : vector<8x128xf32>
      %integer_pow3A_355 = arith.mulf %sub3A_354, %sub3A_354 : vector<8x128xf32>
      %add3A_356 = arith.addf %add3A_345, %integer_pow3A_355 : vector<8x128xf32>
      %add3A_357 = arith.constant 20 : i32
      %add3A_358 = arith.addi %add3A_137, %add3A_357 : i32
      %mul3A_359 = arith.constant 8 : i32
      %mul3A_360 = arith.muli %add3A_358, %mul3A_359 : i32
      %get3A_361 = arith.index_cast %mul3A_360 : i32 to index
      %get3A_362 = arith.constant 0 : index
      %get3A_363 = vector.load %arg9[%get3A_361, %get3A_362] : memref<10000x128xf32, #tpu.memory_space<vmem>>, vector<8x128xf32>
      %sub3A_364 = vector.broadcast %mul3A_69 : vector<1x128xf32> to vector<8x128xf32>
      %sub3A_365 = arith.subf %get3A_363, %sub3A_364 : vector<8x128xf32>
      %integer_pow3A_366 = arith.mulf %sub3A_365, %sub3A_365 : vector<8x128xf32>
      %add3A_367 = arith.addf %add3A_356, %integer_pow3A_366 : vector<8x128xf32>
      %add3A_368 = arith.constant 21 : i32
      %add3A_369 = arith.addi %add3A_137, %add3A_368 : i32
      %mul3A_370 = arith.constant 8 : i32
      %mul3A_371 = arith.muli %add3A_369, %mul3A_370 : i32
      %get3A_372 = arith.index_cast %mul3A_371 : i32 to index
      %get3A_373 = arith.constant 0 : index
      %get3A_374 = vector.load %arg9[%get3A_372, %get3A_373] : memref<10000x128xf32, #tpu.memory_space<vmem>>, vector<8x128xf32>
      %sub3A_375 = vector.broadcast %mul3A_69 : vector<1x128xf32> to vector<8x128xf32>
      %sub3A_376 = arith.subf %get3A_374, %sub3A_375 : vector<8x128xf32>
      %integer_pow3A_377 = arith.mulf %sub3A_376, %sub3A_376 : vector<8x128xf32>
      %add3A_378 = arith.addf %add3A_367, %integer_pow3A_377 : vector<8x128xf32>
      %add3A_379 = arith.constant 22 : i32
      %add3A_380 = arith.addi %add3A_137, %add3A_379 : i32
      %mul3A_381 = arith.constant 8 : i32
      %mul3A_382 = arith.muli %add3A_380, %mul3A_381 : i32
      %get3A_383 = arith.index_cast %mul3A_382 : i32 to index
      %get3A_384 = arith.constant 0 : index
      %get3A_385 = vector.load %arg9[%get3A_383, %get3A_384] : memref<10000x128xf32, #tpu.memory_space<vmem>>, vector<8x128xf32>
      %sub3A_386 = vector.broadcast %mul3A_69 : vector<1x128xf32> to vector<8x128xf32>
      %sub3A_387 = arith.subf %get3A_385, %sub3A_386 : vector<8x128xf32>
      %integer_pow3A_388 = arith.mulf %sub3A_387, %sub3A_387 : vector<8x128xf32>
      %add3A_389 = arith.addf %add3A_378, %integer_pow3A_388 : vector<8x128xf32>
      %add3A_390 = arith.constant 23 : i32
      %add3A_391 = arith.addi %add3A_137, %add3A_390 : i32
      %mul3A_392 = arith.constant 8 : i32
      %mul3A_393 = arith.muli %add3A_391, %mul3A_392 : i32
      %get3A_394 = arith.index_cast %mul3A_393 : i32 to index
      %get3A_395 = arith.constant 0 : index
      %get3A_396 = vector.load %arg9[%get3A_394, %get3A_395] : memref<10000x128xf32, #tpu.memory_space<vmem>>, vector<8x128xf32>
      %sub3A_397 = vector.broadcast %mul3A_69 : vector<1x128xf32> to vector<8x128xf32>
      %sub3A_398 = arith.subf %get3A_396, %sub3A_397 : vector<8x128xf32>
      %integer_pow3A_399 = arith.mulf %sub3A_398, %sub3A_398 : vector<8x128xf32>
      %add3A_400 = arith.addf %add3A_389, %integer_pow3A_399 : vector<8x128xf32>
      %add3A_401 = arith.constant 24 : i32
      %add3A_402 = arith.addi %add3A_137, %add3A_401 : i32
      %mul3A_403 = arith.constant 8 : i32
      %mul3A_404 = arith.muli %add3A_402, %mul3A_403 : i32
      %get3A_405 = arith.index_cast %mul3A_404 : i32 to index
      %get3A_406 = arith.constant 0 : index
      %get3A_407 = vector.load %arg9[%get3A_405, %get3A_406] : memref<10000x128xf32, #tpu.memory_space<vmem>>, vector<8x128xf32>
      %sub3A_408 = vector.broadcast %mul3A_69 : vector<1x128xf32> to vector<8x128xf32>
      %sub3A_409 = arith.subf %get3A_407, %sub3A_408 : vector<8x128xf32>
      %integer_pow3A_410 = arith.mulf %sub3A_409, %sub3A_409 : vector<8x128xf32>
      %add3A_411 = arith.addf %add3A_400, %integer_pow3A_410 : vector<8x128xf32>
      scf.yield %add3A_411 : vector<8x128xf32>
    }
    %scan3A_77 = arith.constant 25 : i32
    %slice3A_78 = vector.extract_strided_slice %scan3A_76 {offsets = [0, 0], sizes = [4, 128], strides = [1, 1]} : vector<8x128xf32> to vector<4x128xf32>
    %slice3A_79 = vector.extract_strided_slice %scan3A_76 {offsets = [4, 0], sizes = [4, 128], strides = [1, 1]} : vector<8x128xf32> to vector<4x128xf32>
    %add3A_80 = arith.addf %slice3A_78, %slice3A_79 : vector<4x128xf32>
    %slice3A_81 = vector.extract_strided_slice %add3A_80 {offsets = [0, 0], sizes = [2, 128], strides = [1, 1]} : vector<4x128xf32> to vector<2x128xf32>
    %slice3A_82 = vector.extract_strided_slice %add3A_80 {offsets = [2, 0], sizes = [2, 128], strides = [1, 1]} : vector<4x128xf32> to vector<2x128xf32>
    %add3A_83 = arith.addf %slice3A_81, %slice3A_82 : vector<2x128xf32>
    %slice3A_84 = vector.extract_strided_slice %add3A_83 {offsets = [0, 0], sizes = [1, 128], strides = [1, 1]} : vector<2x128xf32> to vector<1x128xf32>
    %slice3A_85 = vector.extract_strided_slice %add3A_83 {offsets = [1, 0], sizes = [1, 128], strides = [1, 1]} : vector<2x128xf32> to vector<1x128xf32>
    %add3A_86 = arith.addf %slice3A_84, %slice3A_85 : vector<1x128xf32>
    %broadcast_in_dim3A_87 = arith.constant 0.000000e+00 : f32
    %broadcast_in_dim3A_88 = vector.broadcast %broadcast_in_dim3A_87 : f32 to vector<8x128xf32>
    %scan3A_89 = arith.constant 0 : i32
    %scan3A_90 = arith.constant 25 : i32
    %scan3A_91 = arith.addi %scan3A_89, %scan3A_90 : i32
    %scan3A_92 = arith.constant 1 : i32
    %scan3A_93 = scf.for %scan3A_132 = %scan3A_89 to %scan3A_91 step %scan3A_92 iter_args(%scan3A_133 = %broadcast_in_dim3A_88) -> (vector<8x128xf32>)  : i32 {
      %mul3A_134 = arith.constant 25 : i32
      %mul3A_135 = arith.muli %scan3A_132, %mul3A_134 : i32
      %add3A_136 = arith.constant 625 : i32
      %add3A_137 = arith.addi %add3A_136, %mul3A_135 : i32
      %add3A_138 = arith.constant 0 : i32
      %add3A_139 = arith.addi %add3A_137, %add3A_138 : i32
      %mul3A_140 = arith.constant 8 : i32
      %mul3A_141 = arith.muli %add3A_139, %mul3A_140 : i32
      %get3A_142 = arith.index_cast %mul3A_141 : i32 to index
      %get3A_143 = arith.constant 0 : index
      %get3A_144 = vector.load %arg9[%get3A_142, %get3A_143] : memref<10000x128xf32, #tpu.memory_space<vmem>>, vector<8x128xf32>
      %sub3A_145 = vector.broadcast %mul3A_69 : vector<1x128xf32> to vector<8x128xf32>
      %sub3A_146 = arith.subf %get3A_144, %sub3A_145 : vector<8x128xf32>
      %integer_pow3A = arith.mulf %sub3A_146, %sub3A_146 : vector<8x128xf32>
      %add3A_147 = arith.addf %scan3A_133, %integer_pow3A : vector<8x128xf32>
      %add3A_148 = arith.constant 1 : i32
      %add3A_149 = arith.addi %add3A_137, %add3A_148 : i32
      %mul3A_150 = arith.constant 8 : i32
      %mul3A_151 = arith.muli %add3A_149, %mul3A_150 : i32
      %get3A_152 = arith.index_cast %mul3A_151 : i32 to index
      %get3A_153 = arith.constant 0 : index
      %get3A_154 = vector.load %arg9[%get3A_152, %get3A_153] : memref<10000x128xf32, #tpu.memory_space<vmem>>, vector<8x128xf32>
      %sub3A_155 = vector.broadcast %mul3A_69 : vector<1x128xf32> to vector<8x128xf32>
      %sub3A_156 = arith.subf %get3A_154, %sub3A_155 : vector<8x128xf32>
      %integer_pow3A_157 = arith.mulf %sub3A_156, %sub3A_156 : vector<8x128xf32>
      %add3A_158 = arith.addf %add3A_147, %integer_pow3A_157 : vector<8x128xf32>
      %add3A_159 = arith.constant 2 : i32
      %add3A_160 = arith.addi %add3A_137, %add3A_159 : i32
      %mul3A_161 = arith.constant 8 : i32
      %mul3A_162 = arith.muli %add3A_160, %mul3A_161 : i32
      %get3A_163 = arith.index_cast %mul3A_162 : i32 to index
      %get3A_164 = arith.constant 0 : index
      %get3A_165 = vector.load %arg9[%get3A_163, %get3A_164] : memref<10000x128xf32, #tpu.memory_space<vmem>>, vector<8x128xf32>
      %sub3A_166 = vector.broadcast %mul3A_69 : vector<1x128xf32> to vector<8x128xf32>
      %sub3A_167 = arith.subf %get3A_165, %sub3A_166 : vector<8x128xf32>
      %integer_pow3A_168 = arith.mulf %sub3A_167, %sub3A_167 : vector<8x128xf32>
      %add3A_169 = arith.addf %add3A_158, %integer_pow3A_168 : vector<8x128xf32>
      %add3A_170 = arith.constant 3 : i32
      %add3A_171 = arith.addi %add3A_137, %add3A_170 : i32
      %mul3A_172 = arith.constant 8 : i32
      %mul3A_173 = arith.muli %add3A_171, %mul3A_172 : i32
      %get3A_174 = arith.index_cast %mul3A_173 : i32 to index
      %get3A_175 = arith.constant 0 : index
      %get3A_176 = vector.load %arg9[%get3A_174, %get3A_175] : memref<10000x128xf32, #tpu.memory_space<vmem>>, vector<8x128xf32>
      %sub3A_177 = vector.broadcast %mul3A_69 : vector<1x128xf32> to vector<8x128xf32>
      %sub3A_178 = arith.subf %get3A_176, %sub3A_177 : vector<8x128xf32>
      %integer_pow3A_179 = arith.mulf %sub3A_178, %sub3A_178 : vector<8x128xf32>
      %add3A_180 = arith.addf %add3A_169, %integer_pow3A_179 : vector<8x128xf32>
      %add3A_181 = arith.constant 4 : i32
      %add3A_182 = arith.addi %add3A_137, %add3A_181 : i32
      %mul3A_183 = arith.constant 8 : i32
      %mul3A_184 = arith.muli %add3A_182, %mul3A_183 : i32
      %get3A_185 = arith.index_cast %mul3A_184 : i32 to index
      %get3A_186 = arith.constant 0 : index
      %get3A_187 = vector.load %arg9[%get3A_185, %get3A_186] : memref<10000x128xf32, #tpu.memory_space<vmem>>, vector<8x128xf32>
      %sub3A_188 = vector.broadcast %mul3A_69 : vector<1x128xf32> to vector<8x128xf32>
      %sub3A_189 = arith.subf %get3A_187, %sub3A_188 : vector<8x128xf32>
      %integer_pow3A_190 = arith.mulf %sub3A_189, %sub3A_189 : vector<8x128xf32>
      %add3A_191 = arith.addf %add3A_180, %integer_pow3A_190 : vector<8x128xf32>
      %add3A_192 = arith.constant 5 : i32
      %add3A_193 = arith.addi %add3A_137, %add3A_192 : i32
      %mul3A_194 = arith.constant 8 : i32
      %mul3A_195 = arith.muli %add3A_193, %mul3A_194 : i32
      %get3A_196 = arith.index_cast %mul3A_195 : i32 to index
      %get3A_197 = arith.constant 0 : index
      %get3A_198 = vector.load %arg9[%get3A_196, %get3A_197] : memref<10000x128xf32, #tpu.memory_space<vmem>>, vector<8x128xf32>
      %sub3A_199 = vector.broadcast %mul3A_69 : vector<1x128xf32> to vector<8x128xf32>
      %sub3A_200 = arith.subf %get3A_198, %sub3A_199 : vector<8x128xf32>
      %integer_pow3A_201 = arith.mulf %sub3A_200, %sub3A_200 : vector<8x128xf32>
      %add3A_202 = arith.addf %add3A_191, %integer_pow3A_201 : vector<8x128xf32>
      %add3A_203 = arith.constant 6 : i32
      %add3A_204 = arith.addi %add3A_137, %add3A_203 : i32
      %mul3A_205 = arith.constant 8 : i32
      %mul3A_206 = arith.muli %add3A_204, %mul3A_205 : i32
      %get3A_207 = arith.index_cast %mul3A_206 : i32 to index
      %get3A_208 = arith.constant 0 : index
      %get3A_209 = vector.load %arg9[%get3A_207, %get3A_208] : memref<10000x128xf32, #tpu.memory_space<vmem>>, vector<8x128xf32>
      %sub3A_210 = vector.broadcast %mul3A_69 : vector<1x128xf32> to vector<8x128xf32>
      %sub3A_211 = arith.subf %get3A_209, %sub3A_210 : vector<8x128xf32>
      %integer_pow3A_212 = arith.mulf %sub3A_211, %sub3A_211 : vector<8x128xf32>
      %add3A_213 = arith.addf %add3A_202, %integer_pow3A_212 : vector<8x128xf32>
      %add3A_214 = arith.constant 7 : i32
      %add3A_215 = arith.addi %add3A_137, %add3A_214 : i32
      %mul3A_216 = arith.constant 8 : i32
      %mul3A_217 = arith.muli %add3A_215, %mul3A_216 : i32
      %get3A_218 = arith.index_cast %mul3A_217 : i32 to index
      %get3A_219 = arith.constant 0 : index
      %get3A_220 = vector.load %arg9[%get3A_218, %get3A_219] : memref<10000x128xf32, #tpu.memory_space<vmem>>, vector<8x128xf32>
      %sub3A_221 = vector.broadcast %mul3A_69 : vector<1x128xf32> to vector<8x128xf32>
      %sub3A_222 = arith.subf %get3A_220, %sub3A_221 : vector<8x128xf32>
      %integer_pow3A_223 = arith.mulf %sub3A_222, %sub3A_222 : vector<8x128xf32>
      %add3A_224 = arith.addf %add3A_213, %integer_pow3A_223 : vector<8x128xf32>
      %add3A_225 = arith.constant 8 : i32
      %add3A_226 = arith.addi %add3A_137, %add3A_225 : i32
      %mul3A_227 = arith.constant 8 : i32
      %mul3A_228 = arith.muli %add3A_226, %mul3A_227 : i32
      %get3A_229 = arith.index_cast %mul3A_228 : i32 to index
      %get3A_230 = arith.constant 0 : index
      %get3A_231 = vector.load %arg9[%get3A_229, %get3A_230] : memref<10000x128xf32, #tpu.memory_space<vmem>>, vector<8x128xf32>
      %sub3A_232 = vector.broadcast %mul3A_69 : vector<1x128xf32> to vector<8x128xf32>
      %sub3A_233 = arith.subf %get3A_231, %sub3A_232 : vector<8x128xf32>
      %integer_pow3A_234 = arith.mulf %sub3A_233, %sub3A_233 : vector<8x128xf32>
      %add3A_235 = arith.addf %add3A_224, %integer_pow3A_234 : vector<8x128xf32>
      %add3A_236 = arith.constant 9 : i32
      %add3A_237 = arith.addi %add3A_137, %add3A_236 : i32
      %mul3A_238 = arith.constant 8 : i32
      %mul3A_239 = arith.muli %add3A_237, %mul3A_238 : i32
      %get3A_240 = arith.index_cast %mul3A_239 : i32 to index
      %get3A_241 = arith.constant 0 : index
      %get3A_242 = vector.load %arg9[%get3A_240, %get3A_241] : memref<10000x128xf32, #tpu.memory_space<vmem>>, vector<8x128xf32>
      %sub3A_243 = vector.broadcast %mul3A_69 : vector<1x128xf32> to vector<8x128xf32>
      %sub3A_244 = arith.subf %get3A_242, %sub3A_243 : vector<8x128xf32>
      %integer_pow3A_245 = arith.mulf %sub3A_244, %sub3A_244 : vector<8x128xf32>
      %add3A_246 = arith.addf %add3A_235, %integer_pow3A_245 : vector<8x128xf32>
      %add3A_247 = arith.constant 10 : i32
      %add3A_248 = arith.addi %add3A_137, %add3A_247 : i32
      %mul3A_249 = arith.constant 8 : i32
      %mul3A_250 = arith.muli %add3A_248, %mul3A_249 : i32
      %get3A_251 = arith.index_cast %mul3A_250 : i32 to index
      %get3A_252 = arith.constant 0 : index
      %get3A_253 = vector.load %arg9[%get3A_251, %get3A_252] : memref<10000x128xf32, #tpu.memory_space<vmem>>, vector<8x128xf32>
      %sub3A_254 = vector.broadcast %mul3A_69 : vector<1x128xf32> to vector<8x128xf32>
      %sub3A_255 = arith.subf %get3A_253, %sub3A_254 : vector<8x128xf32>
      %integer_pow3A_256 = arith.mulf %sub3A_255, %sub3A_255 : vector<8x128xf32>
      %add3A_257 = arith.addf %add3A_246, %integer_pow3A_256 : vector<8x128xf32>
      %add3A_258 = arith.constant 11 : i32
      %add3A_259 = arith.addi %add3A_137, %add3A_258 : i32
      %mul3A_260 = arith.constant 8 : i32
      %mul3A_261 = arith.muli %add3A_259, %mul3A_260 : i32
      %get3A_262 = arith.index_cast %mul3A_261 : i32 to index
      %get3A_263 = arith.constant 0 : index
      %get3A_264 = vector.load %arg9[%get3A_262, %get3A_263] : memref<10000x128xf32, #tpu.memory_space<vmem>>, vector<8x128xf32>
      %sub3A_265 = vector.broadcast %mul3A_69 : vector<1x128xf32> to vector<8x128xf32>
      %sub3A_266 = arith.subf %get3A_264, %sub3A_265 : vector<8x128xf32>
      %integer_pow3A_267 = arith.mulf %sub3A_266, %sub3A_266 : vector<8x128xf32>
      %add3A_268 = arith.addf %add3A_257, %integer_pow3A_267 : vector<8x128xf32>
      %add3A_269 = arith.constant 12 : i32
      %add3A_270 = arith.addi %add3A_137, %add3A_269 : i32
      %mul3A_271 = arith.constant 8 : i32
      %mul3A_272 = arith.muli %add3A_270, %mul3A_271 : i32
      %get3A_273 = arith.index_cast %mul3A_272 : i32 to index
      %get3A_274 = arith.constant 0 : index
      %get3A_275 = vector.load %arg9[%get3A_273, %get3A_274] : memref<10000x128xf32, #tpu.memory_space<vmem>>, vector<8x128xf32>
      %sub3A_276 = vector.broadcast %mul3A_69 : vector<1x128xf32> to vector<8x128xf32>
      %sub3A_277 = arith.subf %get3A_275, %sub3A_276 : vector<8x128xf32>
      %integer_pow3A_278 = arith.mulf %sub3A_277, %sub3A_277 : vector<8x128xf32>
      %add3A_279 = arith.addf %add3A_268, %integer_pow3A_278 : vector<8x128xf32>
      %add3A_280 = arith.constant 13 : i32
      %add3A_281 = arith.addi %add3A_137, %add3A_280 : i32
      %mul3A_282 = arith.constant 8 : i32
      %mul3A_283 = arith.muli %add3A_281, %mul3A_282 : i32
      %get3A_284 = arith.index_cast %mul3A_283 : i32 to index
      %get3A_285 = arith.constant 0 : index
      %get3A_286 = vector.load %arg9[%get3A_284, %get3A_285] : memref<10000x128xf32, #tpu.memory_space<vmem>>, vector<8x128xf32>
      %sub3A_287 = vector.broadcast %mul3A_69 : vector<1x128xf32> to vector<8x128xf32>
      %sub3A_288 = arith.subf %get3A_286, %sub3A_287 : vector<8x128xf32>
      %integer_pow3A_289 = arith.mulf %sub3A_288, %sub3A_288 : vector<8x128xf32>
      %add3A_290 = arith.addf %add3A_279, %integer_pow3A_289 : vector<8x128xf32>
      %add3A_291 = arith.constant 14 : i32
      %add3A_292 = arith.addi %add3A_137, %add3A_291 : i32
      %mul3A_293 = arith.constant 8 : i32
      %mul3A_294 = arith.muli %add3A_292, %mul3A_293 : i32
      %get3A_295 = arith.index_cast %mul3A_294 : i32 to index
      %get3A_296 = arith.constant 0 : index
      %get3A_297 = vector.load %arg9[%get3A_295, %get3A_296] : memref<10000x128xf32, #tpu.memory_space<vmem>>, vector<8x128xf32>
      %sub3A_298 = vector.broadcast %mul3A_69 : vector<1x128xf32> to vector<8x128xf32>
      %sub3A_299 = arith.subf %get3A_297, %sub3A_298 : vector<8x128xf32>
      %integer_pow3A_300 = arith.mulf %sub3A_299, %sub3A_299 : vector<8x128xf32>
      %add3A_301 = arith.addf %add3A_290, %integer_pow3A_300 : vector<8x128xf32>
      %add3A_302 = arith.constant 15 : i32
      %add3A_303 = arith.addi %add3A_137, %add3A_302 : i32
      %mul3A_304 = arith.constant 8 : i32
      %mul3A_305 = arith.muli %add3A_303, %mul3A_304 : i32
      %get3A_306 = arith.index_cast %mul3A_305 : i32 to index
      %get3A_307 = arith.constant 0 : index
      %get3A_308 = vector.load %arg9[%get3A_306, %get3A_307] : memref<10000x128xf32, #tpu.memory_space<vmem>>, vector<8x128xf32>
      %sub3A_309 = vector.broadcast %mul3A_69 : vector<1x128xf32> to vector<8x128xf32>
      %sub3A_310 = arith.subf %get3A_308, %sub3A_309 : vector<8x128xf32>
      %integer_pow3A_311 = arith.mulf %sub3A_310, %sub3A_310 : vector<8x128xf32>
      %add3A_312 = arith.addf %add3A_301, %integer_pow3A_311 : vector<8x128xf32>
      %add3A_313 = arith.constant 16 : i32
      %add3A_314 = arith.addi %add3A_137, %add3A_313 : i32
      %mul3A_315 = arith.constant 8 : i32
      %mul3A_316 = arith.muli %add3A_314, %mul3A_315 : i32
      %get3A_317 = arith.index_cast %mul3A_316 : i32 to index
      %get3A_318 = arith.constant 0 : index
      %get3A_319 = vector.load %arg9[%get3A_317, %get3A_318] : memref<10000x128xf32, #tpu.memory_space<vmem>>, vector<8x128xf32>
      %sub3A_320 = vector.broadcast %mul3A_69 : vector<1x128xf32> to vector<8x128xf32>
      %sub3A_321 = arith.subf %get3A_319, %sub3A_320 : vector<8x128xf32>
      %integer_pow3A_322 = arith.mulf %sub3A_321, %sub3A_321 : vector<8x128xf32>
      %add3A_323 = arith.addf %add3A_312, %integer_pow3A_322 : vector<8x128xf32>
      %add3A_324 = arith.constant 17 : i32
      %add3A_325 = arith.addi %add3A_137, %add3A_324 : i32
      %mul3A_326 = arith.constant 8 : i32
      %mul3A_327 = arith.muli %add3A_325, %mul3A_326 : i32
      %get3A_328 = arith.index_cast %mul3A_327 : i32 to index
      %get3A_329 = arith.constant 0 : index
      %get3A_330 = vector.load %arg9[%get3A_328, %get3A_329] : memref<10000x128xf32, #tpu.memory_space<vmem>>, vector<8x128xf32>
      %sub3A_331 = vector.broadcast %mul3A_69 : vector<1x128xf32> to vector<8x128xf32>
      %sub3A_332 = arith.subf %get3A_330, %sub3A_331 : vector<8x128xf32>
      %integer_pow3A_333 = arith.mulf %sub3A_332, %sub3A_332 : vector<8x128xf32>
      %add3A_334 = arith.addf %add3A_323, %integer_pow3A_333 : vector<8x128xf32>
      %add3A_335 = arith.constant 18 : i32
      %add3A_336 = arith.addi %add3A_137, %add3A_335 : i32
      %mul3A_337 = arith.constant 8 : i32
      %mul3A_338 = arith.muli %add3A_336, %mul3A_337 : i32
      %get3A_339 = arith.index_cast %mul3A_338 : i32 to index
      %get3A_340 = arith.constant 0 : index
      %get3A_341 = vector.load %arg9[%get3A_339, %get3A_340] : memref<10000x128xf32, #tpu.memory_space<vmem>>, vector<8x128xf32>
      %sub3A_342 = vector.broadcast %mul3A_69 : vector<1x128xf32> to vector<8x128xf32>
      %sub3A_343 = arith.subf %get3A_341, %sub3A_342 : vector<8x128xf32>
      %integer_pow3A_344 = arith.mulf %sub3A_343, %sub3A_343 : vector<8x128xf32>
      %add3A_345 = arith.addf %add3A_334, %integer_pow3A_344 : vector<8x128xf32>
      %add3A_346 = arith.constant 19 : i32
      %add3A_347 = arith.addi %add3A_137, %add3A_346 : i32
      %mul3A_348 = arith.constant 8 : i32
      %mul3A_349 = arith.muli %add3A_347, %mul3A_348 : i32
      %get3A_350 = arith.index_cast %mul3A_349 : i32 to index
      %get3A_351 = arith.constant 0 : index
      %get3A_352 = vector.load %arg9[%get3A_350, %get3A_351] : memref<10000x128xf32, #tpu.memory_space<vmem>>, vector<8x128xf32>
      %sub3A_353 = vector.broadcast %mul3A_69 : vector<1x128xf32> to vector<8x128xf32>
      %sub3A_354 = arith.subf %get3A_352, %sub3A_353 : vector<8x128xf32>
      %integer_pow3A_355 = arith.mulf %sub3A_354, %sub3A_354 : vector<8x128xf32>
      %add3A_356 = arith.addf %add3A_345, %integer_pow3A_355 : vector<8x128xf32>
      %add3A_357 = arith.constant 20 : i32
      %add3A_358 = arith.addi %add3A_137, %add3A_357 : i32
      %mul3A_359 = arith.constant 8 : i32
      %mul3A_360 = arith.muli %add3A_358, %mul3A_359 : i32
      %get3A_361 = arith.index_cast %mul3A_360 : i32 to index
      %get3A_362 = arith.constant 0 : index
      %get3A_363 = vector.load %arg9[%get3A_361, %get3A_362] : memref<10000x128xf32, #tpu.memory_space<vmem>>, vector<8x128xf32>
      %sub3A_364 = vector.broadcast %mul3A_69 : vector<1x128xf32> to vector<8x128xf32>
      %sub3A_365 = arith.subf %get3A_363, %sub3A_364 : vector<8x128xf32>
      %integer_pow3A_366 = arith.mulf %sub3A_365, %sub3A_365 : vector<8x128xf32>
      %add3A_367 = arith.addf %add3A_356, %integer_pow3A_366 : vector<8x128xf32>
      %add3A_368 = arith.constant 21 : i32
      %add3A_369 = arith.addi %add3A_137, %add3A_368 : i32
      %mul3A_370 = arith.constant 8 : i32
      %mul3A_371 = arith.muli %add3A_369, %mul3A_370 : i32
      %get3A_372 = arith.index_cast %mul3A_371 : i32 to index
      %get3A_373 = arith.constant 0 : index
      %get3A_374 = vector.load %arg9[%get3A_372, %get3A_373] : memref<10000x128xf32, #tpu.memory_space<vmem>>, vector<8x128xf32>
      %sub3A_375 = vector.broadcast %mul3A_69 : vector<1x128xf32> to vector<8x128xf32>
      %sub3A_376 = arith.subf %get3A_374, %sub3A_375 : vector<8x128xf32>
      %integer_pow3A_377 = arith.mulf %sub3A_376, %sub3A_376 : vector<8x128xf32>
      %add3A_378 = arith.addf %add3A_367, %integer_pow3A_377 : vector<8x128xf32>
      %add3A_379 = arith.constant 22 : i32
      %add3A_380 = arith.addi %add3A_137, %add3A_379 : i32
      %mul3A_381 = arith.constant 8 : i32
      %mul3A_382 = arith.muli %add3A_380, %mul3A_381 : i32
      %get3A_383 = arith.index_cast %mul3A_382 : i32 to index
      %get3A_384 = arith.constant 0 : index
      %get3A_385 = vector.load %arg9[%get3A_383, %get3A_384] : memref<10000x128xf32, #tpu.memory_space<vmem>>, vector<8x128xf32>
      %sub3A_386 = vector.broadcast %mul3A_69 : vector<1x128xf32> to vector<8x128xf32>
      %sub3A_387 = arith.subf %get3A_385, %sub3A_386 : vector<8x128xf32>
      %integer_pow3A_388 = arith.mulf %sub3A_387, %sub3A_387 : vector<8x128xf32>
      %add3A_389 = arith.addf %add3A_378, %integer_pow3A_388 : vector<8x128xf32>
      %add3A_390 = arith.constant 23 : i32
      %add3A_391 = arith.addi %add3A_137, %add3A_390 : i32
      %mul3A_392 = arith.constant 8 : i32
      %mul3A_393 = arith.muli %add3A_391, %mul3A_392 : i32
      %get3A_394 = arith.index_cast %mul3A_393 : i32 to index
      %get3A_395 = arith.constant 0 : index
      %get3A_396 = vector.load %arg9[%get3A_394, %get3A_395] : memref<10000x128xf32, #tpu.memory_space<vmem>>, vector<8x128xf32>
      %sub3A_397 = vector.broadcast %mul3A_69 : vector<1x128xf32> to vector<8x128xf32>
      %sub3A_398 = arith.subf %get3A_396, %sub3A_397 : vector<8x128xf32>
      %integer_pow3A_399 = arith.mulf %sub3A_398, %sub3A_398 : vector<8x128xf32>
      %add3A_400 = arith.addf %add3A_389, %integer_pow3A_399 : vector<8x128xf32>
      %add3A_401 = arith.constant 24 : i32
      %add3A_402 = arith.addi %add3A_137, %add3A_401 : i32
      %mul3A_403 = arith.constant 8 : i32
      %mul3A_404 = arith.muli %add3A_402, %mul3A_403 : i32
      %get3A_405 = arith.index_cast %mul3A_404 : i32 to index
      %get3A_406 = arith.constant 0 : index
      %get3A_407 = vector.load %arg9[%get3A_405, %get3A_406] : memref<10000x128xf32, #tpu.memory_space<vmem>>, vector<8x128xf32>
      %sub3A_408 = vector.broadcast %mul3A_69 : vector<1x128xf32> to vector<8x128xf32>
      %sub3A_409 = arith.subf %get3A_407, %sub3A_408 : vector<8x128xf32>
      %integer_pow3A_410 = arith.mulf %sub3A_409, %sub3A_409 : vector<8x128xf32>
      %add3A_411 = arith.addf %add3A_400, %integer_pow3A_410 : vector<8x128xf32>
      scf.yield %add3A_411 : vector<8x128xf32>
    }
    %scan3A_94 = arith.constant 25 : i32
    %slice3A_95 = vector.extract_strided_slice %scan3A_93 {offsets = [0, 0], sizes = [4, 128], strides = [1, 1]} : vector<8x128xf32> to vector<4x128xf32>
    %slice3A_96 = vector.extract_strided_slice %scan3A_93 {offsets = [4, 0], sizes = [4, 128], strides = [1, 1]} : vector<8x128xf32> to vector<4x128xf32>
    %add3A_97 = arith.addf %slice3A_95, %slice3A_96 : vector<4x128xf32>
    %slice3A_98 = vector.extract_strided_slice %add3A_97 {offsets = [0, 0], sizes = [2, 128], strides = [1, 1]} : vector<4x128xf32> to vector<2x128xf32>
    %slice3A_99 = vector.extract_strided_slice %add3A_97 {offsets = [2, 0], sizes = [2, 128], strides = [1, 1]} : vector<4x128xf32> to vector<2x128xf32>
    %add3A_100 = arith.addf %slice3A_98, %slice3A_99 : vector<2x128xf32>
    %slice3A_101 = vector.extract_strided_slice %add3A_100 {offsets = [0, 0], sizes = [1, 128], strides = [1, 1]} : vector<2x128xf32> to vector<1x128xf32>
    %slice3A_102 = vector.extract_strided_slice %add3A_100 {offsets = [1, 0], sizes = [1, 128], strides = [1, 1]} : vector<2x128xf32> to vector<1x128xf32>
    %add3A_103 = arith.addf %slice3A_101, %slice3A_102 : vector<1x128xf32>
    %add3A_104 = arith.addf %add3A_86, %add3A_103 : vector<1x128xf32>
    %mul3A_105 = arith.constant 9.99999974E-5 : f32
    %mul3A_106 = vector.broadcast %mul3A_105 : f32 to vector<1x128xf32>
    %mul3A_107 = arith.mulf %add3A_104, %mul3A_106 : vector<1x128xf32>
    %get3A_108 = arith.constant 0 : index
    %get3A_109 = arith.constant 0 : index
    %get3A_110 = vector.load %arg9[%get3A_108, %get3A_109] : memref<10000x128xf32, #tpu.memory_space<vmem>>, vector<10000x128xf32>
    %sub3A = vector.broadcast %mul3A_69 : vector<1x128xf32> to vector<10000x128xf32>
    %sub3A_111 = arith.subf %get3A_110, %sub3A : vector<10000x128xf32>
    %add3A_112 = arith.constant 9.99999974E-6 : f32
    %add3A_113 = vector.broadcast %add3A_112 : f32 to vector<1x128xf32>
    %add3A_114 = arith.addf %mul3A_107, %add3A_113 : vector<1x128xf32>
    %sqrt3A = math.sqrt %add3A_114 : vector<1x128xf32>
    %div3A = vector.broadcast %sqrt3A : vector<1x128xf32> to vector<10000x128xf32>
    %div3A_115 = arith.divf %sub3A_111, %div3A : vector<10000x128xf32>
    %get3A_116 = arith.constant 0 : index
    %get3A_117 = arith.constant 0 : index
    %get3A_118 = vector.load %arg6[%get3A_116, %get3A_117] : memref<1x128xf32, #tpu.memory_space<vmem>>, vector<1x128xf32>
    %mul3A_119 = vector.broadcast %get3A_118 : vector<1x128xf32> to vector<10000x128xf32>
    %mul3A_120 = arith.mulf %div3A_115, %mul3A_119 : vector<10000x128xf32>
    %get3A_121 = arith.constant 0 : index
    %get3A_122 = arith.constant 0 : index
    %get3A_123 = vector.load %arg7[%get3A_121, %get3A_122] : memref<1x128xf32, #tpu.memory_space<vmem>>, vector<1x128xf32>
    %add3A_124 = vector.broadcast %get3A_123 : vector<1x128xf32> to vector<10000x128xf32>
    %add3A_125 = arith.addf %mul3A_120, %add3A_124 : vector<10000x128xf32>
    %max3A_126 = arith.constant 0.000000e+00 : f32
    %max3A_127 = vector.broadcast %max3A_126 : f32 to vector<10000x128xf32>
    %max3A_128 = arith.maximumf %add3A_125, %max3A_127 : vector<10000x128xf32>
    %swap3A_129 = arith.constant 0 : index
    %swap3A_130 = arith.constant 0 : index
    %swap3A_131 = vector.load %arg8[%swap3A_129, %swap3A_130] : memref<10000x128xf32, #tpu.memory_space<vmem>>, vector<10000x128xf32>
    tpu.vector_store %arg8[%swap3A_129, %swap3A_130], %max3A_128 {strides = array<i32>} : memref<10000x128xf32, #tpu.memory_space<vmem>>, vector<10000x128xf32>,
    return
  }
}

module attributes {stable_mosaic.version = 14 : i64} {
  func.func @_pool_body(%arg0: memref<10000x128xf32, #tpu.memory_space<vmem>>, %arg1: memref<1x10000xi32, #tpu.memory_space<vmem>>, %arg2: memref<128x128xf32, #tpu.memory_space<vmem>>, %arg3: memref<1x128xf32, #tpu.memory_space<vmem>>, %arg4: memref<128x1xf32, #tpu.memory_space<vmem>>, %arg5: memref<1x1xf32, #tpu.memory_space<vmem>>, %arg6: memref<64x1xf32, #tpu.memory_space<vmem>>) attributes {dimension_semantics = [], scalar_prefetch = 0 : i64, scratch_operands = 0 : i64, tpu.core_type = #tpu.core_type<tc>} {
    %iota3A = tpu.iota {dimensions = array<i32: 0>} : vector<64x10000xi32>
    %get3A = arith.constant 0 : index
    %get3A_0 = arith.constant 0 : index
    %get3A_1 = vector.load %arg1[%get3A, %get3A_0] : memref<1x10000xi32, #tpu.memory_space<vmem>>, vector<1x10000xi32>
    %eq3A = vector.broadcast %get3A_1 : vector<1x10000xi32> to vector<64x10000xi32>
    %eq3A_2 = arith.cmpi eq, %iota3A, %eq3A : vector<64x10000xi32>
    %convert_element_type3A = arith.extui %eq3A_2 : vector<64x10000xi1> to vector<64x10000xi32>
    %convert_element_type3A_3 = arith.sitofp %convert_element_type3A : vector<64x10000xi32> to vector<64x10000xf32>
    %get3A_4 = arith.constant 0 : index
    %get3A_5 = arith.constant 0 : index
    %get3A_6 = vector.load %arg0[%get3A_4, %get3A_5] : memref<10000x128xf32, #tpu.memory_space<vmem>>, vector<10000x128xf32>
    %dot_general3A = arith.constant dense<0.000000e+00> : vector<64x128xf32>
    %dot_general3A_7 = tpu.matmul %convert_element_type3A_3, %get3A_6, %dot_general3A {dimension_numbers = #tpu.dot_dimension_numbers<[1], [0], [0], [1], [0, 0, 1, 1], [], []>, transpose_lhs_hint = false} : vector<64x10000xf32>, vector<10000x128xf32>, vector<64x128xf32> -> vector<64x128xf32>
    %get3A_8 = arith.constant 0 : index
    %get3A_9 = arith.constant 0 : index
    %get3A_10 = vector.load %arg2[%get3A_8, %get3A_9] : memref<128x128xf32, #tpu.memory_space<vmem>>, vector<128x128xf32>
    %dot_general3A_11 = arith.constant dense<0.000000e+00> : vector<64x128xf32>
    %dot_general3A_12 = tpu.matmul %dot_general3A_7, %get3A_10, %dot_general3A_11 {dimension_numbers = #tpu.dot_dimension_numbers<[1], [0], [0], [1], [0, 0, 1, 1], [], []>, transpose_lhs_hint = false} : vector<64x128xf32>, vector<128x128xf32>, vector<64x128xf32> -> vector<64x128xf32>
    %get3A_13 = arith.constant 0 : index
    %get3A_14 = arith.constant 0 : index
    %get3A_15 = vector.load %arg3[%get3A_13, %get3A_14] : memref<1x128xf32, #tpu.memory_space<vmem>>, vector<1x128xf32>
    %add3A = vector.broadcast %get3A_15 : vector<1x128xf32> to vector<64x128xf32>
    %add3A_16 = arith.addf %dot_general3A_12, %add3A : vector<64x128xf32>
    %max3A = arith.constant 0.000000e+00 : f32
    %max3A_17 = vector.broadcast %max3A : f32 to vector<64x128xf32>
    %max3A_18 = arith.maximumf %add3A_16, %max3A_17 : vector<64x128xf32>
    %get3A_19 = arith.constant 0 : index
    %get3A_20 = arith.constant 0 : index
    %get3A_21 = vector.load %arg4[%get3A_19, %get3A_20] : memref<128x1xf32, #tpu.memory_space<vmem>>, vector<128x1xf32>
    %dot_general3A_22 = arith.constant dense<0.000000e+00> : vector<64x1xf32>
    %dot_general3A_23 = tpu.matmul %max3A_18, %get3A_21, %dot_general3A_22 {dimension_numbers = #tpu.dot_dimension_numbers<[1], [0], [0], [1], [0, 0, 1, 1], [], []>, transpose_lhs_hint = false} : vector<64x128xf32>, vector<128x1xf32>, vector<64x1xf32> -> vector<64x1xf32>
    %get3A_24 = arith.constant 0 : index
    %get3A_25 = arith.constant 0 : index
    %get3A_26 = vector.load %arg5[%get3A_24, %get3A_25] : memref<1x1xf32, #tpu.memory_space<vmem>>, vector<1x1xf32>
    %add3A_27 = vector.broadcast %get3A_26 : vector<1x1xf32> to vector<64x1xf32>
    %add3A_28 = arith.addf %dot_general3A_23, %add3A_27 : vector<64x1xf32>
    %swap3A = arith.constant 0 : index
    %swap3A_29 = arith.constant 0 : index
    %swap3A_30 = vector.load %arg6[%swap3A, %swap3A_29] : memref<64x1xf32, #tpu.memory_space<vmem>>, vector<64x1xf32>
    tpu.vector_store %arg6[%swap3A, %swap3A_29], %add3A_28 {strides = array<i32>} : memref<64x1xf32, #tpu.memory_space<vmem>>, vector<64x1xf32>,
    return
  }
}

</mosaic_0001>

<sc_bundles>
// kernel: kernel.14.cloned.1.call-start
scs
__scs_entry_jumppad:
0x0: {  	(pc) =	sbr.rel $0x88, $3  }
0x1: {  	(tag) =	ssettag $0x0;
	lr =	simm.s32 $0x1  }
0x2: {  	[smem:$0x3F92] =	sst lr;
	_ =	strace $0xD0000000  }
0x3: {  	_ = 	snop  }
0x4: {  	_ = 	snop  }
0x5: {  	_ = 	snop  }
0x6: {  	_ = 	snop  }
0x7: {  	_ = 	snop  }
__scs_overlays_trampoline_lowered:
0x8: {  	[smem:$0x3FA1] =	sst s0  }
0x9: {  	[smem:$0x3FA2] =	sst s1  }
0xa: {  	[smem:$0x3FA3] =	sst s2  }
0xb: {  	[smem:$0x3FA4] =	sst s3  }
0xc: {  	[smem:$0x3FA5] =	sst s4  }
0xd: {  	[smem:$0x3FA6] =	sst s5  }
0xe: {  	[smem:$0x3FA7] =	sst s6  }
0xf: {  	[smem:$0x3FA8] =	sst s7  }
0x10: {  	[smem:$0x3FA9] =	sst s8  }
0x11: {  	[smem:$0x3FAA] =	sst s9;
	s0 =	simm.s32 @!p0 $0x0  }
0x12: {  	s1 =	sld [smem:$0x3F90];
	s0 =	simm.s32 @p0 $0x1  }
0x13: {  	[smem:$0x3FAB] =	sst s0;
	s0 =	simm.s32 @!p1 $0x0  }
0x14: {  	s2 =	sld [smem:$0x3F8F];
	s0 =	simm.s32 @p1 $0x1  }
0x15: {  	[smem:$0x3FAC] =	sst s0;
	s0 =	simm.s32 @!p2 $0x0  }
0x16: {  	s3 =	sld [smem:$0x3FDB];
	s0 =	simm.s32 @p2 $0x1  }
0x17: {  	s4 =	simm.s32 $0x1BF5;
	[smem:$0x3FAE] =	sst s0  }
0x18: {  	s0 =	sld [smem:$0x3F91];
	_ =	swait.ge [sflag:s4], $0x0  }
0x19: {  	s7 =	sld [smem:$0x3F92]  }
0x1a: {  	s8 =	sadd.s32 $0xFFFFE003, lr  }
0x1b: {  	s9 =	sadd.s32 $0xFFFFFEF7, lr;
	s5 =	simm.s32 $0xFFFFFFFF;
	p2 =	slt.u32 s8, $0xFFFFF086  }
0x1c: {  	p1 =	slt.u32 s9, $0xF7A;
	s5 =	simm.s32 @!p2 $0x0  }
0x1d: {  	s5 =	simm.s32 @p1 $0x1;
	p0 =	seq.s32 s7, s2  }
0x1e: {  	s7 =	smul.u32 @!p0 $0xF7A, s2;
	p2 =	seq.s32 @!p0 s5, $0x0  }
0x1f: {  	s9 =	smul.u32 $0xF7A, s1;
	s8 =	simm.s32 @!p0 $0x1BF5;
	p2 =	por !p2, p0  }
0x20: {  	[sflag:s8] =	ssyncset.s32 @!p0 $0xFFFFF086;
	s6 =	sadd.s32 @!p0 s3, s7;
	s7 =	simm.s32 @!p0 $0x108  }
0x21: {  	s3 =	sadd.s32 s3, s9;
	s6 =	sadd.s32 @!p0 $0x88, s6;
	s7 =	simm.s32 @p2 $0x1082  }
0x22: {  	[simem:s7], [sflag:s8] =	dma.local @!p0 [hbm:s6], $0xF7A  }
0x23: {  	s9 =	sor.u32 $0xD0000000, s2;
	s6 =	simm.s32 $0x108;
	_ =	swait.ge @!p0 [sflag:s8], $0x0  }
0x24: {  	s3 =	sadd.s32 $0x88, s3;
	s6 =	simm.s32 @!p1 $0x1082;
	[sflag:s4] =	ssyncset.s32 $0xFFFFF086  }
0x25: {  	[simem:s6], [sflag:s4] =	dma.local [hbm:s3], $0xF7A  }
0x26: {  	[smem:$0x3F92] =	sst s1;
	(tag) =	ssettag s2;
	_ =	strace s9  }
0x27: {  	s1 =	sld [smem:$0x3FA2]  }
0x28: {  	s2 =	sld [smem:$0x3FA3]  }
0x29: {  	s4 =	sld [smem:$0x3FA5]  }
0x2a: {  	p0 =	seq.s32 s5, $0x0;
	s5 =	sld [smem:$0x3FA6]  }
0x2b: {  	s6 =	sld [smem:$0x3FA7]  }
0x2c: {  	s7 =	sld [smem:$0x3FA8]  }
0x2d: {  	s3 =	simm.s32 $0x108;
	s8 =	sld [smem:$0x3FA9]  }
0x2e: {  	s3 =	simm.s32 @!p0 $0x1082;
	s9 =	sld [smem:$0x3FAA]  }
0x2f: {  	lr =	sadd.s32 s0, s3;
	s0 =	sld [smem:$0x3FA1]  }
0x30: {  	s3 =	sld [smem:$0x3FA4]  }
0x31: {  	[smem:$0x3FAD] =	sst s10  }
0x32: {  	s10 =	sld [smem:$0x3FAB];
	_ =	sdelay $0x3  }
0x33: {  	p0 =	seq.s32 s10, $0x1;
	s10 =	sld [smem:$0x3FAD];
	_ =	sdelay $0x3  }
0x34: {  	[smem:$0x3FAD] =	sst s10  }
0x35: {  	s10 =	sld [smem:$0x3FAC];
	_ =	sdelay $0x3  }
0x36: {  	p1 =	seq.s32 s10, $0x1;
	s10 =	sld [smem:$0x3FAD];
	_ =	sdelay $0x3  }
0x37: {  	[smem:$0x3FAD] =	sst s10  }
0x38: {  	s10 =	sld [smem:$0x3FAE]  }
0x39: {  	_ = 	snop;
	(pc) =	sbr.ind lr, $3  }
0x3a: {  	_ = 	snop  }
0x3b: {  	_ = 	snop  }
0x3c: {  	p2 =	seq.s32 s10, $0x1;
	s10 =	sld [smem:$0x3FAD]  }
0x3d: {  	_ =	shalt  }
0x3e: {  	_ =	shalt  }
0x3f: {  	_ =	shalt  }
0x40: {  	_ =	shalt  }
0x41: {  	_ =	shalt  }
0x42: {  	_ =	shalt  }
0x43: {  	_ =	shalt  }
0x44: {  	_ =	shalt  }
0x45: {  	_ =	shalt  }
0x46: {  	_ =	shalt  }
0x47: {  	_ =	shalt  }
0x48: {  	_ =	shalt  }
0x49: {  	_ =	shalt  }
0x4a: {  	_ =	shalt  }
0x4b: {  	_ =	shalt  }
0x4c: {  	_ =	shalt  }
0x4d: {  	_ =	shalt  }
0x4e: {  	_ =	shalt  }
0x4f: {  	_ =	shalt  }
0x50: {  	_ =	shalt  }
0x51: {  	_ =	shalt  }
0x52: {  	_ =	shalt  }
0x53: {  	_ =	shalt  }
0x54: {  	_ =	shalt  }
0x55: {  	_ =	shalt  }
0x56: {  	_ =	shalt  }
0x57: {  	_ =	shalt  }
0x58: {  	_ =	shalt  }
0x59: {  	_ =	shalt  }
0x5a: {  	_ =	shalt  }
0x5b: {  	_ =	shalt  }
0x5c: {  	_ =	shalt  }
0x5d: {  	_ =	shalt  }
0x5e: {  	_ =	shalt  }
0x5f: {  	_ =	shalt  }
0x60: {  	_ =	shalt  }
0x61: {  	_ =	shalt  }
0x62: {  	_ =	shalt  }
0x63: {  	_ =	shalt  }
0x64: {  	_ =	shalt  }
0x65: {  	_ =	shalt  }
0x66: {  	_ =	shalt  }
0x67: {  	_ =	shalt  }
0x68: {  	_ =	shalt  }
0x69: {  	_ =	shalt  }
0x6a: {  	_ =	shalt  }
0x6b: {  	_ =	shalt  }
0x6c: {  	_ =	shalt  }
0x6d: {  	_ =	shalt  }
0x6e: {  	_ =	shalt  }
0x6f: {  	_ =	shalt  }
0x70: {  	_ =	shalt  }
0x71: {  	_ =	shalt  }
0x72: {  	_ =	shalt  }
0x73: {  	_ =	shalt  }
0x74: {  	_ =	shalt  }
0x75: {  	_ =	shalt  }
0x76: {  	_ =	shalt  }
0x77: {  	_ =	shalt  }
0x78: {  	_ =	shalt  }
0x79: {  	_ =	shalt  }
0x7a: {  	_ =	shalt  }
0x7b: {  	_ =	shalt  }
0x7c: {  	_ =	shalt  }
0x7d: {  	_ =	shalt  }
0x7e: {  	_ =	shalt  }
0x7f: {  	_ =	shalt  }
0x80: {  	_ =	shalt  }
0x81: {  	_ =	shalt  }
0x82: {  	_ =	shalt  }
0x83: {  	_ =	shalt  }
0x84: {  	_ =	shalt  }
0x85: {  	_ =	shalt  }
0x86: {  	_ =	shalt  }
0x87: {  	_ =	shalt  }
.Lfunc_end0:
.L_simem_size_0:
called_computation_lowered:
.L_overlay_start_0:
0x88: {  	s2 =	sld [smem:$0x3FD9]  }
0x89: {  	s3 =	sld [smem:$0x3FFE];
	_ =	sdelay $0x1  }
0x8a: {  	s1 =	srdreg.scid  }
0x8b: {  	s0 =	sand.u32 $0x1, s1  }
0x8c: {  	s16 =	sshll.u32 s0, $0xA;
	s2 =	sadd.s32 s3, s2  }
0x8d: {  	s2 =	sadd.s32 s2, s16  }
0x8e: {  	[smem:$0x3FB9] =	sst s2  }
0x8f: {  	_ = 	snop  }
0x90: {  	(tm) =	ssettm $0x1  }
0x91: {  	s17 =	sld [smem:$0x3FFB];
	_ =	sdelay $0x3  }
0x92: {  	_ =	strace s17  }
0x93: {  	s2 =	sld [smem:$0x3FFC];
	_ =	sdelay $0x3  }
0x94: {  	_ =	strace s2  }
0x95: {  	s2 =	sld [smem:$0x3FFD];
	_ =	sdelay $0x3  }
0x96: {  	_ =	strace s2  }
0x97: {  	_ =	strace $0x8FFFFFFF  }
0x98: {  	s18 =	sld [smem:$0x3FDB];
	_ =	sdelay $0x1  }
0x99: {  	s19 =	simm.s32 $_scs_section_size  }
0x9a: {  	s4 =	simm.s32 $_size__tile_overlayer_lowered;
	s5 =	simm.s32 $_tile_overlayer_lowered  }
0x9b: {  	s22 =	simm.s32 $0x1BFF;
	s21 =	sshll.u32 s5, $0x1;
	s2 =	sadd.s32 s19, s18  }
0x9c: {  	s6 =	simm.s32 $0x0;
	s20 =	sshll.u32 s4, $0x1;
	s4 =	sadd.s32 s21, s2  }
0x9d: {  	[timem:s6], [sflag:s22] =	dma.local [hbm:s4], s20  }
0x9e: {  	_ =	swait.ge [sflag:s22], s20  }
0x9f: {  	s3 =	ssub.s32 $0x0, s20;
	[sflag:s22] =	ssyncset.done $0x0  }
0xa0: {  	[sflag:s22] =	ssyncadd.s32 s3;
	_ =	sdelay $0x1  }
0xa1: {  	s23 =	simm.s32 $0x1B8B  }
0xa2: {  	_ =	swait.ge [sflag:s23], $0x1  }
0xa3: {  	[sflag:s23] =	ssyncset.done $0x0  }
0xa4: {  	s25 =	simm.s32 $0x1B8E;
	s24 =	sld [smem:$0x3FFE];
	[sflag:s23] =	ssyncadd.s32 $0xFFFFFFFF  }
0xa5: {  	s26 =	simm.s32 $execute0_lowered;
	[smem:$0x3FD2] =	sst s25  }
0xa6: {  	s4 =	sshll.u32 s26, $0x1;
	_ =	strace $0x80000046;
	[dreg:$0x1] =	wrdreg $0xFFFFFFFF  }
0xa7: {  	s28 =	simm.s32 $_size_execute0_lowered;
	s2 =	sadd.s32 s2, s4;
	[dreg:$0x0] =	wrdreg $0x0  }
0xa8: {  	s4 =	sshll.u32 s28, $0x1;
	[dreg:$0x2] =	wrdreg s2  }
0xa9: {  	[dreg:$0x3] =	wrdreg s4  }
0xaa: {  	[dreg:$0x4] =	wrdreg $0xC0  }
0xab: {  	_ =	task [dreg:s6], $0x5FFFF  }
0xac: {  	[dreg:$0x1] =	wrdreg $0xFFFFFFFF  }
0xad: {  	[dreg:$0x0] =	wrdreg $0x60  }
0xae: {  	[dreg:$0x2] =	wrdreg s24  }
0xaf: {  	[dreg:$0x3] =	wrdreg $0x98000  }
0xb0: {  	[dreg:$0x4] =	wrdreg $0x9  }
0xb1: {  	_ =	task.clear_ibuf [dreg:s6], $0x5FFFF;
	_ =	strace $0x90000046  }
0xb2: {  	s29 =	simm.s32 $0x9;
	_ =	strace $0x80000048  }
0xb3: {  	_ =	swait.ge [sflag:s29], $0x1  }
0xb4: {  	[sflag:s29] =	ssyncadd.s32 $0xFFFFFFFF  }
0xb5: {  	_ =	strace $0x90000048  }
0xb6: {  	_ =	sfence  }
0xb7: {  	s30 =	sld [smem:$0x0];
	_ =	sdelay $0x2  }
0xb8: {  	s31 =	sshll.u32 s1, $0xD;
	s1 =	sshrl.u32 s1, $0x2  }
0xb9: {  	s3 =	sand.u32 $0x4000, s31;
	s1 =	sadd.s32 s1, s30  }
0xba: {  	s0 =	sor.u32 s3, s0;
	s1 =	sshll.u32 s1, $0x11  }
0xbb: {  	s0 =	sor.u32 s1, s0  }
0xbc: {  	s0 =	sadd.s32 $0x8F2B, s0  }
0xbd: {  	[sflag:s0] =	ssyncadd.remote.s32 $0x1  }
0xbe: {  	_ =	sfence.sel $0xFFFF  }
0xbf: {  	[dreg:$0x0] =	wrdreg $0xFFFFFFFF;
	(pc) =	sbr.abs _section_cstart, $3  }
0xc0: {  	[dreg:$0x1] =	wrdreg $0xFFFFFFFF  }
0xc1: {  	_ =	task.clear_ibuf [dreg:s6], $0x2FFFF;
	_ =	strace $0x9FFFFFFF  }
0xc2: {  	(tm) =	ssettm $0x7FFFFFFF  }
0xc3: {  	_ =	shalt  }
tec
execute0_lowered:
.L_overlay_start_1:
0x0: {  	(tag) =	ssettag $0x1  }
0x1: {  	s7 =	rddreg [dreg:$0x0]  }
0x2: {  	s2 =	rddreg [dreg:$0x1];
	s3 =	simm.s32 $0x0;
	s1 =	stileid.u32  }
0x3: {  	s4 =	srdreg.scid;
	s15 =	simm.s32 $0x2000;
	s16 =	simm.s32 $0x80  }
0x4: {  	s17 =	simm.s32 $0x4800;
	s18 =	simm.s32 $0x100;
	s19 =	simm.s32 $0x7000  }
0x5: {  	[smem:$0x7FF] =	sst s3;
	s8 =	smul.u32 $0x13800, s1;
	s9 =	sand.u32 $0x1, s4  }
0x6: {  	s4 =	sadd.s32 $0x2D000, s7;
	s5 =	sadd.s32 $0x5000, s7;
	s6 =	sadd.s32 $0x19000, s7  }
0x7: {  	s12 =	smul.u32 $0x4E000, s1;
	s29 =	sshll.u32 s1, $0x1;
	s31 =	sshll.u32 s1, $0x6  }
0x8: {  	_ =	strace $0x80000047;
	s10 =	smul.u32 $0x138800, s9;
	s26 =	ssub.s32 $0x2, s9  }
0x9: {  	s9 =	sor.u32 s9, s29;
	s11 =	sshrl.u32 s8, $0x3;
	s28 =	sshrl.u32 s26, $0x1  }
0xa: {  	s30 =	sshrl.u32 s12, $0x2;
	s9 =	smul.u32 $0x5000, s9;
	s8 =	sadd.s32 s8, s10  }
0xb: {  	s11 =	sadd.s32 s11, s7;
	s12 =	sadd.s32 s30, s2;
	s8 =	sshrl.u32 s8, $0x3  }
0xc: {  	s14 =	ssub.s32 s26, s28;
	s12 =	sshrl.u32 s12, $0x3;
	s13 =	sadd.s32 s8, s7  }
0xd: {  	s7 =	sadd.s32 $0x54200, s11;
	s8 =	sor.u32 $0x1C04, s31;
	s11 =	smax.u32 s14, $0x1  }
0xe: {  	s14 =	simm.s32 $0x50;
	s10 =	sadd.s32 $0x7B400, s13;
	s13 =	simm.s32 $0x4  }
.LBB2_1:
0xf: {  	[spmem:s12], [sflag:s8] =	dma.local [hbm:s7], $0x2800  }
0x10: {  	_ =	swait.ge [sflag:s13], $0x2800  }
0x11: {  	[sflag:s13] =	ssyncset.done $0x0  }
0x12: {  	[sflag:s13] =	ssyncadd.s32 $0xFFFFD800  }
0x13: {  	s20 =	simm.s32 $0x0;
	[bflag:$0x0] =	sbarrier.arrive $0xFFFF  }
.LBB2_2:
0x14: {  	s21 =	sshll.u32 s20, $0xC  }
0x15: {  	s21 =	sadd.s32 s9, s21  }
0x16: {  	s21 =	sshrl.u32 s21, $0x3  }
0x17: {  	s23 =	simm.s32 $0x0;
	s22 =	sadd.s32 s5, s21  }
0x18: {  	[tilespmem:s23], [sflag:$0x4] =	stream.linear.gather [hbm4b:s22+s23], $0xC80, $0x38;
	[tilespmem:$0x1D080] =	vst v63  }
0x19: {  	_ =	swait.ge [sflag:s13], $0xC80  }
0x1a: {  	s26 =	simm.s32 $0x1000;
	[sflag:s13] =	ssyncset.done $0x0  }
0x1b: {  	s24 =	smul.u32 $0xAB, s23;
	s21 =	sadd.s32 s6, s21;
	[sflag:s13] =	ssyncadd.s32 $0xFFFFF380  }
0x1c: {  	[tilespmem:s26], [sflag:$0x4] =	stream.linear.gather [hbm4b:s21+s23], $0xC80, $0x38;
	[tilespmem:$0x1D080] =	vst v63  }
0x1d: {  	s21 =	sshrl.u32 s24, $0x9;
	_ =	swait.ge [sflag:s13], $0xC80  }
0x1e: {  	s21 =	sand.u32 $0x7F, s21;
	[sflag:s13] =	ssyncset.done $0x0  }
0x1f: {  	s21 =	smul.u32 $0x3, s21;
	[sflag:s13] =	ssyncadd.s32 $0xFFFFF380  }
0x20: {  	[tilespmem:s15], [sflag:$0x1] =	stream.indirect.gather [hbm4b:s4+s14], $0x80, s23, s14, $0xb8;
	[tilespmem:$0x1D080] =	vst v63  }
0x21: {  	s21 =	ssub.s32 $0x0, s21  }
0x22: {  	s25 =	sand.u32 $0xFF, s21  }
0x23: {  	[tilespmem:s17], [sflag:$0x2] =	stream.indirect.gather [hbm4b:s4+s14], $0x80, s16, s14, $0xb8;
	[tilespmem:$0x1D080] =	vst v63  }
0x24: {  	p0 =	por $0x0, $0x0;
	s21 =	simm.s32 $0x1;
	s30 =	smul.u32 $0xA000, s25  }
0x25: {  	s22 =	simm.s32 $0x180;
	s24 =	sadd.s32 $0x1, s25;
	s25 =	smul.u32 $0xAB, s21  }
0x26: {  	[tilespmem:s19], [sflag:$0x3] =	stream.indirect.gather [hbm4b:s4+s14], $0x80, s18, s14, $0xb8;
	[tilespmem:$0x1D080] =	vst v63  }
0x27: {  	s23 =	sshrl.u32 s30, $0x2;
	s28 =	sshrl.u32 s25, $0x9;
	_ =	swait.ge [sflag:s24], $0x2800  }
0x28: {  	s25 =	sadd.s32 $0x2000, s23;
	s31 =	sand.u32 $0x7F, s28;
	[sflag:s24] =	ssyncset.done $0x0  }
0x29: {  	s23 =	simm.s32 $0x1080;
	s28 =	simm.s32 $0x180;
	[sflag:s24] =	ssyncadd.s32 $0xFFFFD800  }
0x2a: {  	[spmem:s2] =	stream.indirect.scatter.add.f32 [tilespmem:s25], [sflag:$0x4], $0x80, s26, s14, $0xb8;
	[tilespmem:$0x1D080] =	vst v63  }
0x2b: {  	s29 =	smul.u32 $0x3, s31;
	s26 =	simm.s32 $0x2;
	_ =	swait.ge [sflag:s13], $0x2800  }
.LBB2_3:
0x2c: {  	[sflag:s13] =	ssyncset.done $0x0;
	s22 =	sadd.s32 $0x80, s22  }
0x2d: {  	s30 =	smov.u32 s21;
	s21 =	smov.u32 s26;
	s26 =	sadd.s32 $0x1, s26  }
0x2e: {  	p1 =	sne.s32 s26, $0x19;
	s29 =	ssub.s32 s30, s29;
	[sflag:s13] =	ssyncadd.s32 $0xFFFFD800  }
0x2f: {  	s31 =	simm.s32 @!p0 $0x50;
	s29 =	sand.u32 $0xFF, s29  }
0x30: {  	s0 =	smul.u32 $0xA000, s29;
	s29 =	sadd.s32 $0x1, s29  }
0x31: {  	[tilespmem:s25], [sflag:s24] =	stream.indirect.gather @!p0 [hbm4b:s4+s31], $0x80, s28, s31, $0xb8;
	[tilespmem:$0x1D080] =	vst v63  }
0x32: {  	s24 =	smul.u32 $0xAB, s21;
	s28 =	smov.u32 s22;
	s0 =	sshrl.u32 s0, $0x2  }
.Ltmp0:
0x33: {  	s25 =	sadd.s32 $0x2000, s0;
	_ =	swait.ge [sflag:s29], $0x2800;
	(pc) =	sbr.rel @p1 .LBB2_3-.Ltmp0, $4  }
0x34: {  	s0 =	sshrl.u32 s24, $0x9;
	s24 =	smov.u32 s29;
	[sflag:s29] =	ssyncset.done $0x0  }
0x35: {  	p0 =	sgt.u32 s30, $0x15;
	s0 =	sand.u32 $0x7F, s0;
	[sflag:s24] =	ssyncadd.s32 $0xFFFFD800  }
0x36: {  	[spmem:s2] =	stream.indirect.scatter.add.f32 [tilespmem:s25], [sflag:$0x4], $0x80, s23, s14, $0xb8;
	[tilespmem:$0x1D080] =	vst v63  }
0x37: {  	s29 =	smul.u32 $0x3, s0;
	s23 =	sadd.s32 $0x80, s23;
	_ =	swait.ge [sflag:s13], $0x2800  }
0x38: {  	_ = 	snop  }
0x39: {  	[sflag:s13] =	ssyncset.done $0x0;
	s0 =	ssub.s32 s21, s29  }
0x3a: {  	s26 =	simm.s32 @!p0 $0x50;
	[sflag:s13] =	ssyncadd.s32 $0xFFFFD800;
	s0 =	sand.u32 $0xFF, s0  }
0x3b: {  	[tilespmem:s25], [sflag:s24] =	stream.indirect.gather @!p0 [hbm4b:s4+s26], $0x80, s28, s26, $0xb8;
	[tilespmem:$0x1D080] =	vst v63  }
0x3c: {  	s30 =	smul.u32 $0xA000, s0;
	s0 =	sadd.s32 $0x1, s0  }
0x3d: {  	_ =	swait.ge [sflag:s0], $0x2800  }
0x3e: {  	s31 =	sshrl.u32 s30, $0x2;
	[sflag:s0] =	ssyncset.done $0x0  }
0x3f: {  	s24 =	sadd.s32 $0x2000, s31;
	[sflag:s0] =	ssyncadd.s32 $0xFFFFD800  }
0x40: {  	[spmem:s2] =	stream.indirect.scatter.add.f32 [tilespmem:s24], [sflag:$0x4], $0x80, s23, s14, $0xb8;
	[tilespmem:$0x1D080] =	vst v63  }
0x41: {  	_ =	swait.ge [sflag:s13], $0x2800  }
0x42: {  	s20 =	sadd.s32 $0x1, s20;
	p0 =	sgt.u32 s21, $0x15;
	[sflag:s13] =	ssyncset.done $0x0  }
0x43: {  	s21 =	sadd.s32 $0x80, s22;
	s22 =	simm.s32 @!p0 $0x50;
	[sflag:s13] =	ssyncadd.s32 $0xFFFFD800  }
0x44: {  	[tilespmem:s24], [sflag:s0] =	stream.indirect.gather @!p0 [hbm4b:s4+s22], $0x80, s21, s22, $0xb8;
	[tilespmem:$0x1D080] =	vst v63  }
0x45: {  	p0 =	sne.s32 s20, $0x5  }
.Ltmp1:
0x46: {  	_ = 	snop;
	(pc) =	sbr.rel @p0 .LBB2_2-.Ltmp1, $1  }
0x47: {  	_ =	sdelay $0x3  }
0x48: {  	s3 =	sadd.s32 $0x1, s3  }
0x49: {  	p0 =	sne.s32 s3, s11  }
.Ltmp2:
0x4a: {  	[bflag:$0x0] =	sbarrier.arrive $0xFFFF;
	(pc) =	sbr.rel @p0 .LBB2_1-.Ltmp2, $4  }
0x4b: {  	[hbm:s10], [sflag:s8] =	dma.local [spmem:s12], $0x2800  }
0x4c: {  	_ =	swait.ge [sflag:s13], $0x2800  }
0x4d: {  	[sflag:s13] =	ssyncset.done $0x0  }
0x4e: {  	[sflag:s13] =	ssyncadd.s32 $0xFFFFD800  }
0x4f: {  	_ =	sfence.sel $0x180000  }
0x50: {  	[bflag:$0x0] =	sbarrier.arrive $0xFFFF  }
0x51: {  	_ =	strace $0x90000047  }
0x52: {  	[bflag:$0x2] =	sbarrier.arrive $0xFFFF  }
0x53: {  	p0 =	sne.s32 s1, $0x0;
	s0 =	rddreg [dreg:$0x2]  }
0x54: {  	s0 =	sadd.s32 @!p0 $0x100000, s0  }
0x55: {  	[sflag:s0] =	ssyncadd.tile.s32 @!p0 $0x1;
	_ =	shalt  }
.Lfunc_end2:
_tile_overlayer_lowered:
.L_overlay_start_2:
0x56: {  	(tag) =	ssettag $0x2  }
0x57: {  	s0 =	rddreg [dreg:$0x0];
	s2 =	stileid.u32  }
0x58: {  	s1 =	rddreg [dreg:$0x1];
	p0 =	sne.s32 s2, $0x0  }
0x59: {  	s3 =	rddreg [dreg:$0x2];
	[bflag:$0x3] =	sbarrier.arrive $0xFFFF;
	s2 =	simm.s32 @!p0 $0x1C04  }
0x5a: {  	[timem:s3], [sflag:s2] =	dma.local @!p0 [hbm:s0], s1  }
0x5b: {  	s0 =	simm.s32 @!p0 $0x4  }
0x5c: {  	_ =	swait.ge @!p0 [sflag:s0], s1  }
0x5d: {  	s1 =	ssub.s32 @!p0 $0x0, s1;
	[sflag:s0] =	ssyncset.done @!p0 $0x0  }
0x5e: {  	[sflag:s0] =	ssyncadd.s32 @!p0 s1  }
0x5f: {  	[bflag:$0x3] =	sbarrier.arrive $0xFFFF  }
0x60: {  	_ =	shalt  }

// kernel: kernel.17.cloned.1.call-start
scs
__scs_entry_jumppad:
0x0: {  	(pc) =	sbr.rel $0x88, $3  }
0x1: {  	(tag) =	ssettag $0x0;
	lr =	simm.s32 $0x1  }
0x2: {  	[smem:$0x3F92] =	sst lr;
	_ =	strace $0xD0000000  }
0x3: {  	_ = 	snop  }
0x4: {  	_ = 	snop  }
0x5: {  	_ = 	snop  }
0x6: {  	_ = 	snop  }
0x7: {  	_ = 	snop  }
__scs_overlays_trampoline_lowered:
0x8: {  	[smem:$0x3FA1] =	sst s0  }
0x9: {  	[smem:$0x3FA2] =	sst s1  }
0xa: {  	[smem:$0x3FA3] =	sst s2  }
0xb: {  	[smem:$0x3FA4] =	sst s3  }
0xc: {  	[smem:$0x3FA5] =	sst s4  }
0xd: {  	[smem:$0x3FA6] =	sst s5  }
0xe: {  	[smem:$0x3FA7] =	sst s6  }
0xf: {  	[smem:$0x3FA8] =	sst s7  }
0x10: {  	[smem:$0x3FA9] =	sst s8  }
0x11: {  	[smem:$0x3FAA] =	sst s9;
	s0 =	simm.s32 @!p0 $0x0  }
0x12: {  	s1 =	sld [smem:$0x3F90];
	s0 =	simm.s32 @p0 $0x1  }
0x13: {  	[smem:$0x3FAB] =	sst s0;
	s0 =	simm.s32 @!p1 $0x0  }
0x14: {  	s2 =	sld [smem:$0x3F8F];
	s0 =	simm.s32 @p1 $0x1  }
0x15: {  	[smem:$0x3FAC] =	sst s0;
	s0 =	simm.s32 @!p2 $0x0  }
0x16: {  	s3 =	sld [smem:$0x3FDB];
	s0 =	simm.s32 @p2 $0x1  }
0x17: {  	s4 =	simm.s32 $0x1BF5;
	[smem:$0x3FAE] =	sst s0  }
0x18: {  	s0 =	sld [smem:$0x3F91];
	_ =	swait.ge [sflag:s4], $0x0  }
0x19: {  	s7 =	sld [smem:$0x3F92]  }
0x1a: {  	s8 =	sadd.s32 $0xFFFFE003, lr  }
0x1b: {  	s9 =	sadd.s32 $0xFFFFFEF7, lr;
	s5 =	simm.s32 $0xFFFFFFFF;
	p2 =	slt.u32 s8, $0xFFFFF086  }
0x1c: {  	p1 =	slt.u32 s9, $0xF7A;
	s5 =	simm.s32 @!p2 $0x0  }
0x1d: {  	s5 =	simm.s32 @p1 $0x1;
	p0 =	seq.s32 s7, s2  }
0x1e: {  	s7 =	smul.u32 @!p0 $0xF7A, s2;
	p2 =	seq.s32 @!p0 s5, $0x0  }
0x1f: {  	s9 =	smul.u32 $0xF7A, s1;
	s8 =	simm.s32 @!p0 $0x1BF5;
	p2 =	por !p2, p0  }
0x20: {  	[sflag:s8] =	ssyncset.s32 @!p0 $0xFFFFF086;
	s6 =	sadd.s32 @!p0 s3, s7;
	s7 =	simm.s32 @!p0 $0x108  }
0x21: {  	s3 =	sadd.s32 s3, s9;
	s6 =	sadd.s32 @!p0 $0x88, s6;
	s7 =	simm.s32 @p2 $0x1082  }
0x22: {  	[simem:s7], [sflag:s8] =	dma.local @!p0 [hbm:s6], $0xF7A  }
0x23: {  	s9 =	sor.u32 $0xD0000000, s2;
	s6 =	simm.s32 $0x108;
	_ =	swait.ge @!p0 [sflag:s8], $0x0  }
0x24: {  	s3 =	sadd.s32 $0x88, s3;
	s6 =	simm.s32 @!p1 $0x1082;
	[sflag:s4] =	ssyncset.s32 $0xFFFFF086  }
0x25: {  	[simem:s6], [sflag:s4] =	dma.local [hbm:s3], $0xF7A  }
0x26: {  	[smem:$0x3F92] =	sst s1;
	(tag) =	ssettag s2;
	_ =	strace s9  }
0x27: {  	s1 =	sld [smem:$0x3FA2]  }
0x28: {  	s2 =	sld [smem:$0x3FA3]  }
0x29: {  	s4 =	sld [smem:$0x3FA5]  }
0x2a: {  	p0 =	seq.s32 s5, $0x0;
	s5 =	sld [smem:$0x3FA6]  }
0x2b: {  	s6 =	sld [smem:$0x3FA7]  }
0x2c: {  	s7 =	sld [smem:$0x3FA8]  }
0x2d: {  	s3 =	simm.s32 $0x108;
	s8 =	sld [smem:$0x3FA9]  }
0x2e: {  	s3 =	simm.s32 @!p0 $0x1082;
	s9 =	sld [smem:$0x3FAA]  }
0x2f: {  	lr =	sadd.s32 s0, s3;
	s0 =	sld [smem:$0x3FA1]  }
0x30: {  	s3 =	sld [smem:$0x3FA4]  }
0x31: {  	[smem:$0x3FAD] =	sst s10  }
0x32: {  	s10 =	sld [smem:$0x3FAB];
	_ =	sdelay $0x3  }
0x33: {  	p0 =	seq.s32 s10, $0x1;
	s10 =	sld [smem:$0x3FAD];
	_ =	sdelay $0x3  }
0x34: {  	[smem:$0x3FAD] =	sst s10  }
0x35: {  	s10 =	sld [smem:$0x3FAC];
	_ =	sdelay $0x3  }
0x36: {  	p1 =	seq.s32 s10, $0x1;
	s10 =	sld [smem:$0x3FAD];
	_ =	sdelay $0x3  }
0x37: {  	[smem:$0x3FAD] =	sst s10  }
0x38: {  	s10 =	sld [smem:$0x3FAE]  }
0x39: {  	_ = 	snop;
	(pc) =	sbr.ind lr, $3  }
0x3a: {  	_ = 	snop  }
0x3b: {  	_ = 	snop  }
0x3c: {  	p2 =	seq.s32 s10, $0x1;
	s10 =	sld [smem:$0x3FAD]  }
0x3d: {  	_ =	shalt  }
0x3e: {  	_ =	shalt  }
0x3f: {  	_ =	shalt  }
0x40: {  	_ =	shalt  }
0x41: {  	_ =	shalt  }
0x42: {  	_ =	shalt  }
0x43: {  	_ =	shalt  }
0x44: {  	_ =	shalt  }
0x45: {  	_ =	shalt  }
0x46: {  	_ =	shalt  }
0x47: {  	_ =	shalt  }
0x48: {  	_ =	shalt  }
0x49: {  	_ =	shalt  }
0x4a: {  	_ =	shalt  }
0x4b: {  	_ =	shalt  }
0x4c: {  	_ =	shalt  }
0x4d: {  	_ =	shalt  }
0x4e: {  	_ =	shalt  }
0x4f: {  	_ =	shalt  }
0x50: {  	_ =	shalt  }
0x51: {  	_ =	shalt  }
0x52: {  	_ =	shalt  }
0x53: {  	_ =	shalt  }
0x54: {  	_ =	shalt  }
0x55: {  	_ =	shalt  }
0x56: {  	_ =	shalt  }
0x57: {  	_ =	shalt  }
0x58: {  	_ =	shalt  }
0x59: {  	_ =	shalt  }
0x5a: {  	_ =	shalt  }
0x5b: {  	_ =	shalt  }
0x5c: {  	_ =	shalt  }
0x5d: {  	_ =	shalt  }
0x5e: {  	_ =	shalt  }
0x5f: {  	_ =	shalt  }
0x60: {  	_ =	shalt  }
0x61: {  	_ =	shalt  }
0x62: {  	_ =	shalt  }
0x63: {  	_ =	shalt  }
0x64: {  	_ =	shalt  }
0x65: {  	_ =	shalt  }
0x66: {  	_ =	shalt  }
0x67: {  	_ =	shalt  }
0x68: {  	_ =	shalt  }
0x69: {  	_ =	shalt  }
0x6a: {  	_ =	shalt  }
0x6b: {  	_ =	shalt  }
0x6c: {  	_ =	shalt  }
0x6d: {  	_ =	shalt  }
0x6e: {  	_ =	shalt  }
0x6f: {  	_ =	shalt  }
0x70: {  	_ =	shalt  }
0x71: {  	_ =	shalt  }
0x72: {  	_ =	shalt  }
0x73: {  	_ =	shalt  }
0x74: {  	_ =	shalt  }
0x75: {  	_ =	shalt  }
0x76: {  	_ =	shalt  }
0x77: {  	_ =	shalt  }
0x78: {  	_ =	shalt  }
0x79: {  	_ =	shalt  }
0x7a: {  	_ =	shalt  }
0x7b: {  	_ =	shalt  }
0x7c: {  	_ =	shalt  }
0x7d: {  	_ =	shalt  }
0x7e: {  	_ =	shalt  }
0x7f: {  	_ =	shalt  }
0x80: {  	_ =	shalt  }
0x81: {  	_ =	shalt  }
0x82: {  	_ =	shalt  }
0x83: {  	_ =	shalt  }
0x84: {  	_ =	shalt  }
0x85: {  	_ =	shalt  }
0x86: {  	_ =	shalt  }
0x87: {  	_ =	shalt  }
.Lfunc_end0:
.L_simem_size_0:
called_computation.1_lowered:
.L_overlay_start_0:
0x88: {  	s2 =	sld [smem:$0x3FD9]  }
0x89: {  	s3 =	sld [smem:$0x3FFE];
	_ =	sdelay $0x1  }
0x8a: {  	s1 =	srdreg.scid  }
0x8b: {  	s0 =	sand.u32 $0x1, s1  }
0x8c: {  	s16 =	sshll.u32 s0, $0xA;
	s2 =	sadd.s32 s3, s2  }
0x8d: {  	s2 =	sadd.s32 s2, s16  }
0x8e: {  	[smem:$0x3FB9] =	sst s2  }
0x8f: {  	_ = 	snop  }
0x90: {  	(tm) =	ssettm $0x1  }
0x91: {  	s17 =	sld [smem:$0x3FFB];
	_ =	sdelay $0x3  }
0x92: {  	_ =	strace s17  }
0x93: {  	s2 =	sld [smem:$0x3FFC];
	_ =	sdelay $0x3  }
0x94: {  	_ =	strace s2  }
0x95: {  	s2 =	sld [smem:$0x3FFD];
	_ =	sdelay $0x3  }
0x96: {  	_ =	strace s2  }
0x97: {  	_ =	strace $0x8FFFFFFF  }
0x98: {  	s18 =	sld [smem:$0x3FDB];
	_ =	sdelay $0x1  }
0x99: {  	s19 =	simm.s32 $_scs_section_size  }
0x9a: {  	s4 =	simm.s32 $_size__tile_overlayer_lowered;
	s5 =	simm.s32 $_tile_overlayer_lowered  }
0x9b: {  	s22 =	simm.s32 $0x1BFF;
	s21 =	sshll.u32 s5, $0x1;
	s2 =	sadd.s32 s19, s18  }
0x9c: {  	s6 =	simm.s32 $0x0;
	s20 =	sshll.u32 s4, $0x1;
	s4 =	sadd.s32 s21, s2  }
0x9d: {  	[timem:s6], [sflag:s22] =	dma.local [hbm:s4], s20  }
0x9e: {  	_ =	swait.ge [sflag:s22], s20  }
0x9f: {  	s3 =	ssub.s32 $0x0, s20;
	[sflag:s22] =	ssyncset.done $0x0  }
0xa0: {  	[sflag:s22] =	ssyncadd.s32 s3;
	_ =	sdelay $0x1  }
0xa1: {  	s23 =	simm.s32 $0x1B8B  }
0xa2: {  	_ =	swait.ge [sflag:s23], $0x1  }
0xa3: {  	[sflag:s23] =	ssyncset.done $0x0  }
0xa4: {  	s25 =	simm.s32 $0x1B8E;
	s24 =	sld [smem:$0x3FFE];
	[sflag:s23] =	ssyncadd.s32 $0xFFFFFFFF  }
0xa5: {  	s26 =	simm.s32 $execute0_lowered;
	[smem:$0x3FD2] =	sst s25  }
0xa6: {  	s4 =	sshll.u32 s26, $0x1;
	_ =	strace $0x80000049;
	[dreg:$0x1] =	wrdreg $0xFFFFFFFF  }
0xa7: {  	s28 =	simm.s32 $_size_execute0_lowered;
	s2 =	sadd.s32 s2, s4;
	[dreg:$0x0] =	wrdreg $0x0  }
0xa8: {  	s4 =	sshll.u32 s28, $0x1;
	[dreg:$0x2] =	wrdreg s2  }
0xa9: {  	[dreg:$0x3] =	wrdreg s4  }
0xaa: {  	[dreg:$0x4] =	wrdreg $0xC0  }
0xab: {  	_ =	task [dreg:s6], $0x5FFFF  }
0xac: {  	[dreg:$0x1] =	wrdreg $0xFFFFFFFF  }
0xad: {  	[dreg:$0x0] =	wrdreg $0x60  }
0xae: {  	[dreg:$0x2] =	wrdreg s24  }
0xaf: {  	[dreg:$0x3] =	wrdreg $0x98000  }
0xb0: {  	[dreg:$0x4] =	wrdreg $0x9  }
0xb1: {  	_ =	task.clear_ibuf [dreg:s6], $0x5FFFF;
	_ =	strace $0x90000049  }
0xb2: {  	s29 =	simm.s32 $0x9;
	_ =	strace $0x8000004B  }
0xb3: {  	_ =	swait.ge [sflag:s29], $0x1  }
0xb4: {  	[sflag:s29] =	ssyncadd.s32 $0xFFFFFFFF  }
0xb5: {  	_ =	strace $0x9000004B  }
0xb6: {  	_ =	sfence  }
0xb7: {  	s30 =	sld [smem:$0x0];
	_ =	sdelay $0x2  }
0xb8: {  	s31 =	sshll.u32 s1, $0xD;
	s1 =	sshrl.u32 s1, $0x2  }
0xb9: {  	s3 =	sand.u32 $0x4000, s31;
	s1 =	sadd.s32 s1, s30  }
0xba: {  	s0 =	sor.u32 s3, s0;
	s1 =	sshll.u32 s1, $0x11  }
0xbb: {  	s0 =	sor.u32 s1, s0  }
0xbc: {  	s0 =	sadd.s32 $0x8F2B, s0  }
0xbd: {  	[sflag:s0] =	ssyncadd.remote.s32 $0x1  }
0xbe: {  	_ =	sfence.sel $0xFFFF  }
0xbf: {  	[dreg:$0x0] =	wrdreg $0xFFFFFFFF;
	(pc) =	sbr.abs _section_cstart, $3  }
0xc0: {  	[dreg:$0x1] =	wrdreg $0xFFFFFFFF  }
0xc1: {  	_ =	task.clear_ibuf [dreg:s6], $0x2FFFF;
	_ =	strace $0x9FFFFFFF  }
0xc2: {  	(tm) =	ssettm $0x7FFFFFFF  }
0xc3: {  	_ =	shalt  }
tec
execute0_lowered:
.L_overlay_start_1:
0x0: {  	(tag) =	ssettag $0x1  }
0x1: {  	s7 =	rddreg [dreg:$0x0]  }
0x2: {  	s2 =	rddreg [dreg:$0x1];
	s3 =	simm.s32 $0x0;
	s1 =	stileid.u32  }
0x3: {  	s4 =	srdreg.scid;
	s15 =	simm.s32 $0x2000;
	s16 =	simm.s32 $0x80  }
0x4: {  	s17 =	simm.s32 $0x4800;
	s18 =	simm.s32 $0x100;
	s19 =	simm.s32 $0x7000  }
0x5: {  	[smem:$0x7FF] =	sst s3;
	s8 =	smul.u32 $0x13800, s1;
	s9 =	sand.u32 $0x1, s4  }
0x6: {  	s4 =	sadd.s32 $0x2D000, s7;
	s5 =	sadd.s32 $0x5000, s7;
	s6 =	sadd.s32 $0x19000, s7  }
0x7: {  	s12 =	smul.u32 $0x4E000, s1;
	s29 =	sshll.u32 s1, $0x1;
	s31 =	sshll.u32 s1, $0x6  }
0x8: {  	_ =	strace $0x8000004A;
	s10 =	smul.u32 $0x138800, s9;
	s26 =	ssub.s32 $0x2, s9  }
0x9: {  	s9 =	sor.u32 s9, s29;
	s11 =	sshrl.u32 s8, $0x3;
	s28 =	sshrl.u32 s26, $0x1  }
0xa: {  	s30 =	sshrl.u32 s12, $0x2;
	s9 =	smul.u32 $0x5000, s9;
	s8 =	sadd.s32 s8, s10  }
0xb: {  	s11 =	sadd.s32 s11, s7;
	s12 =	sadd.s32 s30, s2;
	s8 =	sshrl.u32 s8, $0x3  }
0xc: {  	s14 =	ssub.s32 s26, s28;
	s12 =	sshrl.u32 s12, $0x3;
	s13 =	sadd.s32 s8, s7  }
0xd: {  	s7 =	sadd.s32 $0x54200, s11;
	s8 =	sor.u32 $0x1C04, s31;
	s11 =	smax.u32 s14, $0x1  }
0xe: {  	s14 =	simm.s32 $0x50;
	s10 =	sadd.s32 $0x7B400, s13;
	s13 =	simm.s32 $0x4  }
.LBB2_1:
0xf: {  	[spmem:s12], [sflag:s8] =	dma.local [hbm:s7], $0x2800  }
0x10: {  	_ =	swait.ge [sflag:s13], $0x2800  }
0x11: {  	[sflag:s13] =	ssyncset.done $0x0  }
0x12: {  	[sflag:s13] =	ssyncadd.s32 $0xFFFFD800  }
0x13: {  	s20 =	simm.s32 $0x0;
	[bflag:$0x0] =	sbarrier.arrive $0xFFFF  }
.LBB2_2:
0x14: {  	s21 =	sshll.u32 s20, $0xC  }
0x15: {  	s21 =	sadd.s32 s9, s21  }
0x16: {  	s21 =	sshrl.u32 s21, $0x3  }
0x17: {  	s23 =	simm.s32 $0x0;
	s22 =	sadd.s32 s5, s21  }
0x18: {  	[tilespmem:s23], [sflag:$0x4] =	stream.linear.gather [hbm4b:s22+s23], $0xC80, $0x38;
	[tilespmem:$0x1D080] =	vst v63  }
0x19: {  	_ =	swait.ge [sflag:s13], $0xC80  }
0x1a: {  	s26 =	simm.s32 $0x1000;
	[sflag:s13] =	ssyncset.done $0x0  }
0x1b: {  	s24 =	smul.u32 $0xAB, s23;
	s21 =	sadd.s32 s6, s21;
	[sflag:s13] =	ssyncadd.s32 $0xFFFFF380  }
0x1c: {  	[tilespmem:s26], [sflag:$0x4] =	stream.linear.gather [hbm4b:s21+s23], $0xC80, $0x38;
	[tilespmem:$0x1D080] =	vst v63  }
0x1d: {  	s21 =	sshrl.u32 s24, $0x9;
	_ =	swait.ge [sflag:s13], $0xC80  }
0x1e: {  	s21 =	sand.u32 $0x7F, s21;
	[sflag:s13] =	ssyncset.done $0x0  }
0x1f: {  	s21 =	smul.u32 $0x3, s21;
	[sflag:s13] =	ssyncadd.s32 $0xFFFFF380  }
0x20: {  	[tilespmem:s15], [sflag:$0x1] =	stream.indirect.gather [hbm4b:s4+s14], $0x80, s23, s14, $0xb8;
	[tilespmem:$0x1D080] =	vst v63  }
0x21: {  	s21 =	ssub.s32 $0x0, s21  }
0x22: {  	s25 =	sand.u32 $0xFF, s21  }
0x23: {  	[tilespmem:s17], [sflag:$0x2] =	stream.indirect.gather [hbm4b:s4+s14], $0x80, s16, s14, $0xb8;
	[tilespmem:$0x1D080] =	vst v63  }
0x24: {  	p0 =	por $0x0, $0x0;
	s21 =	simm.s32 $0x1;
	s30 =	smul.u32 $0xA000, s25  }
0x25: {  	s22 =	simm.s32 $0x180;
	s24 =	sadd.s32 $0x1, s25;
	s25 =	smul.u32 $0xAB, s21  }
0x26: {  	[tilespmem:s19], [sflag:$0x3] =	stream.indirect.gather [hbm4b:s4+s14], $0x80, s18, s14, $0xb8;
	[tilespmem:$0x1D080] =	vst v63  }
0x27: {  	s23 =	sshrl.u32 s30, $0x2;
	s28 =	sshrl.u32 s25, $0x9;
	_ =	swait.ge [sflag:s24], $0x2800  }
0x28: {  	s25 =	sadd.s32 $0x2000, s23;
	s31 =	sand.u32 $0x7F, s28;
	[sflag:s24] =	ssyncset.done $0x0  }
0x29: {  	s23 =	simm.s32 $0x1080;
	s28 =	simm.s32 $0x180;
	[sflag:s24] =	ssyncadd.s32 $0xFFFFD800  }
0x2a: {  	[spmem:s2] =	stream.indirect.scatter.add.f32 [tilespmem:s25], [sflag:$0x4], $0x80, s26, s14, $0xb8;
	[tilespmem:$0x1D080] =	vst v63  }
0x2b: {  	s29 =	smul.u32 $0x3, s31;
	s26 =	simm.s32 $0x2;
	_ =	swait.ge [sflag:s13], $0x2800  }
.LBB2_3:
0x2c: {  	[sflag:s13] =	ssyncset.done $0x0;
	s22 =	sadd.s32 $0x80, s22  }
0x2d: {  	s30 =	smov.u32 s21;
	s21 =	smov.u32 s26;
	s26 =	sadd.s32 $0x1, s26  }
0x2e: {  	p1 =	sne.s32 s26, $0x19;
	s29 =	ssub.s32 s30, s29;
	[sflag:s13] =	ssyncadd.s32 $0xFFFFD800  }
0x2f: {  	s31 =	simm.s32 @!p0 $0x50;
	s29 =	sand.u32 $0xFF, s29  }
0x30: {  	s0 =	smul.u32 $0xA000, s29;
	s29 =	sadd.s32 $0x1, s29  }
0x31: {  	[tilespmem:s25], [sflag:s24] =	stream.indirect.gather @!p0 [hbm4b:s4+s31], $0x80, s28, s31, $0xb8;
	[tilespmem:$0x1D080] =	vst v63  }
0x32: {  	s24 =	smul.u32 $0xAB, s21;
	s28 =	smov.u32 s22;
	s0 =	sshrl.u32 s0, $0x2  }
.Ltmp0:
0x33: {  	s25 =	sadd.s32 $0x2000, s0;
	_ =	swait.ge [sflag:s29], $0x2800;
	(pc) =	sbr.rel @p1 .LBB2_3-.Ltmp0, $4  }
0x34: {  	s0 =	sshrl.u32 s24, $0x9;
	s24 =	smov.u32 s29;
	[sflag:s29] =	ssyncset.done $0x0  }
0x35: {  	p0 =	sgt.u32 s30, $0x15;
	s0 =	sand.u32 $0x7F, s0;
	[sflag:s24] =	ssyncadd.s32 $0xFFFFD800  }
0x36: {  	[spmem:s2] =	stream.indirect.scatter.add.f32 [tilespmem:s25], [sflag:$0x4], $0x80, s23, s14, $0xb8;
	[tilespmem:$0x1D080] =	vst v63  }
0x37: {  	s29 =	smul.u32 $0x3, s0;
	s23 =	sadd.s32 $0x80, s23;
	_ =	swait.ge [sflag:s13], $0x2800  }
0x38: {  	_ = 	snop  }
0x39: {  	[sflag:s13] =	ssyncset.done $0x0;
	s0 =	ssub.s32 s21, s29  }
0x3a: {  	s26 =	simm.s32 @!p0 $0x50;
	[sflag:s13] =	ssyncadd.s32 $0xFFFFD800;
	s0 =	sand.u32 $0xFF, s0  }
0x3b: {  	[tilespmem:s25], [sflag:s24] =	stream.indirect.gather @!p0 [hbm4b:s4+s26], $0x80, s28, s26, $0xb8;
	[tilespmem:$0x1D080] =	vst v63  }
0x3c: {  	s30 =	smul.u32 $0xA000, s0;
	s0 =	sadd.s32 $0x1, s0  }
0x3d: {  	_ =	swait.ge [sflag:s0], $0x2800  }
0x3e: {  	s31 =	sshrl.u32 s30, $0x2;
	[sflag:s0] =	ssyncset.done $0x0  }
0x3f: {  	s24 =	sadd.s32 $0x2000, s31;
	[sflag:s0] =	ssyncadd.s32 $0xFFFFD800  }
0x40: {  	[spmem:s2] =	stream.indirect.scatter.add.f32 [tilespmem:s24], [sflag:$0x4], $0x80, s23, s14, $0xb8;
	[tilespmem:$0x1D080] =	vst v63  }
0x41: {  	_ =	swait.ge [sflag:s13], $0x2800  }
0x42: {  	s20 =	sadd.s32 $0x1, s20;
	p0 =	sgt.u32 s21, $0x15;
	[sflag:s13] =	ssyncset.done $0x0  }
0x43: {  	s21 =	sadd.s32 $0x80, s22;
	s22 =	simm.s32 @!p0 $0x50;
	[sflag:s13] =	ssyncadd.s32 $0xFFFFD800  }
0x44: {  	[tilespmem:s24], [sflag:s0] =	stream.indirect.gather @!p0 [hbm4b:s4+s22], $0x80, s21, s22, $0xb8;
	[tilespmem:$0x1D080] =	vst v63  }
0x45: {  	p0 =	sne.s32 s20, $0x5  }
.Ltmp1:
0x46: {  	_ = 	snop;
	(pc) =	sbr.rel @p0 .LBB2_2-.Ltmp1, $1  }
0x47: {  	_ =	sdelay $0x3  }
0x48: {  	s3 =	sadd.s32 $0x1, s3  }
0x49: {  	p0 =	sne.s32 s3, s11  }
.Ltmp2:
0x4a: {  	[bflag:$0x0] =	sbarrier.arrive $0xFFFF;
	(pc) =	sbr.rel @p0 .LBB2_1-.Ltmp2, $4  }
0x4b: {  	[hbm:s10], [sflag:s8] =	dma.local [spmem:s12], $0x2800  }
0x4c: {  	_ =	swait.ge [sflag:s13], $0x2800  }
0x4d: {  	[sflag:s13] =	ssyncset.done $0x0  }
0x4e: {  	[sflag:s13] =	ssyncadd.s32 $0xFFFFD800  }
0x4f: {  	_ =	sfence.sel $0x180000  }
0x50: {  	[bflag:$0x0] =	sbarrier.arrive $0xFFFF  }
0x51: {  	_ =	strace $0x9000004A  }
0x52: {  	[bflag:$0x2] =	sbarrier.arrive $0xFFFF  }
0x53: {  	p0 =	sne.s32 s1, $0x0;
	s0 =	rddreg [dreg:$0x2]  }
0x54: {  	s0 =	sadd.s32 @!p0 $0x100000, s0  }
0x55: {  	[sflag:s0] =	ssyncadd.tile.s32 @!p0 $0x1;
	_ =	shalt  }
.Lfunc_end2:
_tile_overlayer_lowered:
.L_overlay_start_2:
0x56: {  	(tag) =	ssettag $0x2  }
0x57: {  	s0 =	rddreg [dreg:$0x0];
	s2 =	stileid.u32  }
0x58: {  	s1 =	rddreg [dreg:$0x1];
	p0 =	sne.s32 s2, $0x0  }
0x59: {  	s3 =	rddreg [dreg:$0x2];
	[bflag:$0x3] =	sbarrier.arrive $0xFFFF;
	s2 =	simm.s32 @!p0 $0x1C04  }
0x5a: {  	[timem:s3], [sflag:s2] =	dma.local @!p0 [hbm:s0], s1  }
0x5b: {  	s0 =	simm.s32 @!p0 $0x4  }
0x5c: {  	_ =	swait.ge @!p0 [sflag:s0], s1  }
0x5d: {  	s1 =	ssub.s32 @!p0 $0x0, s1;
	[sflag:s0] =	ssyncset.done @!p0 $0x0  }
0x5e: {  	[sflag:s0] =	ssyncadd.s32 @!p0 s1  }
0x5f: {  	[bflag:$0x3] =	sbarrier.arrive $0xFFFF  }
0x60: {  	_ =	shalt  }

// kernel: kernel.20.cloned.1.call-start
scs
__scs_entry_jumppad:
0x0: {  	(pc) =	sbr.rel $0x88, $3  }
0x1: {  	(tag) =	ssettag $0x0;
	lr =	simm.s32 $0x1  }
0x2: {  	[smem:$0x3F92] =	sst lr;
	_ =	strace $0xD0000000  }
0x3: {  	_ = 	snop  }
0x4: {  	_ = 	snop  }
0x5: {  	_ = 	snop  }
0x6: {  	_ = 	snop  }
0x7: {  	_ = 	snop  }
__scs_overlays_trampoline_lowered:
0x8: {  	[smem:$0x3FA1] =	sst s0  }
0x9: {  	[smem:$0x3FA2] =	sst s1  }
0xa: {  	[smem:$0x3FA3] =	sst s2  }
0xb: {  	[smem:$0x3FA4] =	sst s3  }
0xc: {  	[smem:$0x3FA5] =	sst s4  }
0xd: {  	[smem:$0x3FA6] =	sst s5  }
0xe: {  	[smem:$0x3FA7] =	sst s6  }
0xf: {  	[smem:$0x3FA8] =	sst s7  }
0x10: {  	[smem:$0x3FA9] =	sst s8  }
0x11: {  	[smem:$0x3FAA] =	sst s9;
	s0 =	simm.s32 @!p0 $0x0  }
0x12: {  	s1 =	sld [smem:$0x3F90];
	s0 =	simm.s32 @p0 $0x1  }
0x13: {  	[smem:$0x3FAB] =	sst s0;
	s0 =	simm.s32 @!p1 $0x0  }
0x14: {  	s2 =	sld [smem:$0x3F8F];
	s0 =	simm.s32 @p1 $0x1  }
0x15: {  	[smem:$0x3FAC] =	sst s0;
	s0 =	simm.s32 @!p2 $0x0  }
0x16: {  	s3 =	sld [smem:$0x3FDB];
	s0 =	simm.s32 @p2 $0x1  }
0x17: {  	s4 =	simm.s32 $0x1BF5;
	[smem:$0x3FAE] =	sst s0  }
0x18: {  	s0 =	sld [smem:$0x3F91];
	_ =	swait.ge [sflag:s4], $0x0  }
0x19: {  	s7 =	sld [smem:$0x3F92]  }
0x1a: {  	s8 =	sadd.s32 $0xFFFFE003, lr  }
0x1b: {  	s9 =	sadd.s32 $0xFFFFFEF7, lr;
	s5 =	simm.s32 $0xFFFFFFFF;
	p2 =	slt.u32 s8, $0xFFFFF086  }
0x1c: {  	p1 =	slt.u32 s9, $0xF7A;
	s5 =	simm.s32 @!p2 $0x0  }
0x1d: {  	s5 =	simm.s32 @p1 $0x1;
	p0 =	seq.s32 s7, s2  }
0x1e: {  	s7 =	smul.u32 @!p0 $0xF7A, s2;
	p2 =	seq.s32 @!p0 s5, $0x0  }
0x1f: {  	s9 =	smul.u32 $0xF7A, s1;
	s8 =	simm.s32 @!p0 $0x1BF5;
	p2 =	por !p2, p0  }
0x20: {  	[sflag:s8] =	ssyncset.s32 @!p0 $0xFFFFF086;
	s6 =	sadd.s32 @!p0 s3, s7;
	s7 =	simm.s32 @!p0 $0x108  }
0x21: {  	s3 =	sadd.s32 s3, s9;
	s6 =	sadd.s32 @!p0 $0x88, s6;
	s7 =	simm.s32 @p2 $0x1082  }
0x22: {  	[simem:s7], [sflag:s8] =	dma.local @!p0 [hbm:s6], $0xF7A  }
0x23: {  	s9 =	sor.u32 $0xD0000000, s2;
	s6 =	simm.s32 $0x108;
	_ =	swait.ge @!p0 [sflag:s8], $0x0  }
0x24: {  	s3 =	sadd.s32 $0x88, s3;
	s6 =	simm.s32 @!p1 $0x1082;
	[sflag:s4] =	ssyncset.s32 $0xFFFFF086  }
0x25: {  	[simem:s6], [sflag:s4] =	dma.local [hbm:s3], $0xF7A  }
0x26: {  	[smem:$0x3F92] =	sst s1;
	(tag) =	ssettag s2;
	_ =	strace s9  }
0x27: {  	s1 =	sld [smem:$0x3FA2]  }
0x28: {  	s2 =	sld [smem:$0x3FA3]  }
0x29: {  	s4 =	sld [smem:$0x3FA5]  }
0x2a: {  	p0 =	seq.s32 s5, $0x0;
	s5 =	sld [smem:$0x3FA6]  }
0x2b: {  	s6 =	sld [smem:$0x3FA7]  }
0x2c: {  	s7 =	sld [smem:$0x3FA8]  }
0x2d: {  	s3 =	simm.s32 $0x108;
	s8 =	sld [smem:$0x3FA9]  }
0x2e: {  	s3 =	simm.s32 @!p0 $0x1082;
	s9 =	sld [smem:$0x3FAA]  }
0x2f: {  	lr =	sadd.s32 s0, s3;
	s0 =	sld [smem:$0x3FA1]  }
0x30: {  	s3 =	sld [smem:$0x3FA4]  }
0x31: {  	[smem:$0x3FAD] =	sst s10  }
0x32: {  	s10 =	sld [smem:$0x3FAB];
	_ =	sdelay $0x3  }
0x33: {  	p0 =	seq.s32 s10, $0x1;
	s10 =	sld [smem:$0x3FAD];
	_ =	sdelay $0x3  }
0x34: {  	[smem:$0x3FAD] =	sst s10  }
0x35: {  	s10 =	sld [smem:$0x3FAC];
	_ =	sdelay $0x3  }
0x36: {  	p1 =	seq.s32 s10, $0x1;
	s10 =	sld [smem:$0x3FAD];
	_ =	sdelay $0x3  }
0x37: {  	[smem:$0x3FAD] =	sst s10  }
0x38: {  	s10 =	sld [smem:$0x3FAE]  }
0x39: {  	_ = 	snop;
	(pc) =	sbr.ind lr, $3  }
0x3a: {  	_ = 	snop  }
0x3b: {  	_ = 	snop  }
0x3c: {  	p2 =	seq.s32 s10, $0x1;
	s10 =	sld [smem:$0x3FAD]  }
0x3d: {  	_ =	shalt  }
0x3e: {  	_ =	shalt  }
0x3f: {  	_ =	shalt  }
0x40: {  	_ =	shalt  }
0x41: {  	_ =	shalt  }
0x42: {  	_ =	shalt  }
0x43: {  	_ =	shalt  }
0x44: {  	_ =	shalt  }
0x45: {  	_ =	shalt  }
0x46: {  	_ =	shalt  }
0x47: {  	_ =	shalt  }
0x48: {  	_ =	shalt  }
0x49: {  	_ =	shalt  }
0x4a: {  	_ =	shalt  }
0x4b: {  	_ =	shalt  }
0x4c: {  	_ =	shalt  }
0x4d: {  	_ =	shalt  }
0x4e: {  	_ =	shalt  }
0x4f: {  	_ =	shalt  }
0x50: {  	_ =	shalt  }
0x51: {  	_ =	shalt  }
0x52: {  	_ =	shalt  }
0x53: {  	_ =	shalt  }
0x54: {  	_ =	shalt  }
0x55: {  	_ =	shalt  }
0x56: {  	_ =	shalt  }
0x57: {  	_ =	shalt  }
0x58: {  	_ =	shalt  }
0x59: {  	_ =	shalt  }
0x5a: {  	_ =	shalt  }
0x5b: {  	_ =	shalt  }
0x5c: {  	_ =	shalt  }
0x5d: {  	_ =	shalt  }
0x5e: {  	_ =	shalt  }
0x5f: {  	_ =	shalt  }
0x60: {  	_ =	shalt  }
0x61: {  	_ =	shalt  }
0x62: {  	_ =	shalt  }
0x63: {  	_ =	shalt  }
0x64: {  	_ =	shalt  }
0x65: {  	_ =	shalt  }
0x66: {  	_ =	shalt  }
0x67: {  	_ =	shalt  }
0x68: {  	_ =	shalt  }
0x69: {  	_ =	shalt  }
0x6a: {  	_ =	shalt  }
0x6b: {  	_ =	shalt  }
0x6c: {  	_ =	shalt  }
0x6d: {  	_ =	shalt  }
0x6e: {  	_ =	shalt  }
0x6f: {  	_ =	shalt  }
0x70: {  	_ =	shalt  }
0x71: {  	_ =	shalt  }
0x72: {  	_ =	shalt  }
0x73: {  	_ =	shalt  }
0x74: {  	_ =	shalt  }
0x75: {  	_ =	shalt  }
0x76: {  	_ =	shalt  }
0x77: {  	_ =	shalt  }
0x78: {  	_ =	shalt  }
0x79: {  	_ =	shalt  }
0x7a: {  	_ =	shalt  }
0x7b: {  	_ =	shalt  }
0x7c: {  	_ =	shalt  }
0x7d: {  	_ =	shalt  }
0x7e: {  	_ =	shalt  }
0x7f: {  	_ =	shalt  }
0x80: {  	_ =	shalt  }
0x81: {  	_ =	shalt  }
0x82: {  	_ =	shalt  }
0x83: {  	_ =	shalt  }
0x84: {  	_ =	shalt  }
0x85: {  	_ =	shalt  }
0x86: {  	_ =	shalt  }
0x87: {  	_ =	shalt  }
.Lfunc_end0:
.L_simem_size_0:
called_computation.2_lowered:
.L_overlay_start_0:
0x88: {  	s2 =	sld [smem:$0x3FD9]  }
0x89: {  	s3 =	sld [smem:$0x3FFE];
	_ =	sdelay $0x1  }
0x8a: {  	s1 =	srdreg.scid  }
0x8b: {  	s0 =	sand.u32 $0x1, s1  }
0x8c: {  	s16 =	sshll.u32 s0, $0xA;
	s2 =	sadd.s32 s3, s2  }
0x8d: {  	s2 =	sadd.s32 s2, s16  }
0x8e: {  	[smem:$0x3FB9] =	sst s2  }
0x8f: {  	_ = 	snop  }
0x90: {  	(tm) =	ssettm $0x1  }
0x91: {  	s17 =	sld [smem:$0x3FFB];
	_ =	sdelay $0x3  }
0x92: {  	_ =	strace s17  }
0x93: {  	s2 =	sld [smem:$0x3FFC];
	_ =	sdelay $0x3  }
0x94: {  	_ =	strace s2  }
0x95: {  	s2 =	sld [smem:$0x3FFD];
	_ =	sdelay $0x3  }
0x96: {  	_ =	strace s2  }
0x97: {  	_ =	strace $0x8FFFFFFF  }
0x98: {  	s18 =	sld [smem:$0x3FDB];
	_ =	sdelay $0x1  }
0x99: {  	s19 =	simm.s32 $_scs_section_size  }
0x9a: {  	s4 =	simm.s32 $_size__tile_overlayer_lowered;
	s5 =	simm.s32 $_tile_overlayer_lowered  }
0x9b: {  	s22 =	simm.s32 $0x1BFF;
	s21 =	sshll.u32 s5, $0x1;
	s2 =	sadd.s32 s19, s18  }
0x9c: {  	s6 =	simm.s32 $0x0;
	s20 =	sshll.u32 s4, $0x1;
	s4 =	sadd.s32 s21, s2  }
0x9d: {  	[timem:s6], [sflag:s22] =	dma.local [hbm:s4], s20  }
0x9e: {  	_ =	swait.ge [sflag:s22], s20  }
0x9f: {  	s3 =	ssub.s32 $0x0, s20;
	[sflag:s22] =	ssyncset.done $0x0  }
0xa0: {  	[sflag:s22] =	ssyncadd.s32 s3;
	_ =	sdelay $0x1  }
0xa1: {  	s23 =	simm.s32 $0x1B8B  }
0xa2: {  	_ =	swait.ge [sflag:s23], $0x1  }
0xa3: {  	[sflag:s23] =	ssyncset.done $0x0  }
0xa4: {  	s25 =	simm.s32 $0x1B8E;
	s24 =	sld [smem:$0x3FFE];
	[sflag:s23] =	ssyncadd.s32 $0xFFFFFFFF  }
0xa5: {  	s26 =	simm.s32 $execute0_lowered;
	[smem:$0x3FD2] =	sst s25  }
0xa6: {  	s4 =	sshll.u32 s26, $0x1;
	_ =	strace $0x8000004C;
	[dreg:$0x1] =	wrdreg $0xFFFFFFFF  }
0xa7: {  	s28 =	simm.s32 $_size_execute0_lowered;
	s2 =	sadd.s32 s2, s4;
	[dreg:$0x0] =	wrdreg $0x0  }
0xa8: {  	s4 =	sshll.u32 s28, $0x1;
	[dreg:$0x2] =	wrdreg s2  }
0xa9: {  	[dreg:$0x3] =	wrdreg s4  }
0xaa: {  	[dreg:$0x4] =	wrdreg $0xC0  }
0xab: {  	_ =	task [dreg:s6], $0x5FFFF  }
0xac: {  	[dreg:$0x1] =	wrdreg $0xFFFFFFFF  }
0xad: {  	[dreg:$0x0] =	wrdreg $0x60  }
0xae: {  	[dreg:$0x2] =	wrdreg s24  }
0xaf: {  	[dreg:$0x3] =	wrdreg $0x98000  }
0xb0: {  	[dreg:$0x4] =	wrdreg $0x9  }
0xb1: {  	_ =	task.clear_ibuf [dreg:s6], $0x5FFFF;
	_ =	strace $0x9000004C  }
0xb2: {  	s29 =	simm.s32 $0x9;
	_ =	strace $0x8000004E  }
0xb3: {  	_ =	swait.ge [sflag:s29], $0x1  }
0xb4: {  	[sflag:s29] =	ssyncadd.s32 $0xFFFFFFFF  }
0xb5: {  	_ =	strace $0x9000004E  }
0xb6: {  	_ =	sfence  }
0xb7: {  	s30 =	sld [smem:$0x0];
	_ =	sdelay $0x2  }
0xb8: {  	s31 =	sshll.u32 s1, $0xD;
	s1 =	sshrl.u32 s1, $0x2  }
0xb9: {  	s3 =	sand.u32 $0x4000, s31;
	s1 =	sadd.s32 s1, s30  }
0xba: {  	s0 =	sor.u32 s3, s0;
	s1 =	sshll.u32 s1, $0x11  }
0xbb: {  	s0 =	sor.u32 s1, s0  }
0xbc: {  	s0 =	sadd.s32 $0x8F2B, s0  }
0xbd: {  	[sflag:s0] =	ssyncadd.remote.s32 $0x1  }
0xbe: {  	_ =	sfence.sel $0xFFFF  }
0xbf: {  	[dreg:$0x0] =	wrdreg $0xFFFFFFFF;
	(pc) =	sbr.abs _section_cstart, $3  }
0xc0: {  	[dreg:$0x1] =	wrdreg $0xFFFFFFFF  }
0xc1: {  	_ =	task.clear_ibuf [dreg:s6], $0x2FFFF;
	_ =	strace $0x9FFFFFFF  }
0xc2: {  	(tm) =	ssettm $0x7FFFFFFF  }
0xc3: {  	_ =	shalt  }
tec
execute0_lowered:
.L_overlay_start_1:
0x0: {  	(tag) =	ssettag $0x1  }
0x1: {  	s7 =	rddreg [dreg:$0x0]  }
0x2: {  	s2 =	rddreg [dreg:$0x1];
	s3 =	simm.s32 $0x0;
	s1 =	stileid.u32  }
0x3: {  	s4 =	srdreg.scid;
	s15 =	simm.s32 $0x2000;
	s16 =	simm.s32 $0x80  }
0x4: {  	s17 =	simm.s32 $0x4800;
	s18 =	simm.s32 $0x100;
	s19 =	simm.s32 $0x7000  }
0x5: {  	[smem:$0x7FF] =	sst s3;
	s8 =	smul.u32 $0x13800, s1;
	s9 =	sand.u32 $0x1, s4  }
0x6: {  	s4 =	sadd.s32 $0x2D000, s7;
	s5 =	sadd.s32 $0x5000, s7;
	s6 =	sadd.s32 $0x19000, s7  }
0x7: {  	s12 =	smul.u32 $0x4E000, s1;
	s29 =	sshll.u32 s1, $0x1;
	s31 =	sshll.u32 s1, $0x6  }
0x8: {  	_ =	strace $0x8000004D;
	s10 =	smul.u32 $0x138800, s9;
	s26 =	ssub.s32 $0x2, s9  }
0x9: {  	s9 =	sor.u32 s9, s29;
	s11 =	sshrl.u32 s8, $0x3;
	s28 =	sshrl.u32 s26, $0x1  }
0xa: {  	s30 =	sshrl.u32 s12, $0x2;
	s9 =	smul.u32 $0x5000, s9;
	s8 =	sadd.s32 s8, s10  }
0xb: {  	s11 =	sadd.s32 s11, s7;
	s12 =	sadd.s32 s30, s2;
	s8 =	sshrl.u32 s8, $0x3  }
0xc: {  	s14 =	ssub.s32 s26, s28;
	s12 =	sshrl.u32 s12, $0x3;
	s13 =	sadd.s32 s8, s7  }
0xd: {  	s7 =	sadd.s32 $0x54200, s11;
	s8 =	sor.u32 $0x1C04, s31;
	s11 =	smax.u32 s14, $0x1  }
0xe: {  	s14 =	simm.s32 $0x50;
	s10 =	sadd.s32 $0x7B400, s13;
	s13 =	simm.s32 $0x4  }
.LBB2_1:
0xf: {  	[spmem:s12], [sflag:s8] =	dma.local [hbm:s7], $0x2800  }
0x10: {  	_ =	swait.ge [sflag:s13], $0x2800  }
0x11: {  	[sflag:s13] =	ssyncset.done $0x0  }
0x12: {  	[sflag:s13] =	ssyncadd.s32 $0xFFFFD800  }
0x13: {  	s20 =	simm.s32 $0x0;
	[bflag:$0x0] =	sbarrier.arrive $0xFFFF  }
.LBB2_2:
0x14: {  	s21 =	sshll.u32 s20, $0xC  }
0x15: {  	s21 =	sadd.s32 s9, s21  }
0x16: {  	s21 =	sshrl.u32 s21, $0x3  }
0x17: {  	s23 =	simm.s32 $0x0;
	s22 =	sadd.s32 s5, s21  }
0x18: {  	[tilespmem:s23], [sflag:$0x4] =	stream.linear.gather [hbm4b:s22+s23], $0xC80, $0x38;
	[tilespmem:$0x1D080] =	vst v63  }
0x19: {  	_ =	swait.ge [sflag:s13], $0xC80  }
0x1a: {  	s26 =	simm.s32 $0x1000;
	[sflag:s13] =	ssyncset.done $0x0  }
0x1b: {  	s24 =	smul.u32 $0xAB, s23;
	s21 =	sadd.s32 s6, s21;
	[sflag:s13] =	ssyncadd.s32 $0xFFFFF380  }
0x1c: {  	[tilespmem:s26], [sflag:$0x4] =	stream.linear.gather [hbm4b:s21+s23], $0xC80, $0x38;
	[tilespmem:$0x1D080] =	vst v63  }
0x1d: {  	s21 =	sshrl.u32 s24, $0x9;
	_ =	swait.ge [sflag:s13], $0xC80  }
0x1e: {  	s21 =	sand.u32 $0x7F, s21;
	[sflag:s13] =	ssyncset.done $0x0  }
0x1f: {  	s21 =	smul.u32 $0x3, s21;
	[sflag:s13] =	ssyncadd.s32 $0xFFFFF380  }
0x20: {  	[tilespmem:s15], [sflag:$0x1] =	stream.indirect.gather [hbm4b:s4+s14], $0x80, s23, s14, $0xb8;
	[tilespmem:$0x1D080] =	vst v63  }
0x21: {  	s21 =	ssub.s32 $0x0, s21  }
0x22: {  	s25 =	sand.u32 $0xFF, s21  }
0x23: {  	[tilespmem:s17], [sflag:$0x2] =	stream.indirect.gather [hbm4b:s4+s14], $0x80, s16, s14, $0xb8;
	[tilespmem:$0x1D080] =	vst v63  }
0x24: {  	p0 =	por $0x0, $0x0;
	s21 =	simm.s32 $0x1;
	s30 =	smul.u32 $0xA000, s25  }
0x25: {  	s22 =	simm.s32 $0x180;
	s24 =	sadd.s32 $0x1, s25;
	s25 =	smul.u32 $0xAB, s21  }
0x26: {  	[tilespmem:s19], [sflag:$0x3] =	stream.indirect.gather [hbm4b:s4+s14], $0x80, s18, s14, $0xb8;
	[tilespmem:$0x1D080] =	vst v63  }
0x27: {  	s23 =	sshrl.u32 s30, $0x2;
	s28 =	sshrl.u32 s25, $0x9;
	_ =	swait.ge [sflag:s24], $0x2800  }
0x28: {  	s25 =	sadd.s32 $0x2000, s23;
	s31 =	sand.u32 $0x7F, s28;
	[sflag:s24] =	ssyncset.done $0x0  }
0x29: {  	s23 =	simm.s32 $0x1080;
	s28 =	simm.s32 $0x180;
	[sflag:s24] =	ssyncadd.s32 $0xFFFFD800  }
0x2a: {  	[spmem:s2] =	stream.indirect.scatter.add.f32 [tilespmem:s25], [sflag:$0x4], $0x80, s26, s14, $0xb8;
	[tilespmem:$0x1D080] =	vst v63  }
0x2b: {  	s29 =	smul.u32 $0x3, s31;
	s26 =	simm.s32 $0x2;
	_ =	swait.ge [sflag:s13], $0x2800  }
.LBB2_3:
0x2c: {  	[sflag:s13] =	ssyncset.done $0x0;
	s22 =	sadd.s32 $0x80, s22  }
0x2d: {  	s30 =	smov.u32 s21;
	s21 =	smov.u32 s26;
	s26 =	sadd.s32 $0x1, s26  }
0x2e: {  	p1 =	sne.s32 s26, $0x19;
	s29 =	ssub.s32 s30, s29;
	[sflag:s13] =	ssyncadd.s32 $0xFFFFD800  }
0x2f: {  	s31 =	simm.s32 @!p0 $0x50;
	s29 =	sand.u32 $0xFF, s29  }
0x30: {  	s0 =	smul.u32 $0xA000, s29;
	s29 =	sadd.s32 $0x1, s29  }
0x31: {  	[tilespmem:s25], [sflag:s24] =	stream.indirect.gather @!p0 [hbm4b:s4+s31], $0x80, s28, s31, $0xb8;
	[tilespmem:$0x1D080] =	vst v63  }
0x32: {  	s24 =	smul.u32 $0xAB, s21;
	s28 =	smov.u32 s22;
	s0 =	sshrl.u32 s0, $0x2  }
.Ltmp0:
0x33: {  	s25 =	sadd.s32 $0x2000, s0;
	_ =	swait.ge [sflag:s29], $0x2800;
	(pc) =	sbr.rel @p1 .LBB2_3-.Ltmp0, $4  }
0x34: {  	s0 =	sshrl.u32 s24, $0x9;
	s24 =	smov.u32 s29;
	[sflag:s29] =	ssyncset.done $0x0  }
0x35: {  	p0 =	sgt.u32 s30, $0x15;
	s0 =	sand.u32 $0x7F, s0;
	[sflag:s24] =	ssyncadd.s32 $0xFFFFD800  }
0x36: {  	[spmem:s2] =	stream.indirect.scatter.add.f32 [tilespmem:s25], [sflag:$0x4], $0x80, s23, s14, $0xb8;
	[tilespmem:$0x1D080] =	vst v63  }
0x37: {  	s29 =	smul.u32 $0x3, s0;
	s23 =	sadd.s32 $0x80, s23;
	_ =	swait.ge [sflag:s13], $0x2800  }
0x38: {  	_ = 	snop  }
0x39: {  	[sflag:s13] =	ssyncset.done $0x0;
	s0 =	ssub.s32 s21, s29  }
0x3a: {  	s26 =	simm.s32 @!p0 $0x50;
	[sflag:s13] =	ssyncadd.s32 $0xFFFFD800;
	s0 =	sand.u32 $0xFF, s0  }
0x3b: {  	[tilespmem:s25], [sflag:s24] =	stream.indirect.gather @!p0 [hbm4b:s4+s26], $0x80, s28, s26, $0xb8;
	[tilespmem:$0x1D080] =	vst v63  }
0x3c: {  	s30 =	smul.u32 $0xA000, s0;
	s0 =	sadd.s32 $0x1, s0  }
0x3d: {  	_ =	swait.ge [sflag:s0], $0x2800  }
0x3e: {  	s31 =	sshrl.u32 s30, $0x2;
	[sflag:s0] =	ssyncset.done $0x0  }
0x3f: {  	s24 =	sadd.s32 $0x2000, s31;
	[sflag:s0] =	ssyncadd.s32 $0xFFFFD800  }
0x40: {  	[spmem:s2] =	stream.indirect.scatter.add.f32 [tilespmem:s24], [sflag:$0x4], $0x80, s23, s14, $0xb8;
	[tilespmem:$0x1D080] =	vst v63  }
0x41: {  	_ =	swait.ge [sflag:s13], $0x2800  }
0x42: {  	s20 =	sadd.s32 $0x1, s20;
	p0 =	sgt.u32 s21, $0x15;
	[sflag:s13] =	ssyncset.done $0x0  }
0x43: {  	s21 =	sadd.s32 $0x80, s22;
	s22 =	simm.s32 @!p0 $0x50;
	[sflag:s13] =	ssyncadd.s32 $0xFFFFD800  }
0x44: {  	[tilespmem:s24], [sflag:s0] =	stream.indirect.gather @!p0 [hbm4b:s4+s22], $0x80, s21, s22, $0xb8;
	[tilespmem:$0x1D080] =	vst v63  }
0x45: {  	p0 =	sne.s32 s20, $0x5  }
.Ltmp1:
0x46: {  	_ = 	snop;
	(pc) =	sbr.rel @p0 .LBB2_2-.Ltmp1, $1  }
0x47: {  	_ =	sdelay $0x3  }
0x48: {  	s3 =	sadd.s32 $0x1, s3  }
0x49: {  	p0 =	sne.s32 s3, s11  }
.Ltmp2:
0x4a: {  	[bflag:$0x0] =	sbarrier.arrive $0xFFFF;
	(pc) =	sbr.rel @p0 .LBB2_1-.Ltmp2, $4  }
0x4b: {  	[hbm:s10], [sflag:s8] =	dma.local [spmem:s12], $0x2800  }
0x4c: {  	_ =	swait.ge [sflag:s13], $0x2800  }
0x4d: {  	[sflag:s13] =	ssyncset.done $0x0  }
0x4e: {  	[sflag:s13] =	ssyncadd.s32 $0xFFFFD800  }
0x4f: {  	_ =	sfence.sel $0x180000  }
0x50: {  	[bflag:$0x0] =	sbarrier.arrive $0xFFFF  }
0x51: {  	_ =	strace $0x9000004D  }
0x52: {  	[bflag:$0x2] =	sbarrier.arrive $0xFFFF  }
0x53: {  	p0 =	sne.s32 s1, $0x0;
	s0 =	rddreg [dreg:$0x2]  }
0x54: {  	s0 =	sadd.s32 @!p0 $0x100000, s0  }
0x55: {  	[sflag:s0] =	ssyncadd.tile.s32 @!p0 $0x1;
	_ =	shalt  }
.Lfunc_end2:
_tile_overlayer_lowered:
.L_overlay_start_2:
0x56: {  	(tag) =	ssettag $0x2  }
0x57: {  	s0 =	rddreg [dreg:$0x0];
	s2 =	stileid.u32  }
0x58: {  	s1 =	rddreg [dreg:$0x1];
	p0 =	sne.s32 s2, $0x0  }
0x59: {  	s3 =	rddreg [dreg:$0x2];
	[bflag:$0x3] =	sbarrier.arrive $0xFFFF;
	s2 =	simm.s32 @!p0 $0x1C04  }
0x5a: {  	[timem:s3], [sflag:s2] =	dma.local @!p0 [hbm:s0], s1  }
0x5b: {  	s0 =	simm.s32 @!p0 $0x4  }
0x5c: {  	_ =	swait.ge @!p0 [sflag:s0], s1  }
0x5d: {  	s1 =	ssub.s32 @!p0 $0x0, s1;
	[sflag:s0] =	ssyncset.done @!p0 $0x0  }
0x5e: {  	[sflag:s0] =	ssyncadd.s32 @!p0 s1  }
0x5f: {  	[bflag:$0x3] =	sbarrier.arrive $0xFFFF  }
0x60: {  	_ =	shalt  }

// kernel: kernel.23.cloned.1.call-start
scs
__scs_entry_jumppad:
0x0: {  	(pc) =	sbr.rel $0x88, $3  }
0x1: {  	(tag) =	ssettag $0x0;
	lr =	simm.s32 $0x1  }
0x2: {  	[smem:$0x3F92] =	sst lr;
	_ =	strace $0xD0000000  }
0x3: {  	_ = 	snop  }
0x4: {  	_ = 	snop  }
0x5: {  	_ = 	snop  }
0x6: {  	_ = 	snop  }
0x7: {  	_ = 	snop  }
__scs_overlays_trampoline_lowered:
0x8: {  	[smem:$0x3FA1] =	sst s0  }
0x9: {  	[smem:$0x3FA2] =	sst s1  }
0xa: {  	[smem:$0x3FA3] =	sst s2  }
0xb: {  	[smem:$0x3FA4] =	sst s3  }
0xc: {  	[smem:$0x3FA5] =	sst s4  }
0xd: {  	[smem:$0x3FA6] =	sst s5  }
0xe: {  	[smem:$0x3FA7] =	sst s6  }
0xf: {  	[smem:$0x3FA8] =	sst s7  }
0x10: {  	[smem:$0x3FA9] =	sst s8  }
0x11: {  	[smem:$0x3FAA] =	sst s9;
	s0 =	simm.s32 @!p0 $0x0  }
0x12: {  	s1 =	sld [smem:$0x3F90];
	s0 =	simm.s32 @p0 $0x1  }
0x13: {  	[smem:$0x3FAB] =	sst s0;
	s0 =	simm.s32 @!p1 $0x0  }
0x14: {  	s2 =	sld [smem:$0x3F8F];
	s0 =	simm.s32 @p1 $0x1  }
0x15: {  	[smem:$0x3FAC] =	sst s0;
	s0 =	simm.s32 @!p2 $0x0  }
0x16: {  	s3 =	sld [smem:$0x3FDB];
	s0 =	simm.s32 @p2 $0x1  }
0x17: {  	s4 =	simm.s32 $0x1BF5;
	[smem:$0x3FAE] =	sst s0  }
0x18: {  	s0 =	sld [smem:$0x3F91];
	_ =	swait.ge [sflag:s4], $0x0  }
0x19: {  	s7 =	sld [smem:$0x3F92]  }
0x1a: {  	s8 =	sadd.s32 $0xFFFFE003, lr  }
0x1b: {  	s9 =	sadd.s32 $0xFFFFFEF7, lr;
	s5 =	simm.s32 $0xFFFFFFFF;
	p2 =	slt.u32 s8, $0xFFFFF086  }
0x1c: {  	p1 =	slt.u32 s9, $0xF7A;
	s5 =	simm.s32 @!p2 $0x0  }
0x1d: {  	s5 =	simm.s32 @p1 $0x1;
	p0 =	seq.s32 s7, s2  }
0x1e: {  	s7 =	smul.u32 @!p0 $0xF7A, s2;
	p2 =	seq.s32 @!p0 s5, $0x0  }
0x1f: {  	s9 =	smul.u32 $0xF7A, s1;
	s8 =	simm.s32 @!p0 $0x1BF5;
	p2 =	por !p2, p0  }
0x20: {  	[sflag:s8] =	ssyncset.s32 @!p0 $0xFFFFF086;
	s6 =	sadd.s32 @!p0 s3, s7;
	s7 =	simm.s32 @!p0 $0x108  }
0x21: {  	s3 =	sadd.s32 s3, s9;
	s6 =	sadd.s32 @!p0 $0x88, s6;
	s7 =	simm.s32 @p2 $0x1082  }
0x22: {  	[simem:s7], [sflag:s8] =	dma.local @!p0 [hbm:s6], $0xF7A  }
0x23: {  	s9 =	sor.u32 $0xD0000000, s2;
	s6 =	simm.s32 $0x108;
	_ =	swait.ge @!p0 [sflag:s8], $0x0  }
0x24: {  	s3 =	sadd.s32 $0x88, s3;
	s6 =	simm.s32 @!p1 $0x1082;
	[sflag:s4] =	ssyncset.s32 $0xFFFFF086  }
0x25: {  	[simem:s6], [sflag:s4] =	dma.local [hbm:s3], $0xF7A  }
0x26: {  	[smem:$0x3F92] =	sst s1;
	(tag) =	ssettag s2;
	_ =	strace s9  }
0x27: {  	s1 =	sld [smem:$0x3FA2]  }
0x28: {  	s2 =	sld [smem:$0x3FA3]  }
0x29: {  	s4 =	sld [smem:$0x3FA5]  }
0x2a: {  	p0 =	seq.s32 s5, $0x0;
	s5 =	sld [smem:$0x3FA6]  }
0x2b: {  	s6 =	sld [smem:$0x3FA7]  }
0x2c: {  	s7 =	sld [smem:$0x3FA8]  }
0x2d: {  	s3 =	simm.s32 $0x108;
	s8 =	sld [smem:$0x3FA9]  }
0x2e: {  	s3 =	simm.s32 @!p0 $0x1082;
	s9 =	sld [smem:$0x3FAA]  }
0x2f: {  	lr =	sadd.s32 s0, s3;
	s0 =	sld [smem:$0x3FA1]  }
0x30: {  	s3 =	sld [smem:$0x3FA4]  }
0x31: {  	[smem:$0x3FAD] =	sst s10  }
0x32: {  	s10 =	sld [smem:$0x3FAB];
	_ =	sdelay $0x3  }
0x33: {  	p0 =	seq.s32 s10, $0x1;
	s10 =	sld [smem:$0x3FAD];
	_ =	sdelay $0x3  }
0x34: {  	[smem:$0x3FAD] =	sst s10  }
0x35: {  	s10 =	sld [smem:$0x3FAC];
	_ =	sdelay $0x3  }
0x36: {  	p1 =	seq.s32 s10, $0x1;
	s10 =	sld [smem:$0x3FAD];
	_ =	sdelay $0x3  }
0x37: {  	[smem:$0x3FAD] =	sst s10  }
0x38: {  	s10 =	sld [smem:$0x3FAE]  }
0x39: {  	_ = 	snop;
	(pc) =	sbr.ind lr, $3  }
0x3a: {  	_ = 	snop  }
0x3b: {  	_ = 	snop  }
0x3c: {  	p2 =	seq.s32 s10, $0x1;
	s10 =	sld [smem:$0x3FAD]  }
0x3d: {  	_ =	shalt  }
0x3e: {  	_ =	shalt  }
0x3f: {  	_ =	shalt  }
0x40: {  	_ =	shalt  }
0x41: {  	_ =	shalt  }
0x42: {  	_ =	shalt  }
0x43: {  	_ =	shalt  }
0x44: {  	_ =	shalt  }
0x45: {  	_ =	shalt  }
0x46: {  	_ =	shalt  }
0x47: {  	_ =	shalt  }
0x48: {  	_ =	shalt  }
0x49: {  	_ =	shalt  }
0x4a: {  	_ =	shalt  }
0x4b: {  	_ =	shalt  }
0x4c: {  	_ =	shalt  }
0x4d: {  	_ =	shalt  }
0x4e: {  	_ =	shalt  }
0x4f: {  	_ =	shalt  }
0x50: {  	_ =	shalt  }
0x51: {  	_ =	shalt  }
0x52: {  	_ =	shalt  }
0x53: {  	_ =	shalt  }
0x54: {  	_ =	shalt  }
0x55: {  	_ =	shalt  }
0x56: {  	_ =	shalt  }
0x57: {  	_ =	shalt  }
0x58: {  	_ =	shalt  }
0x59: {  	_ =	shalt  }
0x5a: {  	_ =	shalt  }
0x5b: {  	_ =	shalt  }
0x5c: {  	_ =	shalt  }
0x5d: {  	_ =	shalt  }
0x5e: {  	_ =	shalt  }
0x5f: {  	_ =	shalt  }
0x60: {  	_ =	shalt  }
0x61: {  	_ =	shalt  }
0x62: {  	_ =	shalt  }
0x63: {  	_ =	shalt  }
0x64: {  	_ =	shalt  }
0x65: {  	_ =	shalt  }
0x66: {  	_ =	shalt  }
0x67: {  	_ =	shalt  }
0x68: {  	_ =	shalt  }
0x69: {  	_ =	shalt  }
0x6a: {  	_ =	shalt  }
0x6b: {  	_ =	shalt  }
0x6c: {  	_ =	shalt  }
0x6d: {  	_ =	shalt  }
0x6e: {  	_ =	shalt  }
0x6f: {  	_ =	shalt  }
0x70: {  	_ =	shalt  }
0x71: {  	_ =	shalt  }
0x72: {  	_ =	shalt  }
0x73: {  	_ =	shalt  }
0x74: {  	_ =	shalt  }
0x75: {  	_ =	shalt  }
0x76: {  	_ =	shalt  }
0x77: {  	_ =	shalt  }
0x78: {  	_ =	shalt  }
0x79: {  	_ =	shalt  }
0x7a: {  	_ =	shalt  }
0x7b: {  	_ =	shalt  }
0x7c: {  	_ =	shalt  }
0x7d: {  	_ =	shalt  }
0x7e: {  	_ =	shalt  }
0x7f: {  	_ =	shalt  }
0x80: {  	_ =	shalt  }
0x81: {  	_ =	shalt  }
0x82: {  	_ =	shalt  }
0x83: {  	_ =	shalt  }
0x84: {  	_ =	shalt  }
0x85: {  	_ =	shalt  }
0x86: {  	_ =	shalt  }
0x87: {  	_ =	shalt  }
.Lfunc_end0:
.L_simem_size_0:
called_computation.3_lowered:
.L_overlay_start_0:
0x88: {  	s2 =	sld [smem:$0x3FD9]  }
0x89: {  	s3 =	sld [smem:$0x3FFE];
	_ =	sdelay $0x1  }
0x8a: {  	s1 =	srdreg.scid  }
0x8b: {  	s0 =	sand.u32 $0x1, s1  }
0x8c: {  	s16 =	sshll.u32 s0, $0xA;
	s2 =	sadd.s32 s3, s2  }
0x8d: {  	s2 =	sadd.s32 s2, s16  }
0x8e: {  	[smem:$0x3FB9] =	sst s2  }
0x8f: {  	_ = 	snop  }
0x90: {  	(tm) =	ssettm $0x1  }
0x91: {  	s17 =	sld [smem:$0x3FFB];
	_ =	sdelay $0x3  }
0x92: {  	_ =	strace s17  }
0x93: {  	s2 =	sld [smem:$0x3FFC];
	_ =	sdelay $0x3  }
0x94: {  	_ =	strace s2  }
0x95: {  	s2 =	sld [smem:$0x3FFD];
	_ =	sdelay $0x3  }
0x96: {  	_ =	strace s2  }
0x97: {  	_ =	strace $0x8FFFFFFF  }
0x98: {  	s18 =	sld [smem:$0x3FDB];
	_ =	sdelay $0x1  }
0x99: {  	s19 =	simm.s32 $_scs_section_size  }
0x9a: {  	s4 =	simm.s32 $_size__tile_overlayer_lowered;
	s5 =	simm.s32 $_tile_overlayer_lowered  }
0x9b: {  	s22 =	simm.s32 $0x1BFF;
	s21 =	sshll.u32 s5, $0x1;
	s2 =	sadd.s32 s19, s18  }
0x9c: {  	s6 =	simm.s32 $0x0;
	s20 =	sshll.u32 s4, $0x1;
	s4 =	sadd.s32 s21, s2  }
0x9d: {  	[timem:s6], [sflag:s22] =	dma.local [hbm:s4], s20  }
0x9e: {  	_ =	swait.ge [sflag:s22], s20  }
0x9f: {  	s3 =	ssub.s32 $0x0, s20;
	[sflag:s22] =	ssyncset.done $0x0  }
0xa0: {  	[sflag:s22] =	ssyncadd.s32 s3;
	_ =	sdelay $0x1  }
0xa1: {  	s23 =	simm.s32 $0x1B8B  }
0xa2: {  	_ =	swait.ge [sflag:s23], $0x1  }
0xa3: {  	[sflag:s23] =	ssyncset.done $0x0  }
0xa4: {  	s25 =	simm.s32 $0x1B8E;
	s24 =	sld [smem:$0x3FFE];
	[sflag:s23] =	ssyncadd.s32 $0xFFFFFFFF  }
0xa5: {  	s26 =	simm.s32 $execute0_lowered;
	[smem:$0x3FD2] =	sst s25  }
0xa6: {  	s4 =	sshll.u32 s26, $0x1;
	_ =	strace $0x8000004F;
	[dreg:$0x1] =	wrdreg $0xFFFFFFFF  }
0xa7: {  	s28 =	simm.s32 $_size_execute0_lowered;
	s2 =	sadd.s32 s2, s4;
	[dreg:$0x0] =	wrdreg $0x0  }
0xa8: {  	s4 =	sshll.u32 s28, $0x1;
	[dreg:$0x2] =	wrdreg s2  }
0xa9: {  	[dreg:$0x3] =	wrdreg s4  }
0xaa: {  	[dreg:$0x4] =	wrdreg $0xC0  }
0xab: {  	_ =	task [dreg:s6], $0x5FFFF  }
0xac: {  	[dreg:$0x1] =	wrdreg $0xFFFFFFFF  }
0xad: {  	[dreg:$0x0] =	wrdreg $0x60  }
0xae: {  	[dreg:$0x2] =	wrdreg s24  }
0xaf: {  	[dreg:$0x3] =	wrdreg $0x98000  }
0xb0: {  	[dreg:$0x4] =	wrdreg $0x9  }
0xb1: {  	_ =	task.clear_ibuf [dreg:s6], $0x5FFFF;
	_ =	strace $0x9000004F  }
0xb2: {  	s29 =	simm.s32 $0x9;
	_ =	strace $0x80000051  }
0xb3: {  	_ =	swait.ge [sflag:s29], $0x1  }
0xb4: {  	[sflag:s29] =	ssyncadd.s32 $0xFFFFFFFF  }
0xb5: {  	_ =	strace $0x90000051  }
0xb6: {  	_ =	sfence  }
0xb7: {  	s30 =	sld [smem:$0x0];
	_ =	sdelay $0x2  }
0xb8: {  	s31 =	sshll.u32 s1, $0xD;
	s1 =	sshrl.u32 s1, $0x2  }
0xb9: {  	s3 =	sand.u32 $0x4000, s31;
	s1 =	sadd.s32 s1, s30  }
0xba: {  	s0 =	sor.u32 s3, s0;
	s1 =	sshll.u32 s1, $0x11  }
0xbb: {  	s0 =	sor.u32 s1, s0  }
0xbc: {  	s0 =	sadd.s32 $0x8F2B, s0  }
0xbd: {  	[sflag:s0] =	ssyncadd.remote.s32 $0x1  }
0xbe: {  	_ =	sfence.sel $0xFFFF  }
0xbf: {  	[dreg:$0x0] =	wrdreg $0xFFFFFFFF;
	(pc) =	sbr.abs _section_cstart, $3  }
0xc0: {  	[dreg:$0x1] =	wrdreg $0xFFFFFFFF  }
0xc1: {  	_ =	task.clear_ibuf [dreg:s6], $0x2FFFF;
	_ =	strace $0x9FFFFFFF  }
0xc2: {  	(tm) =	ssettm $0x7FFFFFFF  }
0xc3: {  	_ =	shalt  }
tec
execute0_lowered:
.L_overlay_start_1:
0x0: {  	(tag) =	ssettag $0x1  }
0x1: {  	s7 =	rddreg [dreg:$0x0]  }
0x2: {  	s2 =	rddreg [dreg:$0x1];
	s3 =	simm.s32 $0x0;
	s1 =	stileid.u32  }
0x3: {  	s4 =	srdreg.scid;
	s15 =	simm.s32 $0x2000;
	s16 =	simm.s32 $0x80  }
0x4: {  	s17 =	simm.s32 $0x4800;
	s18 =	simm.s32 $0x100;
	s19 =	simm.s32 $0x7000  }
0x5: {  	[smem:$0x7FF] =	sst s3;
	s8 =	smul.u32 $0x13800, s1;
	s9 =	sand.u32 $0x1, s4  }
0x6: {  	s4 =	sadd.s32 $0x2D000, s7;
	s5 =	sadd.s32 $0x5000, s7;
	s6 =	sadd.s32 $0x19000, s7  }
0x7: {  	s12 =	smul.u32 $0x4E000, s1;
	s29 =	sshll.u32 s1, $0x1;
	s31 =	sshll.u32 s1, $0x6  }
0x8: {  	_ =	strace $0x80000050;
	s10 =	smul.u32 $0x138800, s9;
	s26 =	ssub.s32 $0x2, s9  }
0x9: {  	s9 =	sor.u32 s9, s29;
	s11 =	sshrl.u32 s8, $0x3;
	s28 =	sshrl.u32 s26, $0x1  }
0xa: {  	s30 =	sshrl.u32 s12, $0x2;
	s9 =	smul.u32 $0x5000, s9;
	s8 =	sadd.s32 s8, s10  }
0xb: {  	s11 =	sadd.s32 s11, s7;
	s12 =	sadd.s32 s30, s2;
	s8 =	sshrl.u32 s8, $0x3  }
0xc: {  	s14 =	ssub.s32 s26, s28;
	s12 =	sshrl.u32 s12, $0x3;
	s13 =	sadd.s32 s8, s7  }
0xd: {  	s7 =	sadd.s32 $0x54200, s11;
	s8 =	sor.u32 $0x1C04, s31;
	s11 =	smax.u32 s14, $0x1  }
0xe: {  	s14 =	simm.s32 $0x50;
	s10 =	sadd.s32 $0x7B400, s13;
	s13 =	simm.s32 $0x4  }
.LBB2_1:
0xf: {  	[spmem:s12], [sflag:s8] =	dma.local [hbm:s7], $0x2800  }
0x10: {  	_ =	swait.ge [sflag:s13], $0x2800  }
0x11: {  	[sflag:s13] =	ssyncset.done $0x0  }
0x12: {  	[sflag:s13] =	ssyncadd.s32 $0xFFFFD800  }
0x13: {  	s20 =	simm.s32 $0x0;
	[bflag:$0x0] =	sbarrier.arrive $0xFFFF  }
.LBB2_2:
0x14: {  	s21 =	sshll.u32 s20, $0xC  }
0x15: {  	s21 =	sadd.s32 s9, s21  }
0x16: {  	s21 =	sshrl.u32 s21, $0x3  }
0x17: {  	s23 =	simm.s32 $0x0;
	s22 =	sadd.s32 s5, s21  }
0x18: {  	[tilespmem:s23], [sflag:$0x4] =	stream.linear.gather [hbm4b:s22+s23], $0xC80, $0x38;
	[tilespmem:$0x1D080] =	vst v63  }
0x19: {  	_ =	swait.ge [sflag:s13], $0xC80  }
0x1a: {  	s26 =	simm.s32 $0x1000;
	[sflag:s13] =	ssyncset.done $0x0  }
0x1b: {  	s24 =	smul.u32 $0xAB, s23;
	s21 =	sadd.s32 s6, s21;
	[sflag:s13] =	ssyncadd.s32 $0xFFFFF380  }
0x1c: {  	[tilespmem:s26], [sflag:$0x4] =	stream.linear.gather [hbm4b:s21+s23], $0xC80, $0x38;
	[tilespmem:$0x1D080] =	vst v63  }
0x1d: {  	s21 =	sshrl.u32 s24, $0x9;
	_ =	swait.ge [sflag:s13], $0xC80  }
0x1e: {  	s21 =	sand.u32 $0x7F, s21;
	[sflag:s13] =	ssyncset.done $0x0  }
0x1f: {  	s21 =	smul.u32 $0x3, s21;
	[sflag:s13] =	ssyncadd.s32 $0xFFFFF380  }
0x20: {  	[tilespmem:s15], [sflag:$0x1] =	stream.indirect.gather [hbm4b:s4+s14], $0x80, s23, s14, $0xb8;
	[tilespmem:$0x1D080] =	vst v63  }
0x21: {  	s21 =	ssub.s32 $0x0, s21  }
0x22: {  	s25 =	sand.u32 $0xFF, s21  }
0x23: {  	[tilespmem:s17], [sflag:$0x2] =	stream.indirect.gather [hbm4b:s4+s14], $0x80, s16, s14, $0xb8;
	[tilespmem:$0x1D080] =	vst v63  }
0x24: {  	p0 =	por $0x0, $0x0;
	s21 =	simm.s32 $0x1;
	s30 =	smul.u32 $0xA000, s25  }
0x25: {  	s22 =	simm.s32 $0x180;
	s24 =	sadd.s32 $0x1, s25;
	s25 =	smul.u32 $0xAB, s21  }
0x26: {  	[tilespmem:s19], [sflag:$0x3] =	stream.indirect.gather [hbm4b:s4+s14], $0x80, s18, s14, $0xb8;
	[tilespmem:$0x1D080] =	vst v63  }
0x27: {  	s23 =	sshrl.u32 s30, $0x2;
	s28 =	sshrl.u32 s25, $0x9;
	_ =	swait.ge [sflag:s24], $0x2800  }
0x28: {  	s25 =	sadd.s32 $0x2000, s23;
	s31 =	sand.u32 $0x7F, s28;
	[sflag:s24] =	ssyncset.done $0x0  }
0x29: {  	s23 =	simm.s32 $0x1080;
	s28 =	simm.s32 $0x180;
	[sflag:s24] =	ssyncadd.s32 $0xFFFFD800  }
0x2a: {  	[spmem:s2] =	stream.indirect.scatter.add.f32 [tilespmem:s25], [sflag:$0x4], $0x80, s26, s14, $0xb8;
	[tilespmem:$0x1D080] =	vst v63  }
0x2b: {  	s29 =	smul.u32 $0x3, s31;
	s26 =	simm.s32 $0x2;
	_ =	swait.ge [sflag:s13], $0x2800  }
.LBB2_3:
0x2c: {  	[sflag:s13] =	ssyncset.done $0x0;
	s22 =	sadd.s32 $0x80, s22  }
0x2d: {  	s30 =	smov.u32 s21;
	s21 =	smov.u32 s26;
	s26 =	sadd.s32 $0x1, s26  }
0x2e: {  	p1 =	sne.s32 s26, $0x19;
	s29 =	ssub.s32 s30, s29;
	[sflag:s13] =	ssyncadd.s32 $0xFFFFD800  }
0x2f: {  	s31 =	simm.s32 @!p0 $0x50;
	s29 =	sand.u32 $0xFF, s29  }
0x30: {  	s0 =	smul.u32 $0xA000, s29;
	s29 =	sadd.s32 $0x1, s29  }
0x31: {  	[tilespmem:s25], [sflag:s24] =	stream.indirect.gather @!p0 [hbm4b:s4+s31], $0x80, s28, s31, $0xb8;
	[tilespmem:$0x1D080] =	vst v63  }
0x32: {  	s24 =	smul.u32 $0xAB, s21;
	s28 =	smov.u32 s22;
	s0 =	sshrl.u32 s0, $0x2  }
.Ltmp0:
0x33: {  	s25 =	sadd.s32 $0x2000, s0;
	_ =	swait.ge [sflag:s29], $0x2800;
	(pc) =	sbr.rel @p1 .LBB2_3-.Ltmp0, $4  }
0x34: {  	s0 =	sshrl.u32 s24, $0x9;
	s24 =	smov.u32 s29;
	[sflag:s29] =	ssyncset.done $0x0  }
0x35: {  	p0 =	sgt.u32 s30, $0x15;
	s0 =	sand.u32 $0x7F, s0;
	[sflag:s24] =	ssyncadd.s32 $0xFFFFD800  }
0x36: {  	[spmem:s2] =	stream.indirect.scatter.add.f32 [tilespmem:s25], [sflag:$0x4], $0x80, s23, s14, $0xb8;
	[tilespmem:$0x1D080] =	vst v63  }
0x37: {  	s29 =	smul.u32 $0x3, s0;
	s23 =	sadd.s32 $0x80, s23;
	_ =	swait.ge [sflag:s13], $0x2800  }
0x38: {  	_ = 	snop  }
0x39: {  	[sflag:s13] =	ssyncset.done $0x0;
	s0 =	ssub.s32 s21, s29  }
0x3a: {  	s26 =	simm.s32 @!p0 $0x50;
	[sflag:s13] =	ssyncadd.s32 $0xFFFFD800;
	s0 =	sand.u32 $0xFF, s0  }
0x3b: {  	[tilespmem:s25], [sflag:s24] =	stream.indirect.gather @!p0 [hbm4b:s4+s26], $0x80, s28, s26, $0xb8;
	[tilespmem:$0x1D080] =	vst v63  }
0x3c: {  	s30 =	smul.u32 $0xA000, s0;
	s0 =	sadd.s32 $0x1, s0  }
0x3d: {  	_ =	swait.ge [sflag:s0], $0x2800  }
0x3e: {  	s31 =	sshrl.u32 s30, $0x2;
	[sflag:s0] =	ssyncset.done $0x0  }
0x3f: {  	s24 =	sadd.s32 $0x2000, s31;
	[sflag:s0] =	ssyncadd.s32 $0xFFFFD800  }
0x40: {  	[spmem:s2] =	stream.indirect.scatter.add.f32 [tilespmem:s24], [sflag:$0x4], $0x80, s23, s14, $0xb8;
	[tilespmem:$0x1D080] =	vst v63  }
0x41: {  	_ =	swait.ge [sflag:s13], $0x2800  }
0x42: {  	s20 =	sadd.s32 $0x1, s20;
	p0 =	sgt.u32 s21, $0x15;
	[sflag:s13] =	ssyncset.done $0x0  }
0x43: {  	s21 =	sadd.s32 $0x80, s22;
	s22 =	simm.s32 @!p0 $0x50;
	[sflag:s13] =	ssyncadd.s32 $0xFFFFD800  }
0x44: {  	[tilespmem:s24], [sflag:s0] =	stream.indirect.gather @!p0 [hbm4b:s4+s22], $0x80, s21, s22, $0xb8;
	[tilespmem:$0x1D080] =	vst v63  }
0x45: {  	p0 =	sne.s32 s20, $0x5  }
.Ltmp1:
0x46: {  	_ = 	snop;
	(pc) =	sbr.rel @p0 .LBB2_2-.Ltmp1, $1  }
0x47: {  	_ =	sdelay $0x3  }
0x48: {  	s3 =	sadd.s32 $0x1, s3  }
0x49: {  	p0 =	sne.s32 s3, s11  }
.Ltmp2:
0x4a: {  	[bflag:$0x0] =	sbarrier.arrive $0xFFFF;
	(pc) =	sbr.rel @p0 .LBB2_1-.Ltmp2, $4  }
0x4b: {  	[hbm:s10], [sflag:s8] =	dma.local [spmem:s12], $0x2800  }
0x4c: {  	_ =	swait.ge [sflag:s13], $0x2800  }
0x4d: {  	[sflag:s13] =	ssyncset.done $0x0  }
0x4e: {  	[sflag:s13] =	ssyncadd.s32 $0xFFFFD800  }
0x4f: {  	_ =	sfence.sel $0x180000  }
0x50: {  	[bflag:$0x0] =	sbarrier.arrive $0xFFFF  }
0x51: {  	_ =	strace $0x90000050  }
0x52: {  	[bflag:$0x2] =	sbarrier.arrive $0xFFFF  }
0x53: {  	p0 =	sne.s32 s1, $0x0;
	s0 =	rddreg [dreg:$0x2]  }
0x54: {  	s0 =	sadd.s32 @!p0 $0x100000, s0  }
0x55: {  	[sflag:s0] =	ssyncadd.tile.s32 @!p0 $0x1;
	_ =	shalt  }
.Lfunc_end2:
_tile_overlayer_lowered:
.L_overlay_start_2:
0x56: {  	(tag) =	ssettag $0x2  }
0x57: {  	s0 =	rddreg [dreg:$0x0];
	s2 =	stileid.u32  }
0x58: {  	s1 =	rddreg [dreg:$0x1];
	p0 =	sne.s32 s2, $0x0  }
0x59: {  	s3 =	rddreg [dreg:$0x2];
	[bflag:$0x3] =	sbarrier.arrive $0xFFFF;
	s2 =	simm.s32 @!p0 $0x1C04  }
0x5a: {  	[timem:s3], [sflag:s2] =	dma.local @!p0 [hbm:s0], s1  }
0x5b: {  	s0 =	simm.s32 @!p0 $0x4  }
0x5c: {  	_ =	swait.ge @!p0 [sflag:s0], s1  }
0x5d: {  	s1 =	ssub.s32 @!p0 $0x0, s1;
	[sflag:s0] =	ssyncset.done @!p0 $0x0  }
0x5e: {  	[sflag:s0] =	ssyncadd.s32 @!p0 s1  }
0x5f: {  	[bflag:$0x3] =	sbarrier.arrive $0xFFFF  }
0x60: {  	_ =	shalt  }

// kernel: kernel.26.cloned.1.call-start
scs
__scs_entry_jumppad:
0x0: {  	(pc) =	sbr.rel $0x88, $3  }
0x1: {  	(tag) =	ssettag $0x0;
	lr =	simm.s32 $0x1  }
0x2: {  	[smem:$0x3F92] =	sst lr;
	_ =	strace $0xD0000000  }
0x3: {  	_ = 	snop  }
0x4: {  	_ = 	snop  }
0x5: {  	_ = 	snop  }
0x6: {  	_ = 	snop  }
0x7: {  	_ = 	snop  }
__scs_overlays_trampoline_lowered:
0x8: {  	[smem:$0x3FA1] =	sst s0  }
0x9: {  	[smem:$0x3FA2] =	sst s1  }
0xa: {  	[smem:$0x3FA3] =	sst s2  }
0xb: {  	[smem:$0x3FA4] =	sst s3  }
0xc: {  	[smem:$0x3FA5] =	sst s4  }
0xd: {  	[smem:$0x3FA6] =	sst s5  }
0xe: {  	[smem:$0x3FA7] =	sst s6  }
0xf: {  	[smem:$0x3FA8] =	sst s7  }
0x10: {  	[smem:$0x3FA9] =	sst s8  }
0x11: {  	[smem:$0x3FAA] =	sst s9;
	s0 =	simm.s32 @!p0 $0x0  }
0x12: {  	s1 =	sld [smem:$0x3F90];
	s0 =	simm.s32 @p0 $0x1  }
0x13: {  	[smem:$0x3FAB] =	sst s0;
	s0 =	simm.s32 @!p1 $0x0  }
0x14: {  	s2 =	sld [smem:$0x3F8F];
	s0 =	simm.s32 @p1 $0x1  }
0x15: {  	[smem:$0x3FAC] =	sst s0;
	s0 =	simm.s32 @!p2 $0x0  }
0x16: {  	s3 =	sld [smem:$0x3FDB];
	s0 =	simm.s32 @p2 $0x1  }
0x17: {  	s4 =	simm.s32 $0x1BF5;
	[smem:$0x3FAE] =	sst s0  }
0x18: {  	s0 =	sld [smem:$0x3F91];
	_ =	swait.ge [sflag:s4], $0x0  }
0x19: {  	s7 =	sld [smem:$0x3F92]  }
0x1a: {  	s8 =	sadd.s32 $0xFFFFE003, lr  }
0x1b: {  	s9 =	sadd.s32 $0xFFFFFEF7, lr;
	s5 =	simm.s32 $0xFFFFFFFF;
	p2 =	slt.u32 s8, $0xFFFFF086  }
0x1c: {  	p1 =	slt.u32 s9, $0xF7A;
	s5 =	simm.s32 @!p2 $0x0  }
0x1d: {  	s5 =	simm.s32 @p1 $0x1;
	p0 =	seq.s32 s7, s2  }
0x1e: {  	s7 =	smul.u32 @!p0 $0xF7A, s2;
	p2 =	seq.s32 @!p0 s5, $0x0  }
0x1f: {  	s9 =	smul.u32 $0xF7A, s1;
	s8 =	simm.s32 @!p0 $0x1BF5;
	p2 =	por !p2, p0  }
0x20: {  	[sflag:s8] =	ssyncset.s32 @!p0 $0xFFFFF086;
	s6 =	sadd.s32 @!p0 s3, s7;
	s7 =	simm.s32 @!p0 $0x108  }
0x21: {  	s3 =	sadd.s32 s3, s9;
	s6 =	sadd.s32 @!p0 $0x88, s6;
	s7 =	simm.s32 @p2 $0x1082  }
0x22: {  	[simem:s7], [sflag:s8] =	dma.local @!p0 [hbm:s6], $0xF7A  }
0x23: {  	s9 =	sor.u32 $0xD0000000, s2;
	s6 =	simm.s32 $0x108;
	_ =	swait.ge @!p0 [sflag:s8], $0x0  }
0x24: {  	s3 =	sadd.s32 $0x88, s3;
	s6 =	simm.s32 @!p1 $0x1082;
	[sflag:s4] =	ssyncset.s32 $0xFFFFF086  }
0x25: {  	[simem:s6], [sflag:s4] =	dma.local [hbm:s3], $0xF7A  }
0x26: {  	[smem:$0x3F92] =	sst s1;
	(tag) =	ssettag s2;
	_ =	strace s9  }
0x27: {  	s1 =	sld [smem:$0x3FA2]  }
0x28: {  	s2 =	sld [smem:$0x3FA3]  }
0x29: {  	s4 =	sld [smem:$0x3FA5]  }
0x2a: {  	p0 =	seq.s32 s5, $0x0;
	s5 =	sld [smem:$0x3FA6]  }
0x2b: {  	s6 =	sld [smem:$0x3FA7]  }
0x2c: {  	s7 =	sld [smem:$0x3FA8]  }
0x2d: {  	s3 =	simm.s32 $0x108;
	s8 =	sld [smem:$0x3FA9]  }
0x2e: {  	s3 =	simm.s32 @!p0 $0x1082;
	s9 =	sld [smem:$0x3FAA]  }
0x2f: {  	lr =	sadd.s32 s0, s3;
	s0 =	sld [smem:$0x3FA1]  }
0x30: {  	s3 =	sld [smem:$0x3FA4]  }
0x31: {  	[smem:$0x3FAD] =	sst s10  }
0x32: {  	s10 =	sld [smem:$0x3FAB];
	_ =	sdelay $0x3  }
0x33: {  	p0 =	seq.s32 s10, $0x1;
	s10 =	sld [smem:$0x3FAD];
	_ =	sdelay $0x3  }
0x34: {  	[smem:$0x3FAD] =	sst s10  }
0x35: {  	s10 =	sld [smem:$0x3FAC];
	_ =	sdelay $0x3  }
0x36: {  	p1 =	seq.s32 s10, $0x1;
	s10 =	sld [smem:$0x3FAD];
	_ =	sdelay $0x3  }
0x37: {  	[smem:$0x3FAD] =	sst s10  }
0x38: {  	s10 =	sld [smem:$0x3FAE]  }
0x39: {  	_ = 	snop;
	(pc) =	sbr.ind lr, $3  }
0x3a: {  	_ = 	snop  }
0x3b: {  	_ = 	snop  }
0x3c: {  	p2 =	seq.s32 s10, $0x1;
	s10 =	sld [smem:$0x3FAD]  }
0x3d: {  	_ =	shalt  }
0x3e: {  	_ =	shalt  }
0x3f: {  	_ =	shalt  }
0x40: {  	_ =	shalt  }
0x41: {  	_ =	shalt  }
0x42: {  	_ =	shalt  }
0x43: {  	_ =	shalt  }
0x44: {  	_ =	shalt  }
0x45: {  	_ =	shalt  }
0x46: {  	_ =	shalt  }
0x47: {  	_ =	shalt  }
0x48: {  	_ =	shalt  }
0x49: {  	_ =	shalt  }
0x4a: {  	_ =	shalt  }
0x4b: {  	_ =	shalt  }
0x4c: {  	_ =	shalt  }
0x4d: {  	_ =	shalt  }
0x4e: {  	_ =	shalt  }
0x4f: {  	_ =	shalt  }
0x50: {  	_ =	shalt  }
0x51: {  	_ =	shalt  }
0x52: {  	_ =	shalt  }
0x53: {  	_ =	shalt  }
0x54: {  	_ =	shalt  }
0x55: {  	_ =	shalt  }
0x56: {  	_ =	shalt  }
0x57: {  	_ =	shalt  }
0x58: {  	_ =	shalt  }
0x59: {  	_ =	shalt  }
0x5a: {  	_ =	shalt  }
0x5b: {  	_ =	shalt  }
0x5c: {  	_ =	shalt  }
0x5d: {  	_ =	shalt  }
0x5e: {  	_ =	shalt  }
0x5f: {  	_ =	shalt  }
0x60: {  	_ =	shalt  }
0x61: {  	_ =	shalt  }
0x62: {  	_ =	shalt  }
0x63: {  	_ =	shalt  }
0x64: {  	_ =	shalt  }
0x65: {  	_ =	shalt  }
0x66: {  	_ =	shalt  }
0x67: {  	_ =	shalt  }
0x68: {  	_ =	shalt  }
0x69: {  	_ =	shalt  }
0x6a: {  	_ =	shalt  }
0x6b: {  	_ =	shalt  }
0x6c: {  	_ =	shalt  }
0x6d: {  	_ =	shalt  }
0x6e: {  	_ =	shalt  }
0x6f: {  	_ =	shalt  }
0x70: {  	_ =	shalt  }
0x71: {  	_ =	shalt  }
0x72: {  	_ =	shalt  }
0x73: {  	_ =	shalt  }
0x74: {  	_ =	shalt  }
0x75: {  	_ =	shalt  }
0x76: {  	_ =	shalt  }
0x77: {  	_ =	shalt  }
0x78: {  	_ =	shalt  }
0x79: {  	_ =	shalt  }
0x7a: {  	_ =	shalt  }
0x7b: {  	_ =	shalt  }
0x7c: {  	_ =	shalt  }
0x7d: {  	_ =	shalt  }
0x7e: {  	_ =	shalt  }
0x7f: {  	_ =	shalt  }
0x80: {  	_ =	shalt  }
0x81: {  	_ =	shalt  }
0x82: {  	_ =	shalt  }
0x83: {  	_ =	shalt  }
0x84: {  	_ =	shalt  }
0x85: {  	_ =	shalt  }
0x86: {  	_ =	shalt  }
0x87: {  	_ =	shalt  }
.Lfunc_end0:
.L_simem_size_0:
called_computation.4_lowered:
.L_overlay_start_0:
0x88: {  	s2 =	sld [smem:$0x3FD9]  }
0x89: {  	s3 =	sld [smem:$0x3FFE];
	_ =	sdelay $0x1  }
0x8a: {  	s1 =	srdreg.scid  }
0x8b: {  	s0 =	sand.u32 $0x1, s1  }
0x8c: {  	s16 =	sshll.u32 s0, $0xA;
	s2 =	sadd.s32 s3, s2  }
0x8d: {  	s2 =	sadd.s32 s2, s16  }
0x8e: {  	[smem:$0x3FB9] =	sst s2  }
0x8f: {  	_ = 	snop  }
0x90: {  	(tm) =	ssettm $0x1  }
0x91: {  	s17 =	sld [smem:$0x3FFB];
	_ =	sdelay $0x3  }
0x92: {  	_ =	strace s17  }
0x93: {  	s2 =	sld [smem:$0x3FFC];
	_ =	sdelay $0x3  }
0x94: {  	_ =	strace s2  }
0x95: {  	s2 =	sld [smem:$0x3FFD];
	_ =	sdelay $0x3  }
0x96: {  	_ =	strace s2  }
0x97: {  	_ =	strace $0x8FFFFFFF  }
0x98: {  	s18 =	sld [smem:$0x3FDB];
	_ =	sdelay $0x1  }
0x99: {  	s19 =	simm.s32 $_scs_section_size  }
0x9a: {  	s4 =	simm.s32 $_size__tile_overlayer_lowered;
	s5 =	simm.s32 $_tile_overlayer_lowered  }
0x9b: {  	s22 =	simm.s32 $0x1BFF;
	s21 =	sshll.u32 s5, $0x1;
	s2 =	sadd.s32 s19, s18  }
0x9c: {  	s6 =	simm.s32 $0x0;
	s20 =	sshll.u32 s4, $0x1;
	s4 =	sadd.s32 s21, s2  }
0x9d: {  	[timem:s6], [sflag:s22] =	dma.local [hbm:s4], s20  }
0x9e: {  	_ =	swait.ge [sflag:s22], s20  }
0x9f: {  	s3 =	ssub.s32 $0x0, s20;
	[sflag:s22] =	ssyncset.done $0x0  }
0xa0: {  	[sflag:s22] =	ssyncadd.s32 s3;
	_ =	sdelay $0x1  }
0xa1: {  	s23 =	simm.s32 $0x1B8B  }
0xa2: {  	_ =	swait.ge [sflag:s23], $0x1  }
0xa3: {  	[sflag:s23] =	ssyncset.done $0x0  }
0xa4: {  	s25 =	simm.s32 $0x1B8E;
	s24 =	sld [smem:$0x3FFE];
	[sflag:s23] =	ssyncadd.s32 $0xFFFFFFFF  }
0xa5: {  	s26 =	simm.s32 $execute0_lowered;
	[smem:$0x3FD2] =	sst s25  }
0xa6: {  	s4 =	sshll.u32 s26, $0x1;
	_ =	strace $0x80000052;
	[dreg:$0x1] =	wrdreg $0xFFFFFFFF  }
0xa7: {  	s28 =	simm.s32 $_size_execute0_lowered;
	s2 =	sadd.s32 s2, s4;
	[dreg:$0x0] =	wrdreg $0x0  }
0xa8: {  	s4 =	sshll.u32 s28, $0x1;
	[dreg:$0x2] =	wrdreg s2  }
0xa9: {  	[dreg:$0x3] =	wrdreg s4  }
0xaa: {  	[dreg:$0x4] =	wrdreg $0xC0  }
0xab: {  	_ =	task [dreg:s6], $0x5FFFF  }
0xac: {  	[dreg:$0x1] =	wrdreg $0xFFFFFFFF  }
0xad: {  	[dreg:$0x0] =	wrdreg $0x60  }
0xae: {  	[dreg:$0x2] =	wrdreg s24  }
0xaf: {  	[dreg:$0x3] =	wrdreg $0x98000  }
0xb0: {  	[dreg:$0x4] =	wrdreg $0x9  }
0xb1: {  	_ =	task.clear_ibuf [dreg:s6], $0x5FFFF;
	_ =	strace $0x90000052  }
0xb2: {  	s29 =	simm.s32 $0x9;
	_ =	strace $0x80000054  }
0xb3: {  	_ =	swait.ge [sflag:s29], $0x1  }
0xb4: {  	[sflag:s29] =	ssyncadd.s32 $0xFFFFFFFF  }
0xb5: {  	_ =	strace $0x90000054  }
0xb6: {  	_ =	sfence  }
0xb7: {  	s30 =	sld [smem:$0x0];
	_ =	sdelay $0x2  }
0xb8: {  	s31 =	sshll.u32 s1, $0xD;
	s1 =	sshrl.u32 s1, $0x2  }
0xb9: {  	s3 =	sand.u32 $0x4000, s31;
	s1 =	sadd.s32 s1, s30  }
0xba: {  	s0 =	sor.u32 s3, s0;
	s1 =	sshll.u32 s1, $0x11  }
0xbb: {  	s0 =	sor.u32 s1, s0  }
0xbc: {  	s0 =	sadd.s32 $0x8F2B, s0  }
0xbd: {  	[sflag:s0] =	ssyncadd.remote.s32 $0x1  }
0xbe: {  	_ =	sfence.sel $0xFFFF  }
0xbf: {  	[dreg:$0x0] =	wrdreg $0xFFFFFFFF;
	(pc) =	sbr.abs _section_cstart, $3  }
0xc0: {  	[dreg:$0x1] =	wrdreg $0xFFFFFFFF  }
0xc1: {  	_ =	task.clear_ibuf [dreg:s6], $0x2FFFF;
	_ =	strace $0x9FFFFFFF  }
0xc2: {  	(tm) =	ssettm $0x7FFFFFFF  }
0xc3: {  	_ =	shalt  }
tec
execute0_lowered:
.L_overlay_start_1:
0x0: {  	(tag) =	ssettag $0x1  }
0x1: {  	s7 =	rddreg [dreg:$0x0]  }
0x2: {  	s2 =	rddreg [dreg:$0x1];
	s3 =	simm.s32 $0x0;
	s1 =	stileid.u32  }
0x3: {  	s4 =	srdreg.scid;
	s15 =	simm.s32 $0x2000;
	s16 =	simm.s32 $0x80  }
0x4: {  	s17 =	simm.s32 $0x4800;
	s18 =	simm.s32 $0x100;
	s19 =	simm.s32 $0x7000  }
0x5: {  	[smem:$0x7FF] =	sst s3;
	s8 =	smul.u32 $0x13800, s1;
	s9 =	sand.u32 $0x1, s4  }
0x6: {  	s4 =	sadd.s32 $0x2D000, s7;
	s5 =	sadd.s32 $0x5000, s7;
	s6 =	sadd.s32 $0x19000, s7  }
0x7: {  	s12 =	smul.u32 $0x4E000, s1;
	s29 =	sshll.u32 s1, $0x1;
	s31 =	sshll.u32 s1, $0x6  }
0x8: {  	_ =	strace $0x80000053;
	s10 =	smul.u32 $0x138800, s9;
	s26 =	ssub.s32 $0x2, s9  }
0x9: {  	s9 =	sor.u32 s9, s29;
	s11 =	sshrl.u32 s8, $0x3;
	s28 =	sshrl.u32 s26, $0x1  }
0xa: {  	s30 =	sshrl.u32 s12, $0x2;
	s9 =	smul.u32 $0x5000, s9;
	s8 =	sadd.s32 s8, s10  }
0xb: {  	s11 =	sadd.s32 s11, s7;
	s12 =	sadd.s32 s30, s2;
	s8 =	sshrl.u32 s8, $0x3  }
0xc: {  	s14 =	ssub.s32 s26, s28;
	s12 =	sshrl.u32 s12, $0x3;
	s13 =	sadd.s32 s8, s7  }
0xd: {  	s7 =	sadd.s32 $0x54200, s11;
	s8 =	sor.u32 $0x1C04, s31;
	s11 =	smax.u32 s14, $0x1  }
0xe: {  	s14 =	simm.s32 $0x50;
	s10 =	sadd.s32 $0x7B400, s13;
	s13 =	simm.s32 $0x4  }
.LBB2_1:
0xf: {  	[spmem:s12], [sflag:s8] =	dma.local [hbm:s7], $0x2800  }
0x10: {  	_ =	swait.ge [sflag:s13], $0x2800  }
0x11: {  	[sflag:s13] =	ssyncset.done $0x0  }
0x12: {  	[sflag:s13] =	ssyncadd.s32 $0xFFFFD800  }
0x13: {  	s20 =	simm.s32 $0x0;
	[bflag:$0x0] =	sbarrier.arrive $0xFFFF  }
.LBB2_2:
0x14: {  	s21 =	sshll.u32 s20, $0xC  }
0x15: {  	s21 =	sadd.s32 s9, s21  }
0x16: {  	s21 =	sshrl.u32 s21, $0x3  }
0x17: {  	s23 =	simm.s32 $0x0;
	s22 =	sadd.s32 s5, s21  }
0x18: {  	[tilespmem:s23], [sflag:$0x4] =	stream.linear.gather [hbm4b:s22+s23], $0xC80, $0x38;
	[tilespmem:$0x1D080] =	vst v63  }
0x19: {  	_ =	swait.ge [sflag:s13], $0xC80  }
0x1a: {  	s26 =	simm.s32 $0x1000;
	[sflag:s13] =	ssyncset.done $0x0  }
0x1b: {  	s24 =	smul.u32 $0xAB, s23;
	s21 =	sadd.s32 s6, s21;
	[sflag:s13] =	ssyncadd.s32 $0xFFFFF380  }
0x1c: {  	[tilespmem:s26], [sflag:$0x4] =	stream.linear.gather [hbm4b:s21+s23], $0xC80, $0x38;
	[tilespmem:$0x1D080] =	vst v63  }
0x1d: {  	s21 =	sshrl.u32 s24, $0x9;
	_ =	swait.ge [sflag:s13], $0xC80  }
0x1e: {  	s21 =	sand.u32 $0x7F, s21;
	[sflag:s13] =	ssyncset.done $0x0  }
0x1f: {  	s21 =	smul.u32 $0x3, s21;
	[sflag:s13] =	ssyncadd.s32 $0xFFFFF380  }
0x20: {  	[tilespmem:s15], [sflag:$0x1] =	stream.indirect.gather [hbm4b:s4+s14], $0x80, s23, s14, $0xb8;
	[tilespmem:$0x1D080] =	vst v63  }
0x21: {  	s21 =	ssub.s32 $0x0, s21  }
0x22: {  	s25 =	sand.u32 $0xFF, s21  }
0x23: {  	[tilespmem:s17], [sflag:$0x2] =	stream.indirect.gather [hbm4b:s4+s14], $0x80, s16, s14, $0xb8;
	[tilespmem:$0x1D080] =	vst v63  }
0x24: {  	p0 =	por $0x0, $0x0;
	s21 =	simm.s32 $0x1;
	s30 =	smul.u32 $0xA000, s25  }
0x25: {  	s22 =	simm.s32 $0x180;
	s24 =	sadd.s32 $0x1, s25;
	s25 =	smul.u32 $0xAB, s21  }
0x26: {  	[tilespmem:s19], [sflag:$0x3] =	stream.indirect.gather [hbm4b:s4+s14], $0x80, s18, s14, $0xb8;
	[tilespmem:$0x1D080] =	vst v63  }
0x27: {  	s23 =	sshrl.u32 s30, $0x2;
	s28 =	sshrl.u32 s25, $0x9;
	_ =	swait.ge [sflag:s24], $0x2800  }
0x28: {  	s25 =	sadd.s32 $0x2000, s23;
	s31 =	sand.u32 $0x7F, s28;
	[sflag:s24] =	ssyncset.done $0x0  }
0x29: {  	s23 =	simm.s32 $0x1080;
	s28 =	simm.s32 $0x180;
	[sflag:s24] =	ssyncadd.s32 $0xFFFFD800  }
0x2a: {  	[spmem:s2] =	stream.indirect.scatter.add.f32 [tilespmem:s25], [sflag:$0x4], $0x80, s26, s14, $0xb8;
	[tilespmem:$0x1D080] =	vst v63  }
0x2b: {  	s29 =	smul.u32 $0x3, s31;
	s26 =	simm.s32 $0x2;
	_ =	swait.ge [sflag:s13], $0x2800  }
.LBB2_3:
0x2c: {  	[sflag:s13] =	ssyncset.done $0x0;
	s22 =	sadd.s32 $0x80, s22  }
0x2d: {  	s30 =	smov.u32 s21;
	s21 =	smov.u32 s26;
	s26 =	sadd.s32 $0x1, s26  }
0x2e: {  	p1 =	sne.s32 s26, $0x19;
	s29 =	ssub.s32 s30, s29;
	[sflag:s13] =	ssyncadd.s32 $0xFFFFD800  }
0x2f: {  	s31 =	simm.s32 @!p0 $0x50;
	s29 =	sand.u32 $0xFF, s29  }
0x30: {  	s0 =	smul.u32 $0xA000, s29;
	s29 =	sadd.s32 $0x1, s29  }
0x31: {  	[tilespmem:s25], [sflag:s24] =	stream.indirect.gather @!p0 [hbm4b:s4+s31], $0x80, s28, s31, $0xb8;
	[tilespmem:$0x1D080] =	vst v63  }
0x32: {  	s24 =	smul.u32 $0xAB, s21;
	s28 =	smov.u32 s22;
	s0 =	sshrl.u32 s0, $0x2  }
.Ltmp0:
0x33: {  	s25 =	sadd.s32 $0x2000, s0;
	_ =	swait.ge [sflag:s29], $0x2800;
	(pc) =	sbr.rel @p1 .LBB2_3-.Ltmp0, $4  }
0x34: {  	s0 =	sshrl.u32 s24, $0x9;
	s24 =	smov.u32 s29;
	[sflag:s29] =	ssyncset.done $0x0  }
0x35: {  	p0 =	sgt.u32 s30, $0x15;
	s0 =	sand.u32 $0x7F, s0;
	[sflag:s24] =	ssyncadd.s32 $0xFFFFD800  }
0x36: {  	[spmem:s2] =	stream.indirect.scatter.add.f32 [tilespmem:s25], [sflag:$0x4], $0x80, s23, s14, $0xb8;
	[tilespmem:$0x1D080] =	vst v63  }
0x37: {  	s29 =	smul.u32 $0x3, s0;
	s23 =	sadd.s32 $0x80, s23;
	_ =	swait.ge [sflag:s13], $0x2800  }
0x38: {  	_ = 	snop  }
0x39: {  	[sflag:s13] =	ssyncset.done $0x0;
	s0 =	ssub.s32 s21, s29  }
0x3a: {  	s26 =	simm.s32 @!p0 $0x50;
	[sflag:s13] =	ssyncadd.s32 $0xFFFFD800;
	s0 =	sand.u32 $0xFF, s0  }
0x3b: {  	[tilespmem:s25], [sflag:s24] =	stream.indirect.gather @!p0 [hbm4b:s4+s26], $0x80, s28, s26, $0xb8;
	[tilespmem:$0x1D080] =	vst v63  }
0x3c: {  	s30 =	smul.u32 $0xA000, s0;
	s0 =	sadd.s32 $0x1, s0  }
0x3d: {  	_ =	swait.ge [sflag:s0], $0x2800  }
0x3e: {  	s31 =	sshrl.u32 s30, $0x2;
	[sflag:s0] =	ssyncset.done $0x0  }
0x3f: {  	s24 =	sadd.s32 $0x2000, s31;
	[sflag:s0] =	ssyncadd.s32 $0xFFFFD800  }
0x40: {  	[spmem:s2] =	stream.indirect.scatter.add.f32 [tilespmem:s24], [sflag:$0x4], $0x80, s23, s14, $0xb8;
	[tilespmem:$0x1D080] =	vst v63  }
0x41: {  	_ =	swait.ge [sflag:s13], $0x2800  }
0x42: {  	s20 =	sadd.s32 $0x1, s20;
	p0 =	sgt.u32 s21, $0x15;
	[sflag:s13] =	ssyncset.done $0x0  }
0x43: {  	s21 =	sadd.s32 $0x80, s22;
	s22 =	simm.s32 @!p0 $0x50;
	[sflag:s13] =	ssyncadd.s32 $0xFFFFD800  }
0x44: {  	[tilespmem:s24], [sflag:s0] =	stream.indirect.gather @!p0 [hbm4b:s4+s22], $0x80, s21, s22, $0xb8;
	[tilespmem:$0x1D080] =	vst v63  }
0x45: {  	p0 =	sne.s32 s20, $0x5  }
.Ltmp1:
0x46: {  	_ = 	snop;
	(pc) =	sbr.rel @p0 .LBB2_2-.Ltmp1, $1  }
0x47: {  	_ =	sdelay $0x3  }
0x48: {  	s3 =	sadd.s32 $0x1, s3  }
0x49: {  	p0 =	sne.s32 s3, s11  }
.Ltmp2:
0x4a: {  	[bflag:$0x0] =	sbarrier.arrive $0xFFFF;
	(pc) =	sbr.rel @p0 .LBB2_1-.Ltmp2, $4  }
0x4b: {  	[hbm:s10], [sflag:s8] =	dma.local [spmem:s12], $0x2800  }
0x4c: {  	_ =	swait.ge [sflag:s13], $0x2800  }
0x4d: {  	[sflag:s13] =	ssyncset.done $0x0  }
0x4e: {  	[sflag:s13] =	ssyncadd.s32 $0xFFFFD800  }
0x4f: {  	_ =	sfence.sel $0x180000  }
0x50: {  	[bflag:$0x0] =	sbarrier.arrive $0xFFFF  }
0x51: {  	_ =	strace $0x90000053  }
0x52: {  	[bflag:$0x2] =	sbarrier.arrive $0xFFFF  }
0x53: {  	p0 =	sne.s32 s1, $0x0;
	s0 =	rddreg [dreg:$0x2]  }
0x54: {  	s0 =	sadd.s32 @!p0 $0x100000, s0  }
0x55: {  	[sflag:s0] =	ssyncadd.tile.s32 @!p0 $0x1;
	_ =	shalt  }
.Lfunc_end2:
_tile_overlayer_lowered:
.L_overlay_start_2:
0x56: {  	(tag) =	ssettag $0x2  }
0x57: {  	s0 =	rddreg [dreg:$0x0];
	s2 =	stileid.u32  }
0x58: {  	s1 =	rddreg [dreg:$0x1];
	p0 =	sne.s32 s2, $0x0  }
0x59: {  	s3 =	rddreg [dreg:$0x2];
	[bflag:$0x3] =	sbarrier.arrive $0xFFFF;
	s2 =	simm.s32 @!p0 $0x1C04  }
0x5a: {  	[timem:s3], [sflag:s2] =	dma.local @!p0 [hbm:s0], s1  }
0x5b: {  	s0 =	simm.s32 @!p0 $0x4  }
0x5c: {  	_ =	swait.ge @!p0 [sflag:s0], s1  }
0x5d: {  	s1 =	ssub.s32 @!p0 $0x0, s1;
	[sflag:s0] =	ssyncset.done @!p0 $0x0  }
0x5e: {  	[sflag:s0] =	ssyncadd.s32 @!p0 s1  }
0x5f: {  	[bflag:$0x3] =	sbarrier.arrive $0xFFFF  }
0x60: {  	_ =	shalt  }

</sc_bundles>
